<compile_context>
chip_gen: v7x
topology: tpu7x:2x2x1
jax: 0.10.2.dev20260603
libtpu: 0.0.44.dev20260713+nightly
codegen_flags: <defaults>
</compile_context>

<pallas_src>
import functools

import jax
import jax.numpy as jnp
from jax import lax
from jax.experimental import pallas as pl
from jax.experimental.pallas import tpu as pltpu
from jax.experimental.pallas import tpu_sc as plsc

NC = 2
NS = 16
NW = NC * NS

D_FEAT = 128
D_EDGE = 16
D_GLOB = 16
D_OUT = D_EDGE + 2 * D_FEAT + D_GLOB
CT = D_OUT // 8
G = 64
GP = G + 1
NBUF = 4
L = 16


def _edge_block(x, ea4, g4, recv_idx, send_idx, E):
    RB = E // 128
    S = E // G
    base_steps = S // NW
    extra = S - base_steps * NW
    nsuper = base_steps // NBUF

    mesh = plsc.VectorSubcoreMesh(core_axis_name="c", subcore_axis_name="s")

    scratch = (
        [pltpu.VMEM((G, D_FEAT), jnp.float32) for _ in range(NBUF)]
        + [pltpu.VMEM((CT, 8, GP), jnp.float32) for _ in range(NBUF)]
        + [pltpu.VMEM((G,), jnp.int32) for _ in range(2 * NBUF)]
        + [pltpu.SemaphoreType.DMA for _ in range(5 * NBUF)]
    )

    @functools.partial(
        pl.kernel,
        mesh=mesh,
        out_type=jax.ShapeDtypeStruct((CT, RB, 8, D_FEAT), jnp.float32),
        compiler_params=pltpu.CompilerParams(
            use_tc_tiling_on_sc=False, needs_layout_passes=False),
        scratch_types=scratch,
    )
    def k(x_hbm, ea4_hbm, g4_hbm, r_hbm, s_hbm, out4, *scr):
        gbuf = scr[0:NBUF]
        tile_v = scr[NBUF:2 * NBUF]
        idxr_v = scr[2 * NBUF:3 * NBUF]
        idxs_v = scr[3 * NBUF:4 * NBUF]
        si = scr[4 * NBUF:5 * NBUF]
        sr = scr[5 * NBUF:6 * NBUF]
        sgr = scr[6 * NBUF:7 * NBUF]
        sgs = scr[7 * NBUF:8 * NBUF]
        sw = scr[8 * NBUF:9 * NBUF]

        wid = lax.axis_index("s") * NC + lax.axis_index("c")
        start = base_steps * wid + jnp.minimum(wid, extra)

        for b in range(NBUF):
            pltpu.sync_copy(
                g4_hbm,
                tile_v[b].at[pl.ds(CT - 2, 2), pl.ds(0, 8), pl.ds(0, G)])

        iota = lax.iota(jnp.int32, L)
        t_lo = iota // 8
        c_id = iota % 8

        def issue_reads(l, b):
            s = start + l
            r_hi = s // 2
            r_lo0 = (s % 2) * G
            e = s * G
            pltpu.async_copy(r_hbm.at[pl.ds(e, G)], idxr_v[b], si[b])
            pltpu.async_copy(s_hbm.at[pl.ds(e, G)], idxs_v[b], si[b])
            pltpu.async_copy(
                ea4_hbm.at[pl.ds(0, 2), r_hi, pl.ds(0, 8), pl.ds(r_lo0, G)],
                tile_v[b].at[pl.ds(0, 2), pl.ds(0, 8), pl.ds(0, G)], sr[b])

        def wait_idx(b):
            pltpu.make_async_copy(
                r_hbm.at[pl.ds(0, G)], idxr_v[b], si[b]).wait()
            pltpu.make_async_copy(
                s_hbm.at[pl.ds(0, G)], idxs_v[b], si[b]).wait()

        def wait_gather(b, sem):
            pltpu.make_async_copy(
                x_hbm.at[pl.ds(0, G)], gbuf[b], sem[b]).wait()

        def wait_ea(b):
            pltpu.make_async_copy(
                ea4_hbm.at[pl.ds(0, 2), 0, pl.ds(0, 8), pl.ds(0, G)],
                tile_v[b].at[pl.ds(0, 2), pl.ds(0, 8), pl.ds(0, G)],
                sr[b]).wait()

        def transpose(b, t_off):
            def r_body(r, carry):
                r_id = jnp.full((L,), r, jnp.int32)
                vecs = [gbuf[b][r, pl.ds(k * L, L)] for k in range(8)]
                for k in range(8):
                    plsc.store_scatter(
                        tile_v[b],
                        [t_lo + (2 + t_off + 2 * k), c_id, r_id], vecs[k])
                return carry
            lax.fori_loop(0, G, r_body, 0)

        def issue_write(l, b):
            s = start + l
            r_hi = s // 2
            r_lo0 = (s % 2) * G
            pltpu.async_copy(
                tile_v[b].at[:, :, pl.ds(0, G)],
                out4.at[pl.ds(0, CT), r_hi, pl.ds(0, 8), pl.ds(r_lo0, G)],
                sw[b])

        def wait_write(b):
            pltpu.make_async_copy(
                tile_v[b].at[:, :, pl.ds(0, G)],
                out4.at[pl.ds(0, CT), 0, pl.ds(0, 8), pl.ds(0, G)],
                sw[b]).wait()

        def super_iter(i, carry):
            for b in range(NBUF):
                l = i * NBUF + b

                @pl.when(i > 0)
                def _():
                    wait_write(b)

                issue_reads(l, b)
            for b in range(NBUF):
                wait_idx(b)
                pltpu.async_copy(x_hbm.at[idxr_v[b]], gbuf[b], sgr[b])
            for b in range(NBUF):
                wait_gather(b, sgr)
                transpose(b, 0)
                pltpu.async_copy(x_hbm.at[idxs_v[b]], gbuf[b], sgs[b])
            for b in range(NBUF):
                l = i * NBUF + b
                wait_gather(b, sgs)
                wait_ea(b)
                transpose(b, 2 * L)
                issue_write(l, b)
            return carry

        lax.fori_loop(0, nsuper, super_iter, 0)

        @pl.when(wid < extra)
        def _():
            l = base_steps
            wait_write(0)
            issue_reads(l, 0)
            wait_idx(0)
            pltpu.async_copy(x_hbm.at[idxr_v[0]], gbuf[0], sgr[0])
            wait_gather(0, sgr)
            transpose(0, 0)
            pltpu.async_copy(x_hbm.at[idxs_v[0]], gbuf[0], sgs[0])
            wait_gather(0, sgs)
            wait_ea(0)
            transpose(0, 2 * L)
            issue_write(l, 0)

        for b in range(NBUF):
            wait_write(b)

    return k(x, ea4, g4, recv_idx, send_idx)


def kernel(x, edge_attr, global_attr, edge_index):
    E = edge_attr.shape[0]
    recv_idx = edge_index[0].astype(jnp.int32)
    send_idx = edge_index[1].astype(jnp.int32)
    ea4 = edge_attr.reshape(E // 128, 128, 2, 8).transpose(2, 0, 3, 1)
    g4 = jnp.broadcast_to(global_attr.reshape(2, 8, 1), (2, 8, G))
    out4 = _edge_block(x, ea4, g4, recv_idx, send_idx, E)
    return out4.transpose(1, 3, 0, 2).reshape(E, D_OUT)

# --- scband reference (transcript-rebuilt; emitter-appended) ---
"""Pipeline reference for scband-edge-block-3255585211009 (READ-ONLY COPY).

The authoritative reference and input builder live on the scoring server;
editing this copy changes nothing except your own understanding.
"""

import jax, jax.numpy as jnp
import numpy as np


def setup_inputs(seed: int = 0) -> dict:
    key = jax.random.key(seed)
    k1, k2, k3, k4 = jax.random.split(key, 4)
    N, E, D_FEAT, D_EDGE, D_GLOB = 10000, 320000, 128, 16, 16
    x = jax.random.normal(k1, (N, D_FEAT), dtype=jnp.float32)
    edge_attr = jax.random.normal(k2, (E, D_EDGE), dtype=jnp.float32)
    global_attr = jax.random.normal(k3, (D_GLOB,), dtype=jnp.float32)
    edge_index = jax.random.randint(k4, (2, E), 0, N, dtype=jnp.int64 if jax.config.jax_enable_x64 else jnp.int32)
    return {"x": x, "edge_attr": edge_attr, "global_attr": global_attr, "edge_index": edge_index}


def reference(x, edge_attr, global_attr, edge_index):
    # EdgeBlock with independent=False, updater=None:
    # per-edge output = concat([edge.data, receiver.data, sender.data, global.data])
    # Vectorized: row 0 of edge_index = receiver (dst), row 1 = sender (src).
    recv = jnp.take(x, edge_index[0], axis=0)  # gather receiver node features [E, d_feat]
    send = jnp.take(x, edge_index[1], axis=0)  # gather sender node features [E, d_feat]
    g = jnp.broadcast_to(global_attr[None, :], (edge_attr.shape[0], global_attr.shape[0]))
    out = jnp.concatenate([edge_attr, recv, send, g], axis=1)  # [E, d_edge + 2*d_feat + d_glob]
    return out

if __name__ == "__main__":
    import jax
    _d = setup_inputs()
    print(jax.jit(kernel)(*tuple(_d.values())))

</pallas_src>

<mosaic_0001>
#map = affine_map<(d0, d1) -> (0, 0)>
#map1 = affine_map<(d0, d1) -> (0, 0, 0, 0)>
#map2 = affine_map<(d0, d1) -> (0, 0, 0)>
#map3 = affine_map<(d0, d1) -> (0)>
module attributes {stable_mosaic.version = 14 : i64} {
  func.func @k(%arg0: i32, %arg1: i32, %arg2: memref<10000x128xf32, #tpu.memory_space<hbm>>, %arg3: memref<2x2500x8x128xf32, #tpu.memory_space<hbm>>, %arg4: memref<2x8x64xf32, #tpu.memory_space<hbm>>, %arg5: memref<320000xi32, #tpu.memory_space<hbm>>, %arg6: memref<320000xi32, #tpu.memory_space<hbm>>, %arg7: memref<36x2500x8x128xf32, #tpu.memory_space<hbm>>, %arg8: memref<64x128xf32, #tpu.memory_space<vmem>>, %arg9: memref<64x128xf32, #tpu.memory_space<vmem>>, %arg10: memref<64x128xf32, #tpu.memory_space<vmem>>, %arg11: memref<64x128xf32, #tpu.memory_space<vmem>>, %arg12: memref<36x8x65xf32, #tpu.memory_space<vmem>>, %arg13: memref<36x8x65xf32, #tpu.memory_space<vmem>>, %arg14: memref<36x8x65xf32, #tpu.memory_space<vmem>>, %arg15: memref<36x8x65xf32, #tpu.memory_space<vmem>>, %arg16: memref<64xi32, #tpu.memory_space<vmem>>, %arg17: memref<64xi32, #tpu.memory_space<vmem>>, %arg18: memref<64xi32, #tpu.memory_space<vmem>>, %arg19: memref<64xi32, #tpu.memory_space<vmem>>, %arg20: memref<64xi32, #tpu.memory_space<vmem>>, %arg21: memref<64xi32, #tpu.memory_space<vmem>>, %arg22: memref<64xi32, #tpu.memory_space<vmem>>, %arg23: memref<64xi32, #tpu.memory_space<vmem>>, %arg24: memref<!tpu.dma_semaphore, #tpu.memory_space<semaphore_mem>>, %arg25: memref<!tpu.dma_semaphore, #tpu.memory_space<semaphore_mem>>, %arg26: memref<!tpu.dma_semaphore, #tpu.memory_space<semaphore_mem>>, %arg27: memref<!tpu.dma_semaphore, #tpu.memory_space<semaphore_mem>>, %arg28: memref<!tpu.dma_semaphore, #tpu.memory_space<semaphore_mem>>, %arg29: memref<!tpu.dma_semaphore, #tpu.memory_space<semaphore_mem>>, %arg30: memref<!tpu.dma_semaphore, #tpu.memory_space<semaphore_mem>>, %arg31: memref<!tpu.dma_semaphore, #tpu.memory_space<semaphore_mem>>, %arg32: memref<!tpu.dma_semaphore, #tpu.memory_space<semaphore_mem>>, %arg33: memref<!tpu.dma_semaphore, #tpu.memory_space<semaphore_mem>>, %arg34: memref<!tpu.dma_semaphore, #tpu.memory_space<semaphore_mem>>, %arg35: memref<!tpu.dma_semaphore, #tpu.memory_space<semaphore_mem>>, %arg36: memref<!tpu.dma_semaphore, #tpu.memory_space<semaphore_mem>>, %arg37: memref<!tpu.dma_semaphore, #tpu.memory_space<semaphore_mem>>, %arg38: memref<!tpu.dma_semaphore, #tpu.memory_space<semaphore_mem>>, %arg39: memref<!tpu.dma_semaphore, #tpu.memory_space<semaphore_mem>>, %arg40: memref<!tpu.dma_semaphore, #tpu.memory_space<semaphore_mem>>, %arg41: memref<!tpu.dma_semaphore, #tpu.memory_space<semaphore_mem>>, %arg42: memref<!tpu.dma_semaphore, #tpu.memory_space<semaphore_mem>>, %arg43: memref<!tpu.dma_semaphore, #tpu.memory_space<semaphore_mem>>) attributes {dimension_semantics = [#tpu.dimension_semantics<core_parallel>, #tpu.dimension_semantics<subcore_parallel>], iteration_bounds = array<i64: 2, 16>, scalar_prefetch = 0 : i64, scratch_operands = 36 : i64, tpu.core_type = #tpu.core_type<sc_vector_subcore>, window_params = [{transform_indices = #map}, {transform_indices = #map1}, {transform_indices = #map2}, {transform_indices = #map3}, {transform_indices = #map3}, {transform_indices = #map1}]} {
    %mul3A = arith.constant 2 : i32
    %mul3A_0 = arith.muli %arg1, %mul3A : i32
    %add3A = arith.addi %mul3A_0, %arg0 : i32
    %mul3A_1 = arith.constant 156 : i32
    %mul3A_2 = arith.muli %mul3A_1, %add3A : i32
    %min3A = arith.constant 8 : i32
    %min3A_3 = arith.minsi %add3A, %min3A : i32
    %add3A_4 = arith.addi %mul3A_2, %min3A_3 : i32
    "tpu.region"() ({
      %run_scoped3A = tpu.sem_alloc : memref<!tpu.dma_semaphore, #tpu.memory_space<semaphore_mem>>
      %dma_start3A = arith.constant 34 : i32
      %dma_start3A_131 = arith.constant 0 : i32
      %dma_start3A_132 = arith.constant 0 : i32
      %dma_start3A_133 = tpu.memref_slice %arg12[%dma_start3A, %dma_start3A_131, %dma_start3A_132] : memref<36x8x65xf32, #tpu.memory_space<vmem>> -> memref<2x8x64xf32, #tpu.memory_space<vmem>>
      %dma_start3A_134 = arith.constant 34 : i32
      %dma_start3A_135 = arith.constant 0 : i32
      %dma_start3A_136 = arith.constant 0 : i32
      %dma_start3A_137 = tpu.memref_slice %arg12[%dma_start3A_134, %dma_start3A_135, %dma_start3A_136] : memref<36x8x65xf32, #tpu.memory_space<vmem>> -> memref<2x8x64xf32, #tpu.memory_space<vmem>>
      tpu.enqueue_dma source(%arg4 : memref<2x8x64xf32, #tpu.memory_space<hbm>>) target(%dma_start3A_137 : memref<2x8x64xf32, #tpu.memory_space<vmem>>) target_semaphore(%run_scoped3A : memref<!tpu.dma_semaphore, #tpu.memory_space<semaphore_mem>>)
      %dma_wait3A_138 = arith.constant 34 : i32
      %dma_wait3A_139 = arith.constant 0 : i32
      %dma_wait3A_140 = arith.constant 0 : i32
      %dma_wait3A_141 = tpu.memref_slice %arg12[%dma_wait3A_138, %dma_wait3A_139, %dma_wait3A_140] : memref<36x8x65xf32, #tpu.memory_space<vmem>> -> memref<2x8x64xf32, #tpu.memory_space<vmem>>
      %dma_wait3A_142 = arith.constant 34 : i32
      %dma_wait3A_143 = arith.constant 0 : i32
      %dma_wait3A_144 = arith.constant 0 : i32
      %dma_wait3A_145 = tpu.memref_slice %arg12[%dma_wait3A_142, %dma_wait3A_143, %dma_wait3A_144] : memref<36x8x65xf32, #tpu.memory_space<vmem>> -> memref<2x8x64xf32, #tpu.memory_space<vmem>>
      tpu.wait_dma2 semaphore(%run_scoped3A : memref<!tpu.dma_semaphore, #tpu.memory_space<semaphore_mem>>) src(%arg4 : memref<2x8x64xf32, #tpu.memory_space<hbm>>) dst(%dma_wait3A_145 : memref<2x8x64xf32, #tpu.memory_space<vmem>>)
      tpu.yield
    }) : () -> ()
    "tpu.region"() ({
      %run_scoped3A = tpu.sem_alloc : memref<!tpu.dma_semaphore, #tpu.memory_space<semaphore_mem>>
      %dma_start3A = arith.constant 34 : i32
      %dma_start3A_131 = arith.constant 0 : i32
      %dma_start3A_132 = arith.constant 0 : i32
      %dma_start3A_133 = tpu.memref_slice %arg13[%dma_start3A, %dma_start3A_131, %dma_start3A_132] : memref<36x8x65xf32, #tpu.memory_space<vmem>> -> memref<2x8x64xf32, #tpu.memory_space<vmem>>
      %dma_start3A_134 = arith.constant 34 : i32
      %dma_start3A_135 = arith.constant 0 : i32
      %dma_start3A_136 = arith.constant 0 : i32
      %dma_start3A_137 = tpu.memref_slice %arg13[%dma_start3A_134, %dma_start3A_135, %dma_start3A_136] : memref<36x8x65xf32, #tpu.memory_space<vmem>> -> memref<2x8x64xf32, #tpu.memory_space<vmem>>
      tpu.enqueue_dma source(%arg4 : memref<2x8x64xf32, #tpu.memory_space<hbm>>) target(%dma_start3A_137 : memref<2x8x64xf32, #tpu.memory_space<vmem>>) target_semaphore(%run_scoped3A : memref<!tpu.dma_semaphore, #tpu.memory_space<semaphore_mem>>)
      %dma_wait3A_138 = arith.constant 34 : i32
      %dma_wait3A_139 = arith.constant 0 : i32
      %dma_wait3A_140 = arith.constant 0 : i32
      %dma_wait3A_141 = tpu.memref_slice %arg13[%dma_wait3A_138, %dma_wait3A_139, %dma_wait3A_140] : memref<36x8x65xf32, #tpu.memory_space<vmem>> -> memref<2x8x64xf32, #tpu.memory_space<vmem>>
      %dma_wait3A_142 = arith.constant 34 : i32
      %dma_wait3A_143 = arith.constant 0 : i32
      %dma_wait3A_144 = arith.constant 0 : i32
      %dma_wait3A_145 = tpu.memref_slice %arg13[%dma_wait3A_142, %dma_wait3A_143, %dma_wait3A_144] : memref<36x8x65xf32, #tpu.memory_space<vmem>> -> memref<2x8x64xf32, #tpu.memory_space<vmem>>
      tpu.wait_dma2 semaphore(%run_scoped3A : memref<!tpu.dma_semaphore, #tpu.memory_space<semaphore_mem>>) src(%arg4 : memref<2x8x64xf32, #tpu.memory_space<hbm>>) dst(%dma_wait3A_145 : memref<2x8x64xf32, #tpu.memory_space<vmem>>)
      tpu.yield
    }) : () -> ()
    "tpu.region"() ({
      %run_scoped3A = tpu.sem_alloc : memref<!tpu.dma_semaphore, #tpu.memory_space<semaphore_mem>>
      %dma_start3A = arith.constant 34 : i32
      %dma_start3A_131 = arith.constant 0 : i32
      %dma_start3A_132 = arith.constant 0 : i32
      %dma_start3A_133 = tpu.memref_slice %arg14[%dma_start3A, %dma_start3A_131, %dma_start3A_132] : memref<36x8x65xf32, #tpu.memory_space<vmem>> -> memref<2x8x64xf32, #tpu.memory_space<vmem>>
      %dma_start3A_134 = arith.constant 34 : i32
      %dma_start3A_135 = arith.constant 0 : i32
      %dma_start3A_136 = arith.constant 0 : i32
      %dma_start3A_137 = tpu.memref_slice %arg14[%dma_start3A_134, %dma_start3A_135, %dma_start3A_136] : memref<36x8x65xf32, #tpu.memory_space<vmem>> -> memref<2x8x64xf32, #tpu.memory_space<vmem>>
      tpu.enqueue_dma source(%arg4 : memref<2x8x64xf32, #tpu.memory_space<hbm>>) target(%dma_start3A_137 : memref<2x8x64xf32, #tpu.memory_space<vmem>>) target_semaphore(%run_scoped3A : memref<!tpu.dma_semaphore, #tpu.memory_space<semaphore_mem>>)
      %dma_wait3A_138 = arith.constant 34 : i32
      %dma_wait3A_139 = arith.constant 0 : i32
      %dma_wait3A_140 = arith.constant 0 : i32
      %dma_wait3A_141 = tpu.memref_slice %arg14[%dma_wait3A_138, %dma_wait3A_139, %dma_wait3A_140] : memref<36x8x65xf32, #tpu.memory_space<vmem>> -> memref<2x8x64xf32, #tpu.memory_space<vmem>>
      %dma_wait3A_142 = arith.constant 34 : i32
      %dma_wait3A_143 = arith.constant 0 : i32
      %dma_wait3A_144 = arith.constant 0 : i32
      %dma_wait3A_145 = tpu.memref_slice %arg14[%dma_wait3A_142, %dma_wait3A_143, %dma_wait3A_144] : memref<36x8x65xf32, #tpu.memory_space<vmem>> -> memref<2x8x64xf32, #tpu.memory_space<vmem>>
      tpu.wait_dma2 semaphore(%run_scoped3A : memref<!tpu.dma_semaphore, #tpu.memory_space<semaphore_mem>>) src(%arg4 : memref<2x8x64xf32, #tpu.memory_space<hbm>>) dst(%dma_wait3A_145 : memref<2x8x64xf32, #tpu.memory_space<vmem>>)
      tpu.yield
    }) : () -> ()
    "tpu.region"() ({
      %run_scoped3A = tpu.sem_alloc : memref<!tpu.dma_semaphore, #tpu.memory_space<semaphore_mem>>
      %dma_start3A = arith.constant 34 : i32
      %dma_start3A_131 = arith.constant 0 : i32
      %dma_start3A_132 = arith.constant 0 : i32
      %dma_start3A_133 = tpu.memref_slice %arg15[%dma_start3A, %dma_start3A_131, %dma_start3A_132] : memref<36x8x65xf32, #tpu.memory_space<vmem>> -> memref<2x8x64xf32, #tpu.memory_space<vmem>>
      %dma_start3A_134 = arith.constant 34 : i32
      %dma_start3A_135 = arith.constant 0 : i32
      %dma_start3A_136 = arith.constant 0 : i32
      %dma_start3A_137 = tpu.memref_slice %arg15[%dma_start3A_134, %dma_start3A_135, %dma_start3A_136] : memref<36x8x65xf32, #tpu.memory_space<vmem>> -> memref<2x8x64xf32, #tpu.memory_space<vmem>>
      tpu.enqueue_dma source(%arg4 : memref<2x8x64xf32, #tpu.memory_space<hbm>>) target(%dma_start3A_137 : memref<2x8x64xf32, #tpu.memory_space<vmem>>) target_semaphore(%run_scoped3A : memref<!tpu.dma_semaphore, #tpu.memory_space<semaphore_mem>>)
      %dma_wait3A_138 = arith.constant 34 : i32
      %dma_wait3A_139 = arith.constant 0 : i32
      %dma_wait3A_140 = arith.constant 0 : i32
      %dma_wait3A_141 = tpu.memref_slice %arg15[%dma_wait3A_138, %dma_wait3A_139, %dma_wait3A_140] : memref<36x8x65xf32, #tpu.memory_space<vmem>> -> memref<2x8x64xf32, #tpu.memory_space<vmem>>
      %dma_wait3A_142 = arith.constant 34 : i32
      %dma_wait3A_143 = arith.constant 0 : i32
      %dma_wait3A_144 = arith.constant 0 : i32
      %dma_wait3A_145 = tpu.memref_slice %arg15[%dma_wait3A_142, %dma_wait3A_143, %dma_wait3A_144] : memref<36x8x65xf32, #tpu.memory_space<vmem>> -> memref<2x8x64xf32, #tpu.memory_space<vmem>>
      tpu.wait_dma2 semaphore(%run_scoped3A : memref<!tpu.dma_semaphore, #tpu.memory_space<semaphore_mem>>) src(%arg4 : memref<2x8x64xf32, #tpu.memory_space<hbm>>) dst(%dma_wait3A_145 : memref<2x8x64xf32, #tpu.memory_space<vmem>>)
      tpu.yield
    }) : () -> ()
    %iota3A = tpu.iota {dimensions = array<i32: 0>} : vector<16xi32>
    %jit3A = arith.constant 8 : i32
    %div3A = vector.broadcast %jit3A : i32 to vector<16xi32>
    %div3A_5 = arith.divsi %iota3A, %div3A : vector<16xi32>
    %sign3A = arith.constant 0 : i32
    %sign3A_6 = vector.broadcast %sign3A : i32 to vector<16xi32>
    %sign3A_7 = arith.cmpi sgt, %iota3A, %sign3A_6 : vector<16xi32>
    %sign3A_8 = arith.extui %sign3A_7 : vector<16xi1> to vector<16xi32>
    %sign3A_9 = arith.constant 0 : i32
    %sign3A_10 = vector.broadcast %sign3A_9 : i32 to vector<16xi32>
    %sign3A_11 = arith.cmpi slt, %iota3A, %sign3A_10 : vector<16xi32>
    %sign3A_12 = arith.extui %sign3A_11 : vector<16xi1> to vector<16xi32>
    %sign3A_13 = arith.subi %sign3A_8, %sign3A_12 : vector<16xi32>
    %sign3A_14 = arith.constant 0 : i32
    %sign3A_15 = arith.cmpi sgt, %jit3A, %sign3A_14 : i32
    %sign3A_16 = arith.extui %sign3A_15 : i1 to i32
    %sign3A_17 = arith.constant 0 : i32
    %sign3A_18 = arith.cmpi slt, %jit3A, %sign3A_17 : i32
    %sign3A_19 = arith.extui %sign3A_18 : i1 to i32
    %sign3A_20 = arith.subi %sign3A_16, %sign3A_19 : i32
    %ne3A = vector.broadcast %sign3A_20 : i32 to vector<16xi32>
    %ne3A_21 = arith.cmpi ne, %sign3A_13, %ne3A : vector<16xi32>
    %rem3A = vector.broadcast %jit3A : i32 to vector<16xi32>
    %rem3A_22 = arith.remsi %iota3A, %rem3A : vector<16xi32>
    %ne3A_23 = arith.constant 0 : i32
    %ne3A_24 = vector.broadcast %ne3A_23 : i32 to vector<16xi32>
    %ne3A_25 = arith.cmpi ne, %rem3A_22, %ne3A_24 : vector<16xi32>
    %and3A = arith.andi %ne3A_21, %ne3A_25 : vector<16xi1>
    %sub3A = arith.constant 1 : i32
    %sub3A_26 = vector.broadcast %sub3A : i32 to vector<16xi32>
    %sub3A_27 = arith.subi %div3A_5, %sub3A_26 : vector<16xi32>
    %select_n3A = arith.select %and3A, %sub3A_27, %div3A_5 : vector<16xi1>, vector<16xi32>
    %jit3A_28 = arith.constant 8 : i32
    %eq3A = arith.constant 0 : i32
    %eq3A_29 = arith.cmpi eq, %jit3A_28, %eq3A : i32
    %jit3A_30 = arith.constant 1 : i32
    %select_n3A_31 = arith.select %eq3A_29, %jit3A_30, %jit3A_28 : i32
    %rem3A_32 = vector.broadcast %select_n3A_31 : i32 to vector<16xi32>
    %rem3A_33 = arith.remsi %iota3A, %rem3A_32 : vector<16xi32>
    %ne3A_34 = arith.constant 0 : i32
    %ne3A_35 = vector.broadcast %ne3A_34 : i32 to vector<16xi32>
    %ne3A_36 = arith.cmpi ne, %rem3A_33, %ne3A_35 : vector<16xi32>
    %lt3A = arith.constant 0 : i32
    %lt3A_37 = vector.broadcast %lt3A : i32 to vector<16xi32>
    %lt3A_38 = arith.cmpi slt, %rem3A_33, %lt3A_37 : vector<16xi32>
    %lt3A_39 = arith.constant 0 : i32
    %lt3A_40 = arith.cmpi slt, %select_n3A_31, %lt3A_39 : i32
    %ne3A_41 = vector.broadcast %lt3A_40 : i1 to vector<16xi1>
    %ne3A_42 = vector.broadcast %ne3A_41 : vector<16xi1> to vector<16xi1>
    %ne3A_43 = arith.xori %lt3A_38, %ne3A_42 : vector<16xi1>
    %and3A_44 = arith.andi %ne3A_43, %ne3A_36 : vector<16xi1>
    %add3A_45 = vector.broadcast %select_n3A_31 : i32 to vector<16xi32>
    %add3A_46 = arith.addi %rem3A_33, %add3A_45 : vector<16xi32>
    %select_n3A_47 = arith.select %and3A_44, %add3A_46, %rem3A_33 : vector<16xi1>, vector<16xi32>
    %scan3A = arith.constant 0 : i32
    %scan3A_48 = arith.constant 0 : i32
    %scan3A_49 = arith.constant 39 : i32
    %scan3A_50 = arith.addi %scan3A_48, %scan3A_49 : i32
    %scan3A_51 = arith.constant 1 : i32
    scf.for %scan3A_131 = %scan3A_48 to %scan3A_50 step %scan3A_51  : i32 {
      %mul3A_132 = arith.constant 4 : i32
      %mul3A_133 = arith.muli %scan3A_131, %mul3A_132 : i32
      %add3A_134 = arith.constant 0 : i32
      %add3A_135 = arith.addi %mul3A_133, %add3A_134 : i32
      %gt3A = arith.constant 0 : i32
      %gt3A_136 = arith.cmpi sgt, %scan3A_131, %gt3A : i32
      %convert_element_type3A_137 = arith.extui %gt3A_136 : i1 to i32
      %cond3A_138 = arith.constant 0 : i32
      %cond3A_139 = arith.cmpi ne, %convert_element_type3A_137, %cond3A_138 : i32
      scf.if %cond3A_139 {
        %dma_wait3A_906 = arith.constant 0 : i32
        %dma_wait3A_907 = arith.constant 0 : i32
        %dma_wait3A_908 = arith.constant 0 : i32
        %dma_wait3A_909 = arith.constant 0 : i32
        %dma_wait3A_910 = tpu.memref_slice %arg12[%dma_wait3A_907, %dma_wait3A_908, %dma_wait3A_909] : memref<36x8x65xf32, #tpu.memory_space<vmem>> -> memref<36x8x64xf32, #tpu.memory_space<vmem>>
        %dma_wait3A_911 = arith.constant 0 : i32
        %dma_wait3A_912 = arith.constant 0 : i32
        %dma_wait3A_913 = arith.constant 0 : i32
        %dma_wait3A_914 = tpu.memref_slice %arg7[%dma_wait3A_911, %dma_wait3A_906, %dma_wait3A_912, %dma_wait3A_913] : memref<36x2500x8x128xf32, #tpu.memory_space<hbm>> -> memref<36x1x8x64xf32, #tpu.memory_space<hbm>>
        %dma_wait3A_915 = tpu.memref_squeeze %dma_wait3A_914 : memref<36x1x8x64xf32, #tpu.memory_space<hbm>> -> memref<36x8x64xf32, #tpu.memory_space<hbm>>
        %dma_wait3A_916 = arith.constant 0 : i32
        %dma_wait3A_917 = arith.constant 0 : i32
        %dma_wait3A_918 = arith.constant 0 : i32
        %dma_wait3A_919 = tpu.memref_slice %arg7[%dma_wait3A_916, %dma_wait3A_906, %dma_wait3A_917, %dma_wait3A_918] : memref<36x2500x8x128xf32, #tpu.memory_space<hbm>> -> memref<36x1x8x64xf32, #tpu.memory_space<hbm>>
        %dma_wait3A_920 = tpu.memref_squeeze %dma_wait3A_919 : memref<36x1x8x64xf32, #tpu.memory_space<hbm>> -> memref<36x8x64xf32, #tpu.memory_space<hbm>>
        %dma_wait3A_921 = arith.constant 0 : i32
        %dma_wait3A_922 = arith.constant 0 : i32
        %dma_wait3A_923 = arith.constant 0 : i32
        %dma_wait3A_924 = tpu.memref_slice %arg12[%dma_wait3A_921, %dma_wait3A_922, %dma_wait3A_923] : memref<36x8x65xf32, #tpu.memory_space<vmem>> -> memref<36x8x64xf32, #tpu.memory_space<vmem>>
        tpu.wait_dma2 semaphore(%arg40 : memref<!tpu.dma_semaphore, #tpu.memory_space<semaphore_mem>>) src(%dma_wait3A_924 : memref<36x8x64xf32, #tpu.memory_space<vmem>>) dst(%dma_wait3A_920 : memref<36x8x64xf32, #tpu.memory_space<hbm>>)
      } else {
      }
      %add3A_140 = arith.addi %add3A_4, %add3A_135 : i32
      %jit3A_141 = arith.constant 2 : i32
      %div3A_142 = arith.divsi %add3A_140, %jit3A_141 : i32
      %sign3A_143 = arith.constant 0 : i32
      %sign3A_144 = arith.cmpi sgt, %add3A_140, %sign3A_143 : i32
      %sign3A_145 = arith.extui %sign3A_144 : i1 to i32
      %sign3A_146 = arith.constant 0 : i32
      %sign3A_147 = arith.cmpi slt, %add3A_140, %sign3A_146 : i32
      %sign3A_148 = arith.extui %sign3A_147 : i1 to i32
      %sign3A_149 = arith.subi %sign3A_145, %sign3A_148 : i32
      %sign3A_150 = arith.constant 0 : i32
      %sign3A_151 = arith.cmpi sgt, %jit3A_141, %sign3A_150 : i32
      %sign3A_152 = arith.extui %sign3A_151 : i1 to i32
      %sign3A_153 = arith.constant 0 : i32
      %sign3A_154 = arith.cmpi slt, %jit3A_141, %sign3A_153 : i32
      %sign3A_155 = arith.extui %sign3A_154 : i1 to i32
      %sign3A_156 = arith.subi %sign3A_152, %sign3A_155 : i32
      %ne3A_157 = arith.cmpi ne, %sign3A_149, %sign3A_156 : i32
      %rem3A_158 = arith.remsi %add3A_140, %jit3A_141 : i32
      %ne3A_159 = arith.constant 0 : i32
      %ne3A_160 = arith.cmpi ne, %rem3A_158, %ne3A_159 : i32
      %and3A_161 = arith.andi %ne3A_157, %ne3A_160 : i1
      %sub3A_162 = arith.constant 1 : i32
      %sub3A_163 = arith.subi %div3A_142, %sub3A_162 : i32
      %select_n3A_164 = arith.select %and3A_161, %sub3A_163, %div3A_142 : i32
      %jit3A_165 = arith.constant 2 : i32
      %eq3A_166 = arith.constant 0 : i32
      %eq3A_167 = arith.cmpi eq, %jit3A_165, %eq3A_166 : i32
      %jit3A_168 = arith.constant 1 : i32
      %select_n3A_169 = arith.select %eq3A_167, %jit3A_168, %jit3A_165 : i32
      %rem3A_170 = arith.remsi %add3A_140, %select_n3A_169 : i32
      %ne3A_171 = arith.constant 0 : i32
      %ne3A_172 = arith.cmpi ne, %rem3A_170, %ne3A_171 : i32
      %lt3A_173 = arith.constant 0 : i32
      %lt3A_174 = arith.cmpi slt, %rem3A_170, %lt3A_173 : i32
      %lt3A_175 = arith.constant 0 : i32
      %lt3A_176 = arith.cmpi slt, %select_n3A_169, %lt3A_175 : i32
      %ne3A_177 = arith.xori %lt3A_174, %lt3A_176 : i1
      %and3A_178 = arith.andi %ne3A_177, %ne3A_172 : i1
      %add3A_179 = arith.addi %rem3A_170, %select_n3A_169 : i32
      %select_n3A_180 = arith.select %and3A_178, %add3A_179, %rem3A_170 : i32
      %mul3A_181 = arith.constant 64 : i32
      %mul3A_182 = arith.muli %select_n3A_180, %mul3A_181 : i32
      %mul3A_183 = arith.constant 64 : i32
      %mul3A_184 = arith.muli %add3A_140, %mul3A_183 : i32
      %dma_start3A = tpu.memref_slice %arg5[%mul3A_184] : memref<320000xi32, #tpu.memory_space<hbm>> -> memref<64xi32, #tpu.memory_space<hbm>>
      %dma_start3A_185 = tpu.memref_slice %arg5[%mul3A_184] : memref<320000xi32, #tpu.memory_space<hbm>> -> memref<64xi32, #tpu.memory_space<hbm>>
      tpu.enqueue_dma source(%dma_start3A_185 : memref<64xi32, #tpu.memory_space<hbm>>) target(%arg16 : memref<64xi32, #tpu.memory_space<vmem>>) target_semaphore(%arg24 : memref<!tpu.dma_semaphore, #tpu.memory_space<semaphore_mem>>)
      %dma_start3A_186 = tpu.memref_slice %arg6[%mul3A_184] : memref<320000xi32, #tpu.memory_space<hbm>> -> memref<64xi32, #tpu.memory_space<hbm>>
      %dma_start3A_187 = tpu.memref_slice %arg6[%mul3A_184] : memref<320000xi32, #tpu.memory_space<hbm>> -> memref<64xi32, #tpu.memory_space<hbm>>
      tpu.enqueue_dma source(%dma_start3A_187 : memref<64xi32, #tpu.memory_space<hbm>>) target(%arg20 : memref<64xi32, #tpu.memory_space<vmem>>) target_semaphore(%arg24 : memref<!tpu.dma_semaphore, #tpu.memory_space<semaphore_mem>>)
      %dma_start3A_188 = arith.constant 0 : i32
      %dma_start3A_189 = arith.constant 0 : i32
      %dma_start3A_190 = arith.constant 0 : i32
      %dma_start3A_191 = tpu.memref_slice %arg12[%dma_start3A_188, %dma_start3A_189, %dma_start3A_190] : memref<36x8x65xf32, #tpu.memory_space<vmem>> -> memref<2x8x64xf32, #tpu.memory_space<vmem>>
      %dma_start3A_192 = arith.constant 0 : i32
      %dma_start3A_193 = arith.constant 0 : i32
      %dma_start3A_194 = tpu.memref_slice %arg3[%dma_start3A_192, %select_n3A_164, %dma_start3A_193, %mul3A_182] : memref<2x2500x8x128xf32, #tpu.memory_space<hbm>> -> memref<2x1x8x64xf32, #tpu.memory_space<hbm>>
      %dma_start3A_195 = tpu.memref_squeeze %dma_start3A_194 : memref<2x1x8x64xf32, #tpu.memory_space<hbm>> -> memref<2x8x64xf32, #tpu.memory_space<hbm>>
      %dma_start3A_196 = arith.constant 0 : i32
      %dma_start3A_197 = arith.constant 0 : i32
      %dma_start3A_198 = arith.constant 0 : i32
      %dma_start3A_199 = tpu.memref_slice %arg12[%dma_start3A_196, %dma_start3A_197, %dma_start3A_198] : memref<36x8x65xf32, #tpu.memory_space<vmem>> -> memref<2x8x64xf32, #tpu.memory_space<vmem>>
      %dma_start3A_200 = arith.constant 0 : i32
      %dma_start3A_201 = arith.constant 0 : i32
      %dma_start3A_202 = tpu.memref_slice %arg3[%dma_start3A_200, %select_n3A_164, %dma_start3A_201, %mul3A_182] : memref<2x2500x8x128xf32, #tpu.memory_space<hbm>> -> memref<2x1x8x64xf32, #tpu.memory_space<hbm>>
      %dma_start3A_203 = tpu.memref_squeeze %dma_start3A_202 : memref<2x1x8x64xf32, #tpu.memory_space<hbm>> -> memref<2x8x64xf32, #tpu.memory_space<hbm>>
      tpu.enqueue_dma source(%dma_start3A_203 : memref<2x8x64xf32, #tpu.memory_space<hbm>>) target(%dma_start3A_199 : memref<2x8x64xf32, #tpu.memory_space<vmem>>) target_semaphore(%arg28 : memref<!tpu.dma_semaphore, #tpu.memory_space<semaphore_mem>>)
      %mul3A_204 = arith.constant 4 : i32
      %mul3A_205 = arith.muli %scan3A_131, %mul3A_204 : i32
      %add3A_206 = arith.constant 1 : i32
      %add3A_207 = arith.addi %mul3A_205, %add3A_206 : i32
      %gt3A_208 = arith.constant 0 : i32
      %gt3A_209 = arith.cmpi sgt, %scan3A_131, %gt3A_208 : i32
      %convert_element_type3A_210 = arith.extui %gt3A_209 : i1 to i32
      %cond3A_211 = arith.constant 0 : i32
      %cond3A_212 = arith.cmpi ne, %convert_element_type3A_210, %cond3A_211 : i32
      scf.if %cond3A_212 {
        %dma_wait3A_906 = arith.constant 0 : i32
        %dma_wait3A_907 = arith.constant 0 : i32
        %dma_wait3A_908 = arith.constant 0 : i32
        %dma_wait3A_909 = arith.constant 0 : i32
        %dma_wait3A_910 = tpu.memref_slice %arg13[%dma_wait3A_907, %dma_wait3A_908, %dma_wait3A_909] : memref<36x8x65xf32, #tpu.memory_space<vmem>> -> memref<36x8x64xf32, #tpu.memory_space<vmem>>
        %dma_wait3A_911 = arith.constant 0 : i32
        %dma_wait3A_912 = arith.constant 0 : i32
        %dma_wait3A_913 = arith.constant 0 : i32
        %dma_wait3A_914 = tpu.memref_slice %arg7[%dma_wait3A_911, %dma_wait3A_906, %dma_wait3A_912, %dma_wait3A_913] : memref<36x2500x8x128xf32, #tpu.memory_space<hbm>> -> memref<36x1x8x64xf32, #tpu.memory_space<hbm>>
        %dma_wait3A_915 = tpu.memref_squeeze %dma_wait3A_914 : memref<36x1x8x64xf32, #tpu.memory_space<hbm>> -> memref<36x8x64xf32, #tpu.memory_space<hbm>>
        %dma_wait3A_916 = arith.constant 0 : i32
        %dma_wait3A_917 = arith.constant 0 : i32
        %dma_wait3A_918 = arith.constant 0 : i32
        %dma_wait3A_919 = tpu.memref_slice %arg7[%dma_wait3A_916, %dma_wait3A_906, %dma_wait3A_917, %dma_wait3A_918] : memref<36x2500x8x128xf32, #tpu.memory_space<hbm>> -> memref<36x1x8x64xf32, #tpu.memory_space<hbm>>
        %dma_wait3A_920 = tpu.memref_squeeze %dma_wait3A_919 : memref<36x1x8x64xf32, #tpu.memory_space<hbm>> -> memref<36x8x64xf32, #tpu.memory_space<hbm>>
        %dma_wait3A_921 = arith.constant 0 : i32
        %dma_wait3A_922 = arith.constant 0 : i32
        %dma_wait3A_923 = arith.constant 0 : i32
        %dma_wait3A_924 = tpu.memref_slice %arg13[%dma_wait3A_921, %dma_wait3A_922, %dma_wait3A_923] : memref<36x8x65xf32, #tpu.memory_space<vmem>> -> memref<36x8x64xf32, #tpu.memory_space<vmem>>
        tpu.wait_dma2 semaphore(%arg41 : memref<!tpu.dma_semaphore, #tpu.memory_space<semaphore_mem>>) src(%dma_wait3A_924 : memref<36x8x64xf32, #tpu.memory_space<vmem>>) dst(%dma_wait3A_920 : memref<36x8x64xf32, #tpu.memory_space<hbm>>)
      } else {
      }
      %add3A_213 = arith.addi %add3A_4, %add3A_207 : i32
      %jit3A_214 = arith.constant 2 : i32
      %div3A_215 = arith.divsi %add3A_213, %jit3A_214 : i32
      %sign3A_216 = arith.constant 0 : i32
      %sign3A_217 = arith.cmpi sgt, %add3A_213, %sign3A_216 : i32
      %sign3A_218 = arith.extui %sign3A_217 : i1 to i32
      %sign3A_219 = arith.constant 0 : i32
      %sign3A_220 = arith.cmpi slt, %add3A_213, %sign3A_219 : i32
      %sign3A_221 = arith.extui %sign3A_220 : i1 to i32
      %sign3A_222 = arith.subi %sign3A_218, %sign3A_221 : i32
      %sign3A_223 = arith.constant 0 : i32
      %sign3A_224 = arith.cmpi sgt, %jit3A_214, %sign3A_223 : i32
      %sign3A_225 = arith.extui %sign3A_224 : i1 to i32
      %sign3A_226 = arith.constant 0 : i32
      %sign3A_227 = arith.cmpi slt, %jit3A_214, %sign3A_226 : i32
      %sign3A_228 = arith.extui %sign3A_227 : i1 to i32
      %sign3A_229 = arith.subi %sign3A_225, %sign3A_228 : i32
      %ne3A_230 = arith.cmpi ne, %sign3A_222, %sign3A_229 : i32
      %rem3A_231 = arith.remsi %add3A_213, %jit3A_214 : i32
      %ne3A_232 = arith.constant 0 : i32
      %ne3A_233 = arith.cmpi ne, %rem3A_231, %ne3A_232 : i32
      %and3A_234 = arith.andi %ne3A_230, %ne3A_233 : i1
      %sub3A_235 = arith.constant 1 : i32
      %sub3A_236 = arith.subi %div3A_215, %sub3A_235 : i32
      %select_n3A_237 = arith.select %and3A_234, %sub3A_236, %div3A_215 : i32
      %jit3A_238 = arith.constant 2 : i32
      %eq3A_239 = arith.constant 0 : i32
      %eq3A_240 = arith.cmpi eq, %jit3A_238, %eq3A_239 : i32
      %jit3A_241 = arith.constant 1 : i32
      %select_n3A_242 = arith.select %eq3A_240, %jit3A_241, %jit3A_238 : i32
      %rem3A_243 = arith.remsi %add3A_213, %select_n3A_242 : i32
      %ne3A_244 = arith.constant 0 : i32
      %ne3A_245 = arith.cmpi ne, %rem3A_243, %ne3A_244 : i32
      %lt3A_246 = arith.constant 0 : i32
      %lt3A_247 = arith.cmpi slt, %rem3A_243, %lt3A_246 : i32
      %lt3A_248 = arith.constant 0 : i32
      %lt3A_249 = arith.cmpi slt, %select_n3A_242, %lt3A_248 : i32
      %ne3A_250 = arith.xori %lt3A_247, %lt3A_249 : i1
      %and3A_251 = arith.andi %ne3A_250, %ne3A_245 : i1
      %add3A_252 = arith.addi %rem3A_243, %select_n3A_242 : i32
      %select_n3A_253 = arith.select %and3A_251, %add3A_252, %rem3A_243 : i32
      %mul3A_254 = arith.constant 64 : i32
      %mul3A_255 = arith.muli %select_n3A_253, %mul3A_254 : i32
      %mul3A_256 = arith.constant 64 : i32
      %mul3A_257 = arith.muli %add3A_213, %mul3A_256 : i32
      %dma_start3A_258 = tpu.memref_slice %arg5[%mul3A_257] : memref<320000xi32, #tpu.memory_space<hbm>> -> memref<64xi32, #tpu.memory_space<hbm>>
      %dma_start3A_259 = tpu.memref_slice %arg5[%mul3A_257] : memref<320000xi32, #tpu.memory_space<hbm>> -> memref<64xi32, #tpu.memory_space<hbm>>
      tpu.enqueue_dma source(%dma_start3A_259 : memref<64xi32, #tpu.memory_space<hbm>>) target(%arg17 : memref<64xi32, #tpu.memory_space<vmem>>) target_semaphore(%arg25 : memref<!tpu.dma_semaphore, #tpu.memory_space<semaphore_mem>>)
      %dma_start3A_260 = tpu.memref_slice %arg6[%mul3A_257] : memref<320000xi32, #tpu.memory_space<hbm>> -> memref<64xi32, #tpu.memory_space<hbm>>
      %dma_start3A_261 = tpu.memref_slice %arg6[%mul3A_257] : memref<320000xi32, #tpu.memory_space<hbm>> -> memref<64xi32, #tpu.memory_space<hbm>>
      tpu.enqueue_dma source(%dma_start3A_261 : memref<64xi32, #tpu.memory_space<hbm>>) target(%arg21 : memref<64xi32, #tpu.memory_space<vmem>>) target_semaphore(%arg25 : memref<!tpu.dma_semaphore, #tpu.memory_space<semaphore_mem>>)
      %dma_start3A_262 = arith.constant 0 : i32
      %dma_start3A_263 = arith.constant 0 : i32
      %dma_start3A_264 = arith.constant 0 : i32
      %dma_start3A_265 = tpu.memref_slice %arg13[%dma_start3A_262, %dma_start3A_263, %dma_start3A_264] : memref<36x8x65xf32, #tpu.memory_space<vmem>> -> memref<2x8x64xf32, #tpu.memory_space<vmem>>
      %dma_start3A_266 = arith.constant 0 : i32
      %dma_start3A_267 = arith.constant 0 : i32
      %dma_start3A_268 = tpu.memref_slice %arg3[%dma_start3A_266, %select_n3A_237, %dma_start3A_267, %mul3A_255] : memref<2x2500x8x128xf32, #tpu.memory_space<hbm>> -> memref<2x1x8x64xf32, #tpu.memory_space<hbm>>
      %dma_start3A_269 = tpu.memref_squeeze %dma_start3A_268 : memref<2x1x8x64xf32, #tpu.memory_space<hbm>> -> memref<2x8x64xf32, #tpu.memory_space<hbm>>
      %dma_start3A_270 = arith.constant 0 : i32
      %dma_start3A_271 = arith.constant 0 : i32
      %dma_start3A_272 = arith.constant 0 : i32
      %dma_start3A_273 = tpu.memref_slice %arg13[%dma_start3A_270, %dma_start3A_271, %dma_start3A_272] : memref<36x8x65xf32, #tpu.memory_space<vmem>> -> memref<2x8x64xf32, #tpu.memory_space<vmem>>
      %dma_start3A_274 = arith.constant 0 : i32
      %dma_start3A_275 = arith.constant 0 : i32
      %dma_start3A_276 = tpu.memref_slice %arg3[%dma_start3A_274, %select_n3A_237, %dma_start3A_275, %mul3A_255] : memref<2x2500x8x128xf32, #tpu.memory_space<hbm>> -> memref<2x1x8x64xf32, #tpu.memory_space<hbm>>
      %dma_start3A_277 = tpu.memref_squeeze %dma_start3A_276 : memref<2x1x8x64xf32, #tpu.memory_space<hbm>> -> memref<2x8x64xf32, #tpu.memory_space<hbm>>
      tpu.enqueue_dma source(%dma_start3A_277 : memref<2x8x64xf32, #tpu.memory_space<hbm>>) target(%dma_start3A_273 : memref<2x8x64xf32, #tpu.memory_space<vmem>>) target_semaphore(%arg29 : memref<!tpu.dma_semaphore, #tpu.memory_space<semaphore_mem>>)
      %mul3A_278 = arith.constant 4 : i32
      %mul3A_279 = arith.muli %scan3A_131, %mul3A_278 : i32
      %add3A_280 = arith.constant 2 : i32
      %add3A_281 = arith.addi %mul3A_279, %add3A_280 : i32
      %gt3A_282 = arith.constant 0 : i32
      %gt3A_283 = arith.cmpi sgt, %scan3A_131, %gt3A_282 : i32
      %convert_element_type3A_284 = arith.extui %gt3A_283 : i1 to i32
      %cond3A_285 = arith.constant 0 : i32
      %cond3A_286 = arith.cmpi ne, %convert_element_type3A_284, %cond3A_285 : i32
      scf.if %cond3A_286 {
        %dma_wait3A_906 = arith.constant 0 : i32
        %dma_wait3A_907 = arith.constant 0 : i32
        %dma_wait3A_908 = arith.constant 0 : i32
        %dma_wait3A_909 = arith.constant 0 : i32
        %dma_wait3A_910 = tpu.memref_slice %arg14[%dma_wait3A_907, %dma_wait3A_908, %dma_wait3A_909] : memref<36x8x65xf32, #tpu.memory_space<vmem>> -> memref<36x8x64xf32, #tpu.memory_space<vmem>>
        %dma_wait3A_911 = arith.constant 0 : i32
        %dma_wait3A_912 = arith.constant 0 : i32
        %dma_wait3A_913 = arith.constant 0 : i32
        %dma_wait3A_914 = tpu.memref_slice %arg7[%dma_wait3A_911, %dma_wait3A_906, %dma_wait3A_912, %dma_wait3A_913] : memref<36x2500x8x128xf32, #tpu.memory_space<hbm>> -> memref<36x1x8x64xf32, #tpu.memory_space<hbm>>
        %dma_wait3A_915 = tpu.memref_squeeze %dma_wait3A_914 : memref<36x1x8x64xf32, #tpu.memory_space<hbm>> -> memref<36x8x64xf32, #tpu.memory_space<hbm>>
        %dma_wait3A_916 = arith.constant 0 : i32
        %dma_wait3A_917 = arith.constant 0 : i32
        %dma_wait3A_918 = arith.constant 0 : i32
        %dma_wait3A_919 = tpu.memref_slice %arg7[%dma_wait3A_916, %dma_wait3A_906, %dma_wait3A_917, %dma_wait3A_918] : memref<36x2500x8x128xf32, #tpu.memory_space<hbm>> -> memref<36x1x8x64xf32, #tpu.memory_space<hbm>>
        %dma_wait3A_920 = tpu.memref_squeeze %dma_wait3A_919 : memref<36x1x8x64xf32, #tpu.memory_space<hbm>> -> memref<36x8x64xf32, #tpu.memory_space<hbm>>
        %dma_wait3A_921 = arith.constant 0 : i32
        %dma_wait3A_922 = arith.constant 0 : i32
        %dma_wait3A_923 = arith.constant 0 : i32
        %dma_wait3A_924 = tpu.memref_slice %arg14[%dma_wait3A_921, %dma_wait3A_922, %dma_wait3A_923] : memref<36x8x65xf32, #tpu.memory_space<vmem>> -> memref<36x8x64xf32, #tpu.memory_space<vmem>>
        tpu.wait_dma2 semaphore(%arg42 : memref<!tpu.dma_semaphore, #tpu.memory_space<semaphore_mem>>) src(%dma_wait3A_924 : memref<36x8x64xf32, #tpu.memory_space<vmem>>) dst(%dma_wait3A_920 : memref<36x8x64xf32, #tpu.memory_space<hbm>>)
      } else {
      }
      %add3A_287 = arith.addi %add3A_4, %add3A_281 : i32
      %jit3A_288 = arith.constant 2 : i32
      %div3A_289 = arith.divsi %add3A_287, %jit3A_288 : i32
      %sign3A_290 = arith.constant 0 : i32
      %sign3A_291 = arith.cmpi sgt, %add3A_287, %sign3A_290 : i32
      %sign3A_292 = arith.extui %sign3A_291 : i1 to i32
      %sign3A_293 = arith.constant 0 : i32
      %sign3A_294 = arith.cmpi slt, %add3A_287, %sign3A_293 : i32
      %sign3A_295 = arith.extui %sign3A_294 : i1 to i32
      %sign3A_296 = arith.subi %sign3A_292, %sign3A_295 : i32
      %sign3A_297 = arith.constant 0 : i32
      %sign3A_298 = arith.cmpi sgt, %jit3A_288, %sign3A_297 : i32
      %sign3A_299 = arith.extui %sign3A_298 : i1 to i32
      %sign3A_300 = arith.constant 0 : i32
      %sign3A_301 = arith.cmpi slt, %jit3A_288, %sign3A_300 : i32
      %sign3A_302 = arith.extui %sign3A_301 : i1 to i32
      %sign3A_303 = arith.subi %sign3A_299, %sign3A_302 : i32
      %ne3A_304 = arith.cmpi ne, %sign3A_296, %sign3A_303 : i32
      %rem3A_305 = arith.remsi %add3A_287, %jit3A_288 : i32
      %ne3A_306 = arith.constant 0 : i32
      %ne3A_307 = arith.cmpi ne, %rem3A_305, %ne3A_306 : i32
      %and3A_308 = arith.andi %ne3A_304, %ne3A_307 : i1
      %sub3A_309 = arith.constant 1 : i32
      %sub3A_310 = arith.subi %div3A_289, %sub3A_309 : i32
      %select_n3A_311 = arith.select %and3A_308, %sub3A_310, %div3A_289 : i32
      %jit3A_312 = arith.constant 2 : i32
      %eq3A_313 = arith.constant 0 : i32
      %eq3A_314 = arith.cmpi eq, %jit3A_312, %eq3A_313 : i32
      %jit3A_315 = arith.constant 1 : i32
      %select_n3A_316 = arith.select %eq3A_314, %jit3A_315, %jit3A_312 : i32
      %rem3A_317 = arith.remsi %add3A_287, %select_n3A_316 : i32
      %ne3A_318 = arith.constant 0 : i32
      %ne3A_319 = arith.cmpi ne, %rem3A_317, %ne3A_318 : i32
      %lt3A_320 = arith.constant 0 : i32
      %lt3A_321 = arith.cmpi slt, %rem3A_317, %lt3A_320 : i32
      %lt3A_322 = arith.constant 0 : i32
      %lt3A_323 = arith.cmpi slt, %select_n3A_316, %lt3A_322 : i32
      %ne3A_324 = arith.xori %lt3A_321, %lt3A_323 : i1
      %and3A_325 = arith.andi %ne3A_324, %ne3A_319 : i1
      %add3A_326 = arith.addi %rem3A_317, %select_n3A_316 : i32
      %select_n3A_327 = arith.select %and3A_325, %add3A_326, %rem3A_317 : i32
      %mul3A_328 = arith.constant 64 : i32
      %mul3A_329 = arith.muli %select_n3A_327, %mul3A_328 : i32
      %mul3A_330 = arith.constant 64 : i32
      %mul3A_331 = arith.muli %add3A_287, %mul3A_330 : i32
      %dma_start3A_332 = tpu.memref_slice %arg5[%mul3A_331] : memref<320000xi32, #tpu.memory_space<hbm>> -> memref<64xi32, #tpu.memory_space<hbm>>
      %dma_start3A_333 = tpu.memref_slice %arg5[%mul3A_331] : memref<320000xi32, #tpu.memory_space<hbm>> -> memref<64xi32, #tpu.memory_space<hbm>>
      tpu.enqueue_dma source(%dma_start3A_333 : memref<64xi32, #tpu.memory_space<hbm>>) target(%arg18 : memref<64xi32, #tpu.memory_space<vmem>>) target_semaphore(%arg26 : memref<!tpu.dma_semaphore, #tpu.memory_space<semaphore_mem>>)
      %dma_start3A_334 = tpu.memref_slice %arg6[%mul3A_331] : memref<320000xi32, #tpu.memory_space<hbm>> -> memref<64xi32, #tpu.memory_space<hbm>>
      %dma_start3A_335 = tpu.memref_slice %arg6[%mul3A_331] : memref<320000xi32, #tpu.memory_space<hbm>> -> memref<64xi32, #tpu.memory_space<hbm>>
      tpu.enqueue_dma source(%dma_start3A_335 : memref<64xi32, #tpu.memory_space<hbm>>) target(%arg22 : memref<64xi32, #tpu.memory_space<vmem>>) target_semaphore(%arg26 : memref<!tpu.dma_semaphore, #tpu.memory_space<semaphore_mem>>)
      %dma_start3A_336 = arith.constant 0 : i32
      %dma_start3A_337 = arith.constant 0 : i32
      %dma_start3A_338 = arith.constant 0 : i32
      %dma_start3A_339 = tpu.memref_slice %arg14[%dma_start3A_336, %dma_start3A_337, %dma_start3A_338] : memref<36x8x65xf32, #tpu.memory_space<vmem>> -> memref<2x8x64xf32, #tpu.memory_space<vmem>>
      %dma_start3A_340 = arith.constant 0 : i32
      %dma_start3A_341 = arith.constant 0 : i32
      %dma_start3A_342 = tpu.memref_slice %arg3[%dma_start3A_340, %select_n3A_311, %dma_start3A_341, %mul3A_329] : memref<2x2500x8x128xf32, #tpu.memory_space<hbm>> -> memref<2x1x8x64xf32, #tpu.memory_space<hbm>>
      %dma_start3A_343 = tpu.memref_squeeze %dma_start3A_342 : memref<2x1x8x64xf32, #tpu.memory_space<hbm>> -> memref<2x8x64xf32, #tpu.memory_space<hbm>>
      %dma_start3A_344 = arith.constant 0 : i32
      %dma_start3A_345 = arith.constant 0 : i32
      %dma_start3A_346 = arith.constant 0 : i32
      %dma_start3A_347 = tpu.memref_slice %arg14[%dma_start3A_344, %dma_start3A_345, %dma_start3A_346] : memref<36x8x65xf32, #tpu.memory_space<vmem>> -> memref<2x8x64xf32, #tpu.memory_space<vmem>>
      %dma_start3A_348 = arith.constant 0 : i32
      %dma_start3A_349 = arith.constant 0 : i32
      %dma_start3A_350 = tpu.memref_slice %arg3[%dma_start3A_348, %select_n3A_311, %dma_start3A_349, %mul3A_329] : memref<2x2500x8x128xf32, #tpu.memory_space<hbm>> -> memref<2x1x8x64xf32, #tpu.memory_space<hbm>>
      %dma_start3A_351 = tpu.memref_squeeze %dma_start3A_350 : memref<2x1x8x64xf32, #tpu.memory_space<hbm>> -> memref<2x8x64xf32, #tpu.memory_space<hbm>>
      tpu.enqueue_dma source(%dma_start3A_351 : memref<2x8x64xf32, #tpu.memory_space<hbm>>) target(%dma_start3A_347 : memref<2x8x64xf32, #tpu.memory_space<vmem>>) target_semaphore(%arg30 : memref<!tpu.dma_semaphore, #tpu.memory_space<semaphore_mem>>)
      %mul3A_352 = arith.constant 4 : i32
      %mul3A_353 = arith.muli %scan3A_131, %mul3A_352 : i32
      %add3A_354 = arith.constant 3 : i32
      %add3A_355 = arith.addi %mul3A_353, %add3A_354 : i32
      %gt3A_356 = arith.constant 0 : i32
      %gt3A_357 = arith.cmpi sgt, %scan3A_131, %gt3A_356 : i32
      %convert_element_type3A_358 = arith.extui %gt3A_357 : i1 to i32
      %cond3A_359 = arith.constant 0 : i32
      %cond3A_360 = arith.cmpi ne, %convert_element_type3A_358, %cond3A_359 : i32
      scf.if %cond3A_360 {
        %dma_wait3A_906 = arith.constant 0 : i32
        %dma_wait3A_907 = arith.constant 0 : i32
        %dma_wait3A_908 = arith.constant 0 : i32
        %dma_wait3A_909 = arith.constant 0 : i32
        %dma_wait3A_910 = tpu.memref_slice %arg15[%dma_wait3A_907, %dma_wait3A_908, %dma_wait3A_909] : memref<36x8x65xf32, #tpu.memory_space<vmem>> -> memref<36x8x64xf32, #tpu.memory_space<vmem>>
        %dma_wait3A_911 = arith.constant 0 : i32
        %dma_wait3A_912 = arith.constant 0 : i32
        %dma_wait3A_913 = arith.constant 0 : i32
        %dma_wait3A_914 = tpu.memref_slice %arg7[%dma_wait3A_911, %dma_wait3A_906, %dma_wait3A_912, %dma_wait3A_913] : memref<36x2500x8x128xf32, #tpu.memory_space<hbm>> -> memref<36x1x8x64xf32, #tpu.memory_space<hbm>>
        %dma_wait3A_915 = tpu.memref_squeeze %dma_wait3A_914 : memref<36x1x8x64xf32, #tpu.memory_space<hbm>> -> memref<36x8x64xf32, #tpu.memory_space<hbm>>
        %dma_wait3A_916 = arith.constant 0 : i32
        %dma_wait3A_917 = arith.constant 0 : i32
        %dma_wait3A_918 = arith.constant 0 : i32
        %dma_wait3A_919 = tpu.memref_slice %arg7[%dma_wait3A_916, %dma_wait3A_906, %dma_wait3A_917, %dma_wait3A_918] : memref<36x2500x8x128xf32, #tpu.memory_space<hbm>> -> memref<36x1x8x64xf32, #tpu.memory_space<hbm>>
        %dma_wait3A_920 = tpu.memref_squeeze %dma_wait3A_919 : memref<36x1x8x64xf32, #tpu.memory_space<hbm>> -> memref<36x8x64xf32, #tpu.memory_space<hbm>>
        %dma_wait3A_921 = arith.constant 0 : i32
        %dma_wait3A_922 = arith.constant 0 : i32
        %dma_wait3A_923 = arith.constant 0 : i32
        %dma_wait3A_924 = tpu.memref_slice %arg15[%dma_wait3A_921, %dma_wait3A_922, %dma_wait3A_923] : memref<36x8x65xf32, #tpu.memory_space<vmem>> -> memref<36x8x64xf32, #tpu.memory_space<vmem>>
        tpu.wait_dma2 semaphore(%arg43 : memref<!tpu.dma_semaphore, #tpu.memory_space<semaphore_mem>>) src(%dma_wait3A_924 : memref<36x8x64xf32, #tpu.memory_space<vmem>>) dst(%dma_wait3A_920 : memref<36x8x64xf32, #tpu.memory_space<hbm>>)
      } else {
      }
      %add3A_361 = arith.addi %add3A_4, %add3A_355 : i32
      %jit3A_362 = arith.constant 2 : i32
      %div3A_363 = arith.divsi %add3A_361, %jit3A_362 : i32
      %sign3A_364 = arith.constant 0 : i32
      %sign3A_365 = arith.cmpi sgt, %add3A_361, %sign3A_364 : i32
      %sign3A_366 = arith.extui %sign3A_365 : i1 to i32
      %sign3A_367 = arith.constant 0 : i32
      %sign3A_368 = arith.cmpi slt, %add3A_361, %sign3A_367 : i32
      %sign3A_369 = arith.extui %sign3A_368 : i1 to i32
      %sign3A_370 = arith.subi %sign3A_366, %sign3A_369 : i32
      %sign3A_371 = arith.constant 0 : i32
      %sign3A_372 = arith.cmpi sgt, %jit3A_362, %sign3A_371 : i32
      %sign3A_373 = arith.extui %sign3A_372 : i1 to i32
      %sign3A_374 = arith.constant 0 : i32
      %sign3A_375 = arith.cmpi slt, %jit3A_362, %sign3A_374 : i32
      %sign3A_376 = arith.extui %sign3A_375 : i1 to i32
      %sign3A_377 = arith.subi %sign3A_373, %sign3A_376 : i32
      %ne3A_378 = arith.cmpi ne, %sign3A_370, %sign3A_377 : i32
      %rem3A_379 = arith.remsi %add3A_361, %jit3A_362 : i32
      %ne3A_380 = arith.constant 0 : i32
      %ne3A_381 = arith.cmpi ne, %rem3A_379, %ne3A_380 : i32
      %and3A_382 = arith.andi %ne3A_378, %ne3A_381 : i1
      %sub3A_383 = arith.constant 1 : i32
      %sub3A_384 = arith.subi %div3A_363, %sub3A_383 : i32
      %select_n3A_385 = arith.select %and3A_382, %sub3A_384, %div3A_363 : i32
      %jit3A_386 = arith.constant 2 : i32
      %eq3A_387 = arith.constant 0 : i32
      %eq3A_388 = arith.cmpi eq, %jit3A_386, %eq3A_387 : i32
      %jit3A_389 = arith.constant 1 : i32
      %select_n3A_390 = arith.select %eq3A_388, %jit3A_389, %jit3A_386 : i32
      %rem3A_391 = arith.remsi %add3A_361, %select_n3A_390 : i32
      %ne3A_392 = arith.constant 0 : i32
      %ne3A_393 = arith.cmpi ne, %rem3A_391, %ne3A_392 : i32
      %lt3A_394 = arith.constant 0 : i32
      %lt3A_395 = arith.cmpi slt, %rem3A_391, %lt3A_394 : i32
      %lt3A_396 = arith.constant 0 : i32
      %lt3A_397 = arith.cmpi slt, %select_n3A_390, %lt3A_396 : i32
      %ne3A_398 = arith.xori %lt3A_395, %lt3A_397 : i1
      %and3A_399 = arith.andi %ne3A_398, %ne3A_393 : i1
      %add3A_400 = arith.addi %rem3A_391, %select_n3A_390 : i32
      %select_n3A_401 = arith.select %and3A_399, %add3A_400, %rem3A_391 : i32
      %mul3A_402 = arith.constant 64 : i32
      %mul3A_403 = arith.muli %select_n3A_401, %mul3A_402 : i32
      %mul3A_404 = arith.constant 64 : i32
      %mul3A_405 = arith.muli %add3A_361, %mul3A_404 : i32
      %dma_start3A_406 = tpu.memref_slice %arg5[%mul3A_405] : memref<320000xi32, #tpu.memory_space<hbm>> -> memref<64xi32, #tpu.memory_space<hbm>>
      %dma_start3A_407 = tpu.memref_slice %arg5[%mul3A_405] : memref<320000xi32, #tpu.memory_space<hbm>> -> memref<64xi32, #tpu.memory_space<hbm>>
      tpu.enqueue_dma source(%dma_start3A_407 : memref<64xi32, #tpu.memory_space<hbm>>) target(%arg19 : memref<64xi32, #tpu.memory_space<vmem>>) target_semaphore(%arg27 : memref<!tpu.dma_semaphore, #tpu.memory_space<semaphore_mem>>)
      %dma_start3A_408 = tpu.memref_slice %arg6[%mul3A_405] : memref<320000xi32, #tpu.memory_space<hbm>> -> memref<64xi32, #tpu.memory_space<hbm>>
      %dma_start3A_409 = tpu.memref_slice %arg6[%mul3A_405] : memref<320000xi32, #tpu.memory_space<hbm>> -> memref<64xi32, #tpu.memory_space<hbm>>
      tpu.enqueue_dma source(%dma_start3A_409 : memref<64xi32, #tpu.memory_space<hbm>>) target(%arg23 : memref<64xi32, #tpu.memory_space<vmem>>) target_semaphore(%arg27 : memref<!tpu.dma_semaphore, #tpu.memory_space<semaphore_mem>>)
      %dma_start3A_410 = arith.constant 0 : i32
      %dma_start3A_411 = arith.constant 0 : i32
      %dma_start3A_412 = arith.constant 0 : i32
      %dma_start3A_413 = tpu.memref_slice %arg15[%dma_start3A_410, %dma_start3A_411, %dma_start3A_412] : memref<36x8x65xf32, #tpu.memory_space<vmem>> -> memref<2x8x64xf32, #tpu.memory_space<vmem>>
      %dma_start3A_414 = arith.constant 0 : i32
      %dma_start3A_415 = arith.constant 0 : i32
      %dma_start3A_416 = tpu.memref_slice %arg3[%dma_start3A_414, %select_n3A_385, %dma_start3A_415, %mul3A_403] : memref<2x2500x8x128xf32, #tpu.memory_space<hbm>> -> memref<2x1x8x64xf32, #tpu.memory_space<hbm>>
      %dma_start3A_417 = tpu.memref_squeeze %dma_start3A_416 : memref<2x1x8x64xf32, #tpu.memory_space<hbm>> -> memref<2x8x64xf32, #tpu.memory_space<hbm>>
      %dma_start3A_418 = arith.constant 0 : i32
      %dma_start3A_419 = arith.constant 0 : i32
      %dma_start3A_420 = arith.constant 0 : i32
      %dma_start3A_421 = tpu.memref_slice %arg15[%dma_start3A_418, %dma_start3A_419, %dma_start3A_420] : memref<36x8x65xf32, #tpu.memory_space<vmem>> -> memref<2x8x64xf32, #tpu.memory_space<vmem>>
      %dma_start3A_422 = arith.constant 0 : i32
      %dma_start3A_423 = arith.constant 0 : i32
      %dma_start3A_424 = tpu.memref_slice %arg3[%dma_start3A_422, %select_n3A_385, %dma_start3A_423, %mul3A_403] : memref<2x2500x8x128xf32, #tpu.memory_space<hbm>> -> memref<2x1x8x64xf32, #tpu.memory_space<hbm>>
      %dma_start3A_425 = tpu.memref_squeeze %dma_start3A_424 : memref<2x1x8x64xf32, #tpu.memory_space<hbm>> -> memref<2x8x64xf32, #tpu.memory_space<hbm>>
      tpu.enqueue_dma source(%dma_start3A_425 : memref<2x8x64xf32, #tpu.memory_space<hbm>>) target(%dma_start3A_421 : memref<2x8x64xf32, #tpu.memory_space<vmem>>) target_semaphore(%arg31 : memref<!tpu.dma_semaphore, #tpu.memory_space<semaphore_mem>>)
      %dma_wait3A_426 = arith.constant 0 : i32
      %dma_wait3A_427 = tpu.memref_slice %arg5[%dma_wait3A_426] : memref<320000xi32, #tpu.memory_space<hbm>> -> memref<64xi32, #tpu.memory_space<hbm>>
      %dma_wait3A_428 = arith.constant 0 : i32
      %dma_wait3A_429 = tpu.memref_slice %arg5[%dma_wait3A_428] : memref<320000xi32, #tpu.memory_space<hbm>> -> memref<64xi32, #tpu.memory_space<hbm>>
      tpu.wait_dma2 semaphore(%arg24 : memref<!tpu.dma_semaphore, #tpu.memory_space<semaphore_mem>>) src(%dma_wait3A_429 : memref<64xi32, #tpu.memory_space<hbm>>) dst(%arg16 : memref<64xi32, #tpu.memory_space<vmem>>)
      %dma_wait3A_430 = arith.constant 0 : i32
      %dma_wait3A_431 = tpu.memref_slice %arg6[%dma_wait3A_430] : memref<320000xi32, #tpu.memory_space<hbm>> -> memref<64xi32, #tpu.memory_space<hbm>>
      %dma_wait3A_432 = arith.constant 0 : i32
      %dma_wait3A_433 = tpu.memref_slice %arg6[%dma_wait3A_432] : memref<320000xi32, #tpu.memory_space<hbm>> -> memref<64xi32, #tpu.memory_space<hbm>>
      tpu.wait_dma2 semaphore(%arg24 : memref<!tpu.dma_semaphore, #tpu.memory_space<semaphore_mem>>) src(%dma_wait3A_433 : memref<64xi32, #tpu.memory_space<hbm>>) dst(%arg20 : memref<64xi32, #tpu.memory_space<vmem>>)
      %dma_start3A_434 = arith.constant 0 : i32
      %dma_start3A_435 = arith.constant 0 : i32
      %dma_start3A_436 = tpu.memref_slice %arg2[%dma_start3A_434, %dma_start3A_435] : memref<10000x128xf32, #tpu.memory_space<hbm>> -> memref<10000x128xf32, #tpu.memory_space<hbm>>
      tpu.enqueue_indirect_dma source(%dma_start3A_436 : memref<10000x128xf32, #tpu.memory_space<hbm>>) target(%arg8 : memref<64x128xf32, #tpu.memory_space<vmem>>) offsets(%arg16 : memref<64xi32, #tpu.memory_space<vmem>>) semaphore(%arg32 : memref<!tpu.dma_semaphore, #tpu.memory_space<semaphore_mem>>)
      %dma_wait3A_437 = arith.constant 0 : i32
      %dma_wait3A_438 = tpu.memref_slice %arg5[%dma_wait3A_437] : memref<320000xi32, #tpu.memory_space<hbm>> -> memref<64xi32, #tpu.memory_space<hbm>>
      %dma_wait3A_439 = arith.constant 0 : i32
      %dma_wait3A_440 = tpu.memref_slice %arg5[%dma_wait3A_439] : memref<320000xi32, #tpu.memory_space<hbm>> -> memref<64xi32, #tpu.memory_space<hbm>>
      tpu.wait_dma2 semaphore(%arg25 : memref<!tpu.dma_semaphore, #tpu.memory_space<semaphore_mem>>) src(%dma_wait3A_440 : memref<64xi32, #tpu.memory_space<hbm>>) dst(%arg17 : memref<64xi32, #tpu.memory_space<vmem>>)
      %dma_wait3A_441 = arith.constant 0 : i32
      %dma_wait3A_442 = tpu.memref_slice %arg6[%dma_wait3A_441] : memref<320000xi32, #tpu.memory_space<hbm>> -> memref<64xi32, #tpu.memory_space<hbm>>
      %dma_wait3A_443 = arith.constant 0 : i32
      %dma_wait3A_444 = tpu.memref_slice %arg6[%dma_wait3A_443] : memref<320000xi32, #tpu.memory_space<hbm>> -> memref<64xi32, #tpu.memory_space<hbm>>
      tpu.wait_dma2 semaphore(%arg25 : memref<!tpu.dma_semaphore, #tpu.memory_space<semaphore_mem>>) src(%dma_wait3A_444 : memref<64xi32, #tpu.memory_space<hbm>>) dst(%arg21 : memref<64xi32, #tpu.memory_space<vmem>>)
      %dma_start3A_445 = arith.constant 0 : i32
      %dma_start3A_446 = arith.constant 0 : i32
      %dma_start3A_447 = tpu.memref_slice %arg2[%dma_start3A_445, %dma_start3A_446] : memref<10000x128xf32, #tpu.memory_space<hbm>> -> memref<10000x128xf32, #tpu.memory_space<hbm>>
      tpu.enqueue_indirect_dma source(%dma_start3A_447 : memref<10000x128xf32, #tpu.memory_space<hbm>>) target(%arg9 : memref<64x128xf32, #tpu.memory_space<vmem>>) offsets(%arg17 : memref<64xi32, #tpu.memory_space<vmem>>) semaphore(%arg33 : memref<!tpu.dma_semaphore, #tpu.memory_space<semaphore_mem>>)
      %dma_wait3A_448 = arith.constant 0 : i32
      %dma_wait3A_449 = tpu.memref_slice %arg5[%dma_wait3A_448] : memref<320000xi32, #tpu.memory_space<hbm>> -> memref<64xi32, #tpu.memory_space<hbm>>
      %dma_wait3A_450 = arith.constant 0 : i32
      %dma_wait3A_451 = tpu.memref_slice %arg5[%dma_wait3A_450] : memref<320000xi32, #tpu.memory_space<hbm>> -> memref<64xi32, #tpu.memory_space<hbm>>
      tpu.wait_dma2 semaphore(%arg26 : memref<!tpu.dma_semaphore, #tpu.memory_space<semaphore_mem>>) src(%dma_wait3A_451 : memref<64xi32, #tpu.memory_space<hbm>>) dst(%arg18 : memref<64xi32, #tpu.memory_space<vmem>>)
      %dma_wait3A_452 = arith.constant 0 : i32
      %dma_wait3A_453 = tpu.memref_slice %arg6[%dma_wait3A_452] : memref<320000xi32, #tpu.memory_space<hbm>> -> memref<64xi32, #tpu.memory_space<hbm>>
      %dma_wait3A_454 = arith.constant 0 : i32
      %dma_wait3A_455 = tpu.memref_slice %arg6[%dma_wait3A_454] : memref<320000xi32, #tpu.memory_space<hbm>> -> memref<64xi32, #tpu.memory_space<hbm>>
      tpu.wait_dma2 semaphore(%arg26 : memref<!tpu.dma_semaphore, #tpu.memory_space<semaphore_mem>>) src(%dma_wait3A_455 : memref<64xi32, #tpu.memory_space<hbm>>) dst(%arg22 : memref<64xi32, #tpu.memory_space<vmem>>)
      %dma_start3A_456 = arith.constant 0 : i32
      %dma_start3A_457 = arith.constant 0 : i32
      %dma_start3A_458 = tpu.memref_slice %arg2[%dma_start3A_456, %dma_start3A_457] : memref<10000x128xf32, #tpu.memory_space<hbm>> -> memref<10000x128xf32, #tpu.memory_space<hbm>>
      tpu.enqueue_indirect_dma source(%dma_start3A_458 : memref<10000x128xf32, #tpu.memory_space<hbm>>) target(%arg10 : memref<64x128xf32, #tpu.memory_space<vmem>>) offsets(%arg18 : memref<64xi32, #tpu.memory_space<vmem>>) semaphore(%arg34 : memref<!tpu.dma_semaphore, #tpu.memory_space<semaphore_mem>>)
      %dma_wait3A_459 = arith.constant 0 : i32
      %dma_wait3A_460 = tpu.memref_slice %arg5[%dma_wait3A_459] : memref<320000xi32, #tpu.memory_space<hbm>> -> memref<64xi32, #tpu.memory_space<hbm>>
      %dma_wait3A_461 = arith.constant 0 : i32
      %dma_wait3A_462 = tpu.memref_slice %arg5[%dma_wait3A_461] : memref<320000xi32, #tpu.memory_space<hbm>> -> memref<64xi32, #tpu.memory_space<hbm>>
      tpu.wait_dma2 semaphore(%arg27 : memref<!tpu.dma_semaphore, #tpu.memory_space<semaphore_mem>>) src(%dma_wait3A_462 : memref<64xi32, #tpu.memory_space<hbm>>) dst(%arg19 : memref<64xi32, #tpu.memory_space<vmem>>)
      %dma_wait3A_463 = arith.constant 0 : i32
      %dma_wait3A_464 = tpu.memref_slice %arg6[%dma_wait3A_463] : memref<320000xi32, #tpu.memory_space<hbm>> -> memref<64xi32, #tpu.memory_space<hbm>>
      %dma_wait3A_465 = arith.constant 0 : i32
      %dma_wait3A_466 = tpu.memref_slice %arg6[%dma_wait3A_465] : memref<320000xi32, #tpu.memory_space<hbm>> -> memref<64xi32, #tpu.memory_space<hbm>>
      tpu.wait_dma2 semaphore(%arg27 : memref<!tpu.dma_semaphore, #tpu.memory_space<semaphore_mem>>) src(%dma_wait3A_466 : memref<64xi32, #tpu.memory_space<hbm>>) dst(%arg23 : memref<64xi32, #tpu.memory_space<vmem>>)
      %dma_start3A_467 = arith.constant 0 : i32
      %dma_start3A_468 = arith.constant 0 : i32
      %dma_start3A_469 = tpu.memref_slice %arg2[%dma_start3A_467, %dma_start3A_468] : memref<10000x128xf32, #tpu.memory_space<hbm>> -> memref<10000x128xf32, #tpu.memory_space<hbm>>
      tpu.enqueue_indirect_dma source(%dma_start3A_469 : memref<10000x128xf32, #tpu.memory_space<hbm>>) target(%arg11 : memref<64x128xf32, #tpu.memory_space<vmem>>) offsets(%arg19 : memref<64xi32, #tpu.memory_space<vmem>>) semaphore(%arg35 : memref<!tpu.dma_semaphore, #tpu.memory_space<semaphore_mem>>)
      %dma_wait3A_470 = arith.constant 0 : i32
      %dma_wait3A_471 = arith.constant 0 : i32
      %dma_wait3A_472 = tpu.memref_slice %arg2[%dma_wait3A_470, %dma_wait3A_471] : memref<10000x128xf32, #tpu.memory_space<hbm>> -> memref<64x128xf32, #tpu.memory_space<hbm>>
      %dma_wait3A_473 = arith.constant 0 : i32
      %dma_wait3A_474 = arith.constant 0 : i32
      %dma_wait3A_475 = tpu.memref_slice %arg2[%dma_wait3A_473, %dma_wait3A_474] : memref<10000x128xf32, #tpu.memory_space<hbm>> -> memref<64x128xf32, #tpu.memory_space<hbm>>
      tpu.wait_dma2 semaphore(%arg32 : memref<!tpu.dma_semaphore, #tpu.memory_space<semaphore_mem>>) src(%dma_wait3A_475 : memref<64x128xf32, #tpu.memory_space<hbm>>) dst(%arg8 : memref<64x128xf32, #tpu.memory_space<vmem>>)
      %scan3A_476 = arith.constant 0 : i32
      %scan3A_477 = arith.constant 0 : i32
      %scan3A_478 = arith.constant 64 : i32
      %scan3A_479 = arith.addi %scan3A_477, %scan3A_478 : i32
      %scan3A_480 = arith.constant 1 : i32
      scf.for %scan3A_906 = %scan3A_477 to %scan3A_479 step %scan3A_480  : i32 {
        %broadcast_in_dim3A = vector.broadcast %scan3A_906 : i32 to vector<16xi32>
        %get3A = arith.index_cast %scan3A_906 : i32 to index
        %get3A_907 = arith.constant 0 : index
        %get3A_908 = tpu.vector_load %arg8[%get3A, %get3A_907] {strides = array<i32>} : memref<64x128xf32, #tpu.memory_space<vmem>>, vector<16xf32>,
        %get3A_909 = arith.index_cast %scan3A_906 : i32 to index
        %get3A_910 = arith.constant 16 : index
        %get3A_911 = tpu.vector_load %arg8[%get3A_909, %get3A_910] {strides = array<i32>} : memref<64x128xf32, #tpu.memory_space<vmem>>, vector<16xf32>,
        %get3A_912 = arith.index_cast %scan3A_906 : i32 to index
        %get3A_913 = arith.constant 32 : index
        %get3A_914 = tpu.vector_load %arg8[%get3A_912, %get3A_913] {strides = array<i32>} : memref<64x128xf32, #tpu.memory_space<vmem>>, vector<16xf32>,
        %get3A_915 = arith.index_cast %scan3A_906 : i32 to index
        %get3A_916 = arith.constant 48 : index
        %get3A_917 = tpu.vector_load %arg8[%get3A_915, %get3A_916] {strides = array<i32>} : memref<64x128xf32, #tpu.memory_space<vmem>>, vector<16xf32>,
        %get3A_918 = arith.index_cast %scan3A_906 : i32 to index
        %get3A_919 = arith.constant 64 : index
        %get3A_920 = tpu.vector_load %arg8[%get3A_918, %get3A_919] {strides = array<i32>} : memref<64x128xf32, #tpu.memory_space<vmem>>, vector<16xf32>,
        %get3A_921 = arith.index_cast %scan3A_906 : i32 to index
        %get3A_922 = arith.constant 80 : index
        %get3A_923 = tpu.vector_load %arg8[%get3A_921, %get3A_922] {strides = array<i32>} : memref<64x128xf32, #tpu.memory_space<vmem>>, vector<16xf32>,
        %get3A_924 = arith.index_cast %scan3A_906 : i32 to index
        %get3A_925 = arith.constant 96 : index
        %get3A_926 = tpu.vector_load %arg8[%get3A_924, %get3A_925] {strides = array<i32>} : memref<64x128xf32, #tpu.memory_space<vmem>>, vector<16xf32>,
        %get3A_927 = arith.index_cast %scan3A_906 : i32 to index
        %get3A_928 = arith.constant 112 : index
        %get3A_929 = tpu.vector_load %arg8[%get3A_927, %get3A_928] {strides = array<i32>} : memref<64x128xf32, #tpu.memory_space<vmem>>, vector<16xf32>,
        %add3A_930 = arith.constant 2 : i32
        %add3A_931 = vector.broadcast %add3A_930 : i32 to vector<16xi32>
        %add3A_932 = arith.addi %select_n3A, %add3A_931 : vector<16xi32>
        tpu.vector_store_idx %arg12[%add3A_932, %select_n3A_47, %broadcast_in_dim3A], %get3A_908 : memref<36x8x65xf32, #tpu.memory_space<vmem>>[vector<16xi32>, vector<16xi32>, vector<16xi32>], vector<16xf32>,
        %add3A_933 = arith.constant 4 : i32
        %add3A_934 = vector.broadcast %add3A_933 : i32 to vector<16xi32>
        %add3A_935 = arith.addi %select_n3A, %add3A_934 : vector<16xi32>
        tpu.vector_store_idx %arg12[%add3A_935, %select_n3A_47, %broadcast_in_dim3A], %get3A_911 : memref<36x8x65xf32, #tpu.memory_space<vmem>>[vector<16xi32>, vector<16xi32>, vector<16xi32>], vector<16xf32>,
        %add3A_936 = arith.constant 6 : i32
        %add3A_937 = vector.broadcast %add3A_936 : i32 to vector<16xi32>
        %add3A_938 = arith.addi %select_n3A, %add3A_937 : vector<16xi32>
        tpu.vector_store_idx %arg12[%add3A_938, %select_n3A_47, %broadcast_in_dim3A], %get3A_914 : memref<36x8x65xf32, #tpu.memory_space<vmem>>[vector<16xi32>, vector<16xi32>, vector<16xi32>], vector<16xf32>,
        %add3A_939 = arith.constant 8 : i32
        %add3A_940 = vector.broadcast %add3A_939 : i32 to vector<16xi32>
        %add3A_941 = arith.addi %select_n3A, %add3A_940 : vector<16xi32>
        tpu.vector_store_idx %arg12[%add3A_941, %select_n3A_47, %broadcast_in_dim3A], %get3A_917 : memref<36x8x65xf32, #tpu.memory_space<vmem>>[vector<16xi32>, vector<16xi32>, vector<16xi32>], vector<16xf32>,
        %add3A_942 = arith.constant 10 : i32
        %add3A_943 = vector.broadcast %add3A_942 : i32 to vector<16xi32>
        %add3A_944 = arith.addi %select_n3A, %add3A_943 : vector<16xi32>
        tpu.vector_store_idx %arg12[%add3A_944, %select_n3A_47, %broadcast_in_dim3A], %get3A_920 : memref<36x8x65xf32, #tpu.memory_space<vmem>>[vector<16xi32>, vector<16xi32>, vector<16xi32>], vector<16xf32>,
        %add3A_945 = arith.constant 12 : i32
        %add3A_946 = vector.broadcast %add3A_945 : i32 to vector<16xi32>
        %add3A_947 = arith.addi %select_n3A, %add3A_946 : vector<16xi32>
        tpu.vector_store_idx %arg12[%add3A_947, %select_n3A_47, %broadcast_in_dim3A], %get3A_923 : memref<36x8x65xf32, #tpu.memory_space<vmem>>[vector<16xi32>, vector<16xi32>, vector<16xi32>], vector<16xf32>,
        %add3A_948 = arith.constant 14 : i32
        %add3A_949 = vector.broadcast %add3A_948 : i32 to vector<16xi32>
        %add3A_950 = arith.addi %select_n3A, %add3A_949 : vector<16xi32>
        tpu.vector_store_idx %arg12[%add3A_950, %select_n3A_47, %broadcast_in_dim3A], %get3A_926 : memref<36x8x65xf32, #tpu.memory_space<vmem>>[vector<16xi32>, vector<16xi32>, vector<16xi32>], vector<16xf32>,
        %add3A_951 = arith.constant 16 : i32
        %add3A_952 = vector.broadcast %add3A_951 : i32 to vector<16xi32>
        %add3A_953 = arith.addi %select_n3A, %add3A_952 : vector<16xi32>
        tpu.vector_store_idx %arg12[%add3A_953, %select_n3A_47, %broadcast_in_dim3A], %get3A_929 : memref<36x8x65xf32, #tpu.memory_space<vmem>>[vector<16xi32>, vector<16xi32>, vector<16xi32>], vector<16xf32>,
      }
      %scan3A_481 = arith.constant 64 : i32
      %dma_start3A_482 = arith.constant 0 : i32
      %dma_start3A_483 = arith.constant 0 : i32
      %dma_start3A_484 = tpu.memref_slice %arg2[%dma_start3A_482, %dma_start3A_483] : memref<10000x128xf32, #tpu.memory_space<hbm>> -> memref<10000x128xf32, #tpu.memory_space<hbm>>
      tpu.enqueue_indirect_dma source(%dma_start3A_484 : memref<10000x128xf32, #tpu.memory_space<hbm>>) target(%arg8 : memref<64x128xf32, #tpu.memory_space<vmem>>) offsets(%arg20 : memref<64xi32, #tpu.memory_space<vmem>>) semaphore(%arg36 : memref<!tpu.dma_semaphore, #tpu.memory_space<semaphore_mem>>)
      %dma_wait3A_485 = arith.constant 0 : i32
      %dma_wait3A_486 = arith.constant 0 : i32
      %dma_wait3A_487 = tpu.memref_slice %arg2[%dma_wait3A_485, %dma_wait3A_486] : memref<10000x128xf32, #tpu.memory_space<hbm>> -> memref<64x128xf32, #tpu.memory_space<hbm>>
      %dma_wait3A_488 = arith.constant 0 : i32
      %dma_wait3A_489 = arith.constant 0 : i32
      %dma_wait3A_490 = tpu.memref_slice %arg2[%dma_wait3A_488, %dma_wait3A_489] : memref<10000x128xf32, #tpu.memory_space<hbm>> -> memref<64x128xf32, #tpu.memory_space<hbm>>
      tpu.wait_dma2 semaphore(%arg33 : memref<!tpu.dma_semaphore, #tpu.memory_space<semaphore_mem>>) src(%dma_wait3A_490 : memref<64x128xf32, #tpu.memory_space<hbm>>) dst(%arg9 : memref<64x128xf32, #tpu.memory_space<vmem>>)
      %scan3A_491 = arith.constant 0 : i32
      %scan3A_492 = arith.constant 0 : i32
      %scan3A_493 = arith.constant 64 : i32
      %scan3A_494 = arith.addi %scan3A_492, %scan3A_493 : i32
      %scan3A_495 = arith.constant 1 : i32
      scf.for %scan3A_906 = %scan3A_492 to %scan3A_494 step %scan3A_495  : i32 {
        %broadcast_in_dim3A = vector.broadcast %scan3A_906 : i32 to vector<16xi32>
        %get3A = arith.index_cast %scan3A_906 : i32 to index
        %get3A_907 = arith.constant 0 : index
        %get3A_908 = tpu.vector_load %arg9[%get3A, %get3A_907] {strides = array<i32>} : memref<64x128xf32, #tpu.memory_space<vmem>>, vector<16xf32>,
        %get3A_909 = arith.index_cast %scan3A_906 : i32 to index
        %get3A_910 = arith.constant 16 : index
        %get3A_911 = tpu.vector_load %arg9[%get3A_909, %get3A_910] {strides = array<i32>} : memref<64x128xf32, #tpu.memory_space<vmem>>, vector<16xf32>,
        %get3A_912 = arith.index_cast %scan3A_906 : i32 to index
        %get3A_913 = arith.constant 32 : index
        %get3A_914 = tpu.vector_load %arg9[%get3A_912, %get3A_913] {strides = array<i32>} : memref<64x128xf32, #tpu.memory_space<vmem>>, vector<16xf32>,
        %get3A_915 = arith.index_cast %scan3A_906 : i32 to index
        %get3A_916 = arith.constant 48 : index
        %get3A_917 = tpu.vector_load %arg9[%get3A_915, %get3A_916] {strides = array<i32>} : memref<64x128xf32, #tpu.memory_space<vmem>>, vector<16xf32>,
        %get3A_918 = arith.index_cast %scan3A_906 : i32 to index
        %get3A_919 = arith.constant 64 : index
        %get3A_920 = tpu.vector_load %arg9[%get3A_918, %get3A_919] {strides = array<i32>} : memref<64x128xf32, #tpu.memory_space<vmem>>, vector<16xf32>,
        %get3A_921 = arith.index_cast %scan3A_906 : i32 to index
        %get3A_922 = arith.constant 80 : index
        %get3A_923 = tpu.vector_load %arg9[%get3A_921, %get3A_922] {strides = array<i32>} : memref<64x128xf32, #tpu.memory_space<vmem>>, vector<16xf32>,
        %get3A_924 = arith.index_cast %scan3A_906 : i32 to index
        %get3A_925 = arith.constant 96 : index
        %get3A_926 = tpu.vector_load %arg9[%get3A_924, %get3A_925] {strides = array<i32>} : memref<64x128xf32, #tpu.memory_space<vmem>>, vector<16xf32>,
        %get3A_927 = arith.index_cast %scan3A_906 : i32 to index
        %get3A_928 = arith.constant 112 : index
        %get3A_929 = tpu.vector_load %arg9[%get3A_927, %get3A_928] {strides = array<i32>} : memref<64x128xf32, #tpu.memory_space<vmem>>, vector<16xf32>,
        %add3A_930 = arith.constant 2 : i32
        %add3A_931 = vector.broadcast %add3A_930 : i32 to vector<16xi32>
        %add3A_932 = arith.addi %select_n3A, %add3A_931 : vector<16xi32>
        tpu.vector_store_idx %arg13[%add3A_932, %select_n3A_47, %broadcast_in_dim3A], %get3A_908 : memref<36x8x65xf32, #tpu.memory_space<vmem>>[vector<16xi32>, vector<16xi32>, vector<16xi32>], vector<16xf32>,
        %add3A_933 = arith.constant 4 : i32
        %add3A_934 = vector.broadcast %add3A_933 : i32 to vector<16xi32>
        %add3A_935 = arith.addi %select_n3A, %add3A_934 : vector<16xi32>
        tpu.vector_store_idx %arg13[%add3A_935, %select_n3A_47, %broadcast_in_dim3A], %get3A_911 : memref<36x8x65xf32, #tpu.memory_space<vmem>>[vector<16xi32>, vector<16xi32>, vector<16xi32>], vector<16xf32>,
        %add3A_936 = arith.constant 6 : i32
        %add3A_937 = vector.broadcast %add3A_936 : i32 to vector<16xi32>
        %add3A_938 = arith.addi %select_n3A, %add3A_937 : vector<16xi32>
        tpu.vector_store_idx %arg13[%add3A_938, %select_n3A_47, %broadcast_in_dim3A], %get3A_914 : memref<36x8x65xf32, #tpu.memory_space<vmem>>[vector<16xi32>, vector<16xi32>, vector<16xi32>], vector<16xf32>,
        %add3A_939 = arith.constant 8 : i32
        %add3A_940 = vector.broadcast %add3A_939 : i32 to vector<16xi32>
        %add3A_941 = arith.addi %select_n3A, %add3A_940 : vector<16xi32>
        tpu.vector_store_idx %arg13[%add3A_941, %select_n3A_47, %broadcast_in_dim3A], %get3A_917 : memref<36x8x65xf32, #tpu.memory_space<vmem>>[vector<16xi32>, vector<16xi32>, vector<16xi32>], vector<16xf32>,
        %add3A_942 = arith.constant 10 : i32
        %add3A_943 = vector.broadcast %add3A_942 : i32 to vector<16xi32>
        %add3A_944 = arith.addi %select_n3A, %add3A_943 : vector<16xi32>
        tpu.vector_store_idx %arg13[%add3A_944, %select_n3A_47, %broadcast_in_dim3A], %get3A_920 : memref<36x8x65xf32, #tpu.memory_space<vmem>>[vector<16xi32>, vector<16xi32>, vector<16xi32>], vector<16xf32>,
        %add3A_945 = arith.constant 12 : i32
        %add3A_946 = vector.broadcast %add3A_945 : i32 to vector<16xi32>
        %add3A_947 = arith.addi %select_n3A, %add3A_946 : vector<16xi32>
        tpu.vector_store_idx %arg13[%add3A_947, %select_n3A_47, %broadcast_in_dim3A], %get3A_923 : memref<36x8x65xf32, #tpu.memory_space<vmem>>[vector<16xi32>, vector<16xi32>, vector<16xi32>], vector<16xf32>,
        %add3A_948 = arith.constant 14 : i32
        %add3A_949 = vector.broadcast %add3A_948 : i32 to vector<16xi32>
        %add3A_950 = arith.addi %select_n3A, %add3A_949 : vector<16xi32>
        tpu.vector_store_idx %arg13[%add3A_950, %select_n3A_47, %broadcast_in_dim3A], %get3A_926 : memref<36x8x65xf32, #tpu.memory_space<vmem>>[vector<16xi32>, vector<16xi32>, vector<16xi32>], vector<16xf32>,
        %add3A_951 = arith.constant 16 : i32
        %add3A_952 = vector.broadcast %add3A_951 : i32 to vector<16xi32>
        %add3A_953 = arith.addi %select_n3A, %add3A_952 : vector<16xi32>
        tpu.vector_store_idx %arg13[%add3A_953, %select_n3A_47, %broadcast_in_dim3A], %get3A_929 : memref<36x8x65xf32, #tpu.memory_space<vmem>>[vector<16xi32>, vector<16xi32>, vector<16xi32>], vector<16xf32>,
      }
      %scan3A_496 = arith.constant 64 : i32
      %dma_start3A_497 = arith.constant 0 : i32
      %dma_start3A_498 = arith.constant 0 : i32
      %dma_start3A_499 = tpu.memref_slice %arg2[%dma_start3A_497, %dma_start3A_498] : memref<10000x128xf32, #tpu.memory_space<hbm>> -> memref<10000x128xf32, #tpu.memory_space<hbm>>
      tpu.enqueue_indirect_dma source(%dma_start3A_499 : memref<10000x128xf32, #tpu.memory_space<hbm>>) target(%arg9 : memref<64x128xf32, #tpu.memory_space<vmem>>) offsets(%arg21 : memref<64xi32, #tpu.memory_space<vmem>>) semaphore(%arg37 : memref<!tpu.dma_semaphore, #tpu.memory_space<semaphore_mem>>)
      %dma_wait3A_500 = arith.constant 0 : i32
      %dma_wait3A_501 = arith.constant 0 : i32
      %dma_wait3A_502 = tpu.memref_slice %arg2[%dma_wait3A_500, %dma_wait3A_501] : memref<10000x128xf32, #tpu.memory_space<hbm>> -> memref<64x128xf32, #tpu.memory_space<hbm>>
      %dma_wait3A_503 = arith.constant 0 : i32
      %dma_wait3A_504 = arith.constant 0 : i32
      %dma_wait3A_505 = tpu.memref_slice %arg2[%dma_wait3A_503, %dma_wait3A_504] : memref<10000x128xf32, #tpu.memory_space<hbm>> -> memref<64x128xf32, #tpu.memory_space<hbm>>
      tpu.wait_dma2 semaphore(%arg34 : memref<!tpu.dma_semaphore, #tpu.memory_space<semaphore_mem>>) src(%dma_wait3A_505 : memref<64x128xf32, #tpu.memory_space<hbm>>) dst(%arg10 : memref<64x128xf32, #tpu.memory_space<vmem>>)
      %scan3A_506 = arith.constant 0 : i32
      %scan3A_507 = arith.constant 0 : i32
      %scan3A_508 = arith.constant 64 : i32
      %scan3A_509 = arith.addi %scan3A_507, %scan3A_508 : i32
      %scan3A_510 = arith.constant 1 : i32
      scf.for %scan3A_906 = %scan3A_507 to %scan3A_509 step %scan3A_510  : i32 {
        %broadcast_in_dim3A = vector.broadcast %scan3A_906 : i32 to vector<16xi32>
        %get3A = arith.index_cast %scan3A_906 : i32 to index
        %get3A_907 = arith.constant 0 : index
        %get3A_908 = tpu.vector_load %arg10[%get3A, %get3A_907] {strides = array<i32>} : memref<64x128xf32, #tpu.memory_space<vmem>>, vector<16xf32>,
        %get3A_909 = arith.index_cast %scan3A_906 : i32 to index
        %get3A_910 = arith.constant 16 : index
        %get3A_911 = tpu.vector_load %arg10[%get3A_909, %get3A_910] {strides = array<i32>} : memref<64x128xf32, #tpu.memory_space<vmem>>, vector<16xf32>,
        %get3A_912 = arith.index_cast %scan3A_906 : i32 to index
        %get3A_913 = arith.constant 32 : index
        %get3A_914 = tpu.vector_load %arg10[%get3A_912, %get3A_913] {strides = array<i32>} : memref<64x128xf32, #tpu.memory_space<vmem>>, vector<16xf32>,
        %get3A_915 = arith.index_cast %scan3A_906 : i32 to index
        %get3A_916 = arith.constant 48 : index
        %get3A_917 = tpu.vector_load %arg10[%get3A_915, %get3A_916] {strides = array<i32>} : memref<64x128xf32, #tpu.memory_space<vmem>>, vector<16xf32>,
        %get3A_918 = arith.index_cast %scan3A_906 : i32 to index
        %get3A_919 = arith.constant 64 : index
        %get3A_920 = tpu.vector_load %arg10[%get3A_918, %get3A_919] {strides = array<i32>} : memref<64x128xf32, #tpu.memory_space<vmem>>, vector<16xf32>,
        %get3A_921 = arith.index_cast %scan3A_906 : i32 to index
        %get3A_922 = arith.constant 80 : index
        %get3A_923 = tpu.vector_load %arg10[%get3A_921, %get3A_922] {strides = array<i32>} : memref<64x128xf32, #tpu.memory_space<vmem>>, vector<16xf32>,
        %get3A_924 = arith.index_cast %scan3A_906 : i32 to index
        %get3A_925 = arith.constant 96 : index
        %get3A_926 = tpu.vector_load %arg10[%get3A_924, %get3A_925] {strides = array<i32>} : memref<64x128xf32, #tpu.memory_space<vmem>>, vector<16xf32>,
        %get3A_927 = arith.index_cast %scan3A_906 : i32 to index
        %get3A_928 = arith.constant 112 : index
        %get3A_929 = tpu.vector_load %arg10[%get3A_927, %get3A_928] {strides = array<i32>} : memref<64x128xf32, #tpu.memory_space<vmem>>, vector<16xf32>,
        %add3A_930 = arith.constant 2 : i32
        %add3A_931 = vector.broadcast %add3A_930 : i32 to vector<16xi32>
        %add3A_932 = arith.addi %select_n3A, %add3A_931 : vector<16xi32>
        tpu.vector_store_idx %arg14[%add3A_932, %select_n3A_47, %broadcast_in_dim3A], %get3A_908 : memref<36x8x65xf32, #tpu.memory_space<vmem>>[vector<16xi32>, vector<16xi32>, vector<16xi32>], vector<16xf32>,
        %add3A_933 = arith.constant 4 : i32
        %add3A_934 = vector.broadcast %add3A_933 : i32 to vector<16xi32>
        %add3A_935 = arith.addi %select_n3A, %add3A_934 : vector<16xi32>
        tpu.vector_store_idx %arg14[%add3A_935, %select_n3A_47, %broadcast_in_dim3A], %get3A_911 : memref<36x8x65xf32, #tpu.memory_space<vmem>>[vector<16xi32>, vector<16xi32>, vector<16xi32>], vector<16xf32>,
        %add3A_936 = arith.constant 6 : i32
        %add3A_937 = vector.broadcast %add3A_936 : i32 to vector<16xi32>
        %add3A_938 = arith.addi %select_n3A, %add3A_937 : vector<16xi32>
        tpu.vector_store_idx %arg14[%add3A_938, %select_n3A_47, %broadcast_in_dim3A], %get3A_914 : memref<36x8x65xf32, #tpu.memory_space<vmem>>[vector<16xi32>, vector<16xi32>, vector<16xi32>], vector<16xf32>,
        %add3A_939 = arith.constant 8 : i32
        %add3A_940 = vector.broadcast %add3A_939 : i32 to vector<16xi32>
        %add3A_941 = arith.addi %select_n3A, %add3A_940 : vector<16xi32>
        tpu.vector_store_idx %arg14[%add3A_941, %select_n3A_47, %broadcast_in_dim3A], %get3A_917 : memref<36x8x65xf32, #tpu.memory_space<vmem>>[vector<16xi32>, vector<16xi32>, vector<16xi32>], vector<16xf32>,
        %add3A_942 = arith.constant 10 : i32
        %add3A_943 = vector.broadcast %add3A_942 : i32 to vector<16xi32>
        %add3A_944 = arith.addi %select_n3A, %add3A_943 : vector<16xi32>
        tpu.vector_store_idx %arg14[%add3A_944, %select_n3A_47, %broadcast_in_dim3A], %get3A_920 : memref<36x8x65xf32, #tpu.memory_space<vmem>>[vector<16xi32>, vector<16xi32>, vector<16xi32>], vector<16xf32>,
        %add3A_945 = arith.constant 12 : i32
        %add3A_946 = vector.broadcast %add3A_945 : i32 to vector<16xi32>
        %add3A_947 = arith.addi %select_n3A, %add3A_946 : vector<16xi32>
        tpu.vector_store_idx %arg14[%add3A_947, %select_n3A_47, %broadcast_in_dim3A], %get3A_923 : memref<36x8x65xf32, #tpu.memory_space<vmem>>[vector<16xi32>, vector<16xi32>, vector<16xi32>], vector<16xf32>,
        %add3A_948 = arith.constant 14 : i32
        %add3A_949 = vector.broadcast %add3A_948 : i32 to vector<16xi32>
        %add3A_950 = arith.addi %select_n3A, %add3A_949 : vector<16xi32>
        tpu.vector_store_idx %arg14[%add3A_950, %select_n3A_47, %broadcast_in_dim3A], %get3A_926 : memref<36x8x65xf32, #tpu.memory_space<vmem>>[vector<16xi32>, vector<16xi32>, vector<16xi32>], vector<16xf32>,
        %add3A_951 = arith.constant 16 : i32
        %add3A_952 = vector.broadcast %add3A_951 : i32 to vector<16xi32>
        %add3A_953 = arith.addi %select_n3A, %add3A_952 : vector<16xi32>
        tpu.vector_store_idx %arg14[%add3A_953, %select_n3A_47, %broadcast_in_dim3A], %get3A_929 : memref<36x8x65xf32, #tpu.memory_space<vmem>>[vector<16xi32>, vector<16xi32>, vector<16xi32>], vector<16xf32>,
      }
      %scan3A_511 = arith.constant 64 : i32
      %dma_start3A_512 = arith.constant 0 : i32
      %dma_start3A_513 = arith.constant 0 : i32
      %dma_start3A_514 = tpu.memref_slice %arg2[%dma_start3A_512, %dma_start3A_513] : memref<10000x128xf32, #tpu.memory_space<hbm>> -> memref<10000x128xf32, #tpu.memory_space<hbm>>
      tpu.enqueue_indirect_dma source(%dma_start3A_514 : memref<10000x128xf32, #tpu.memory_space<hbm>>) target(%arg10 : memref<64x128xf32, #tpu.memory_space<vmem>>) offsets(%arg22 : memref<64xi32, #tpu.memory_space<vmem>>) semaphore(%arg38 : memref<!tpu.dma_semaphore, #tpu.memory_space<semaphore_mem>>)
      %dma_wait3A_515 = arith.constant 0 : i32
      %dma_wait3A_516 = arith.constant 0 : i32
      %dma_wait3A_517 = tpu.memref_slice %arg2[%dma_wait3A_515, %dma_wait3A_516] : memref<10000x128xf32, #tpu.memory_space<hbm>> -> memref<64x128xf32, #tpu.memory_space<hbm>>
      %dma_wait3A_518 = arith.constant 0 : i32
      %dma_wait3A_519 = arith.constant 0 : i32
      %dma_wait3A_520 = tpu.memref_slice %arg2[%dma_wait3A_518, %dma_wait3A_519] : memref<10000x128xf32, #tpu.memory_space<hbm>> -> memref<64x128xf32, #tpu.memory_space<hbm>>
      tpu.wait_dma2 semaphore(%arg35 : memref<!tpu.dma_semaphore, #tpu.memory_space<semaphore_mem>>) src(%dma_wait3A_520 : memref<64x128xf32, #tpu.memory_space<hbm>>) dst(%arg11 : memref<64x128xf32, #tpu.memory_space<vmem>>)
      %scan3A_521 = arith.constant 0 : i32
      %scan3A_522 = arith.constant 0 : i32
      %scan3A_523 = arith.constant 64 : i32
      %scan3A_524 = arith.addi %scan3A_522, %scan3A_523 : i32
      %scan3A_525 = arith.constant 1 : i32
      scf.for %scan3A_906 = %scan3A_522 to %scan3A_524 step %scan3A_525  : i32 {
        %broadcast_in_dim3A = vector.broadcast %scan3A_906 : i32 to vector<16xi32>
        %get3A = arith.index_cast %scan3A_906 : i32 to index
        %get3A_907 = arith.constant 0 : index
        %get3A_908 = tpu.vector_load %arg11[%get3A, %get3A_907] {strides = array<i32>} : memref<64x128xf32, #tpu.memory_space<vmem>>, vector<16xf32>,
        %get3A_909 = arith.index_cast %scan3A_906 : i32 to index
        %get3A_910 = arith.constant 16 : index
        %get3A_911 = tpu.vector_load %arg11[%get3A_909, %get3A_910] {strides = array<i32>} : memref<64x128xf32, #tpu.memory_space<vmem>>, vector<16xf32>,
        %get3A_912 = arith.index_cast %scan3A_906 : i32 to index
        %get3A_913 = arith.constant 32 : index
        %get3A_914 = tpu.vector_load %arg11[%get3A_912, %get3A_913] {strides = array<i32>} : memref<64x128xf32, #tpu.memory_space<vmem>>, vector<16xf32>,
        %get3A_915 = arith.index_cast %scan3A_906 : i32 to index
        %get3A_916 = arith.constant 48 : index
        %get3A_917 = tpu.vector_load %arg11[%get3A_915, %get3A_916] {strides = array<i32>} : memref<64x128xf32, #tpu.memory_space<vmem>>, vector<16xf32>,
        %get3A_918 = arith.index_cast %scan3A_906 : i32 to index
        %get3A_919 = arith.constant 64 : index
        %get3A_920 = tpu.vector_load %arg11[%get3A_918, %get3A_919] {strides = array<i32>} : memref<64x128xf32, #tpu.memory_space<vmem>>, vector<16xf32>,
        %get3A_921 = arith.index_cast %scan3A_906 : i32 to index
        %get3A_922 = arith.constant 80 : index
        %get3A_923 = tpu.vector_load %arg11[%get3A_921, %get3A_922] {strides = array<i32>} : memref<64x128xf32, #tpu.memory_space<vmem>>, vector<16xf32>,
        %get3A_924 = arith.index_cast %scan3A_906 : i32 to index
        %get3A_925 = arith.constant 96 : index
        %get3A_926 = tpu.vector_load %arg11[%get3A_924, %get3A_925] {strides = array<i32>} : memref<64x128xf32, #tpu.memory_space<vmem>>, vector<16xf32>,
        %get3A_927 = arith.index_cast %scan3A_906 : i32 to index
        %get3A_928 = arith.constant 112 : index
        %get3A_929 = tpu.vector_load %arg11[%get3A_927, %get3A_928] {strides = array<i32>} : memref<64x128xf32, #tpu.memory_space<vmem>>, vector<16xf32>,
        %add3A_930 = arith.constant 2 : i32
        %add3A_931 = vector.broadcast %add3A_930 : i32 to vector<16xi32>
        %add3A_932 = arith.addi %select_n3A, %add3A_931 : vector<16xi32>
        tpu.vector_store_idx %arg15[%add3A_932, %select_n3A_47, %broadcast_in_dim3A], %get3A_908 : memref<36x8x65xf32, #tpu.memory_space<vmem>>[vector<16xi32>, vector<16xi32>, vector<16xi32>], vector<16xf32>,
        %add3A_933 = arith.constant 4 : i32
        %add3A_934 = vector.broadcast %add3A_933 : i32 to vector<16xi32>
        %add3A_935 = arith.addi %select_n3A, %add3A_934 : vector<16xi32>
        tpu.vector_store_idx %arg15[%add3A_935, %select_n3A_47, %broadcast_in_dim3A], %get3A_911 : memref<36x8x65xf32, #tpu.memory_space<vmem>>[vector<16xi32>, vector<16xi32>, vector<16xi32>], vector<16xf32>,
        %add3A_936 = arith.constant 6 : i32
        %add3A_937 = vector.broadcast %add3A_936 : i32 to vector<16xi32>
        %add3A_938 = arith.addi %select_n3A, %add3A_937 : vector<16xi32>
        tpu.vector_store_idx %arg15[%add3A_938, %select_n3A_47, %broadcast_in_dim3A], %get3A_914 : memref<36x8x65xf32, #tpu.memory_space<vmem>>[vector<16xi32>, vector<16xi32>, vector<16xi32>], vector<16xf32>,
        %add3A_939 = arith.constant 8 : i32
        %add3A_940 = vector.broadcast %add3A_939 : i32 to vector<16xi32>
        %add3A_941 = arith.addi %select_n3A, %add3A_940 : vector<16xi32>
        tpu.vector_store_idx %arg15[%add3A_941, %select_n3A_47, %broadcast_in_dim3A], %get3A_917 : memref<36x8x65xf32, #tpu.memory_space<vmem>>[vector<16xi32>, vector<16xi32>, vector<16xi32>], vector<16xf32>,
        %add3A_942 = arith.constant 10 : i32
        %add3A_943 = vector.broadcast %add3A_942 : i32 to vector<16xi32>
        %add3A_944 = arith.addi %select_n3A, %add3A_943 : vector<16xi32>
        tpu.vector_store_idx %arg15[%add3A_944, %select_n3A_47, %broadcast_in_dim3A], %get3A_920 : memref<36x8x65xf32, #tpu.memory_space<vmem>>[vector<16xi32>, vector<16xi32>, vector<16xi32>], vector<16xf32>,
        %add3A_945 = arith.constant 12 : i32
        %add3A_946 = vector.broadcast %add3A_945 : i32 to vector<16xi32>
        %add3A_947 = arith.addi %select_n3A, %add3A_946 : vector<16xi32>
        tpu.vector_store_idx %arg15[%add3A_947, %select_n3A_47, %broadcast_in_dim3A], %get3A_923 : memref<36x8x65xf32, #tpu.memory_space<vmem>>[vector<16xi32>, vector<16xi32>, vector<16xi32>], vector<16xf32>,
        %add3A_948 = arith.constant 14 : i32
        %add3A_949 = vector.broadcast %add3A_948 : i32 to vector<16xi32>
        %add3A_950 = arith.addi %select_n3A, %add3A_949 : vector<16xi32>
        tpu.vector_store_idx %arg15[%add3A_950, %select_n3A_47, %broadcast_in_dim3A], %get3A_926 : memref<36x8x65xf32, #tpu.memory_space<vmem>>[vector<16xi32>, vector<16xi32>, vector<16xi32>], vector<16xf32>,
        %add3A_951 = arith.constant 16 : i32
        %add3A_952 = vector.broadcast %add3A_951 : i32 to vector<16xi32>
        %add3A_953 = arith.addi %select_n3A, %add3A_952 : vector<16xi32>
        tpu.vector_store_idx %arg15[%add3A_953, %select_n3A_47, %broadcast_in_dim3A], %get3A_929 : memref<36x8x65xf32, #tpu.memory_space<vmem>>[vector<16xi32>, vector<16xi32>, vector<16xi32>], vector<16xf32>,
      }
      %scan3A_526 = arith.constant 64 : i32
      %dma_start3A_527 = arith.constant 0 : i32
      %dma_start3A_528 = arith.constant 0 : i32
      %dma_start3A_529 = tpu.memref_slice %arg2[%dma_start3A_527, %dma_start3A_528] : memref<10000x128xf32, #tpu.memory_space<hbm>> -> memref<10000x128xf32, #tpu.memory_space<hbm>>
      tpu.enqueue_indirect_dma source(%dma_start3A_529 : memref<10000x128xf32, #tpu.memory_space<hbm>>) target(%arg11 : memref<64x128xf32, #tpu.memory_space<vmem>>) offsets(%arg23 : memref<64xi32, #tpu.memory_space<vmem>>) semaphore(%arg39 : memref<!tpu.dma_semaphore, #tpu.memory_space<semaphore_mem>>)
      %mul3A_530 = arith.constant 4 : i32
      %mul3A_531 = arith.muli %scan3A_131, %mul3A_530 : i32
      %add3A_532 = arith.constant 0 : i32
      %add3A_533 = arith.addi %mul3A_531, %add3A_532 : i32
      %dma_wait3A_534 = arith.constant 0 : i32
      %dma_wait3A_535 = arith.constant 0 : i32
      %dma_wait3A_536 = tpu.memref_slice %arg2[%dma_wait3A_534, %dma_wait3A_535] : memref<10000x128xf32, #tpu.memory_space<hbm>> -> memref<64x128xf32, #tpu.memory_space<hbm>>
      %dma_wait3A_537 = arith.constant 0 : i32
      %dma_wait3A_538 = arith.constant 0 : i32
      %dma_wait3A_539 = tpu.memref_slice %arg2[%dma_wait3A_537, %dma_wait3A_538] : memref<10000x128xf32, #tpu.memory_space<hbm>> -> memref<64x128xf32, #tpu.memory_space<hbm>>
      tpu.wait_dma2 semaphore(%arg36 : memref<!tpu.dma_semaphore, #tpu.memory_space<semaphore_mem>>) src(%dma_wait3A_539 : memref<64x128xf32, #tpu.memory_space<hbm>>) dst(%arg8 : memref<64x128xf32, #tpu.memory_space<vmem>>)
      %dma_wait3A_540 = arith.constant 0 : i32
      %dma_wait3A_541 = arith.constant 0 : i32
      %dma_wait3A_542 = arith.constant 0 : i32
      %dma_wait3A_543 = arith.constant 0 : i32
      %dma_wait3A_544 = tpu.memref_slice %arg12[%dma_wait3A_541, %dma_wait3A_542, %dma_wait3A_543] : memref<36x8x65xf32, #tpu.memory_space<vmem>> -> memref<2x8x64xf32, #tpu.memory_space<vmem>>
      %dma_wait3A_545 = arith.constant 0 : i32
      %dma_wait3A_546 = arith.constant 0 : i32
      %dma_wait3A_547 = arith.constant 0 : i32
      %dma_wait3A_548 = tpu.memref_slice %arg3[%dma_wait3A_545, %dma_wait3A_540, %dma_wait3A_546, %dma_wait3A_547] : memref<2x2500x8x128xf32, #tpu.memory_space<hbm>> -> memref<2x1x8x64xf32, #tpu.memory_space<hbm>>
      %dma_wait3A_549 = tpu.memref_squeeze %dma_wait3A_548 : memref<2x1x8x64xf32, #tpu.memory_space<hbm>> -> memref<2x8x64xf32, #tpu.memory_space<hbm>>
      %dma_wait3A_550 = arith.constant 0 : i32
      %dma_wait3A_551 = arith.constant 0 : i32
      %dma_wait3A_552 = arith.constant 0 : i32
      %dma_wait3A_553 = tpu.memref_slice %arg12[%dma_wait3A_550, %dma_wait3A_551, %dma_wait3A_552] : memref<36x8x65xf32, #tpu.memory_space<vmem>> -> memref<2x8x64xf32, #tpu.memory_space<vmem>>
      %dma_wait3A_554 = arith.constant 0 : i32
      %dma_wait3A_555 = arith.constant 0 : i32
      %dma_wait3A_556 = arith.constant 0 : i32
      %dma_wait3A_557 = tpu.memref_slice %arg3[%dma_wait3A_554, %dma_wait3A_540, %dma_wait3A_555, %dma_wait3A_556] : memref<2x2500x8x128xf32, #tpu.memory_space<hbm>> -> memref<2x1x8x64xf32, #tpu.memory_space<hbm>>
      %dma_wait3A_558 = tpu.memref_squeeze %dma_wait3A_557 : memref<2x1x8x64xf32, #tpu.memory_space<hbm>> -> memref<2x8x64xf32, #tpu.memory_space<hbm>>
      tpu.wait_dma2 semaphore(%arg28 : memref<!tpu.dma_semaphore, #tpu.memory_space<semaphore_mem>>) src(%dma_wait3A_558 : memref<2x8x64xf32, #tpu.memory_space<hbm>>) dst(%dma_wait3A_553 : memref<2x8x64xf32, #tpu.memory_space<vmem>>)
      %scan3A_559 = arith.constant 0 : i32
      %scan3A_560 = arith.constant 0 : i32
      %scan3A_561 = arith.constant 64 : i32
      %scan3A_562 = arith.addi %scan3A_560, %scan3A_561 : i32
      %scan3A_563 = arith.constant 1 : i32
      scf.for %scan3A_906 = %scan3A_560 to %scan3A_562 step %scan3A_563  : i32 {
        %broadcast_in_dim3A = vector.broadcast %scan3A_906 : i32 to vector<16xi32>
        %get3A = arith.index_cast %scan3A_906 : i32 to index
        %get3A_907 = arith.constant 0 : index
        %get3A_908 = tpu.vector_load %arg8[%get3A, %get3A_907] {strides = array<i32>} : memref<64x128xf32, #tpu.memory_space<vmem>>, vector<16xf32>,
        %get3A_909 = arith.index_cast %scan3A_906 : i32 to index
        %get3A_910 = arith.constant 16 : index
        %get3A_911 = tpu.vector_load %arg8[%get3A_909, %get3A_910] {strides = array<i32>} : memref<64x128xf32, #tpu.memory_space<vmem>>, vector<16xf32>,
        %get3A_912 = arith.index_cast %scan3A_906 : i32 to index
        %get3A_913 = arith.constant 32 : index
        %get3A_914 = tpu.vector_load %arg8[%get3A_912, %get3A_913] {strides = array<i32>} : memref<64x128xf32, #tpu.memory_space<vmem>>, vector<16xf32>,
        %get3A_915 = arith.index_cast %scan3A_906 : i32 to index
        %get3A_916 = arith.constant 48 : index
        %get3A_917 = tpu.vector_load %arg8[%get3A_915, %get3A_916] {strides = array<i32>} : memref<64x128xf32, #tpu.memory_space<vmem>>, vector<16xf32>,
        %get3A_918 = arith.index_cast %scan3A_906 : i32 to index
        %get3A_919 = arith.constant 64 : index
        %get3A_920 = tpu.vector_load %arg8[%get3A_918, %get3A_919] {strides = array<i32>} : memref<64x128xf32, #tpu.memory_space<vmem>>, vector<16xf32>,
        %get3A_921 = arith.index_cast %scan3A_906 : i32 to index
        %get3A_922 = arith.constant 80 : index
        %get3A_923 = tpu.vector_load %arg8[%get3A_921, %get3A_922] {strides = array<i32>} : memref<64x128xf32, #tpu.memory_space<vmem>>, vector<16xf32>,
        %get3A_924 = arith.index_cast %scan3A_906 : i32 to index
        %get3A_925 = arith.constant 96 : index
        %get3A_926 = tpu.vector_load %arg8[%get3A_924, %get3A_925] {strides = array<i32>} : memref<64x128xf32, #tpu.memory_space<vmem>>, vector<16xf32>,
        %get3A_927 = arith.index_cast %scan3A_906 : i32 to index
        %get3A_928 = arith.constant 112 : index
        %get3A_929 = tpu.vector_load %arg8[%get3A_927, %get3A_928] {strides = array<i32>} : memref<64x128xf32, #tpu.memory_space<vmem>>, vector<16xf32>,
        %add3A_930 = arith.constant 34 : i32
        %add3A_931 = vector.broadcast %add3A_930 : i32 to vector<16xi32>
        %add3A_932 = arith.addi %select_n3A, %add3A_931 : vector<16xi32>
        tpu.vector_store_idx %arg12[%add3A_932, %select_n3A_47, %broadcast_in_dim3A], %get3A_908 : memref<36x8x65xf32, #tpu.memory_space<vmem>>[vector<16xi32>, vector<16xi32>, vector<16xi32>], vector<16xf32>,
        %add3A_933 = arith.constant 36 : i32
        %add3A_934 = vector.broadcast %add3A_933 : i32 to vector<16xi32>
        %add3A_935 = arith.addi %select_n3A, %add3A_934 : vector<16xi32>
        tpu.vector_store_idx %arg12[%add3A_935, %select_n3A_47, %broadcast_in_dim3A], %get3A_911 : memref<36x8x65xf32, #tpu.memory_space<vmem>>[vector<16xi32>, vector<16xi32>, vector<16xi32>], vector<16xf32>,
        %add3A_936 = arith.constant 38 : i32
        %add3A_937 = vector.broadcast %add3A_936 : i32 to vector<16xi32>
        %add3A_938 = arith.addi %select_n3A, %add3A_937 : vector<16xi32>
        tpu.vector_store_idx %arg12[%add3A_938, %select_n3A_47, %broadcast_in_dim3A], %get3A_914 : memref<36x8x65xf32, #tpu.memory_space<vmem>>[vector<16xi32>, vector<16xi32>, vector<16xi32>], vector<16xf32>,
        %add3A_939 = arith.constant 40 : i32
        %add3A_940 = vector.broadcast %add3A_939 : i32 to vector<16xi32>
        %add3A_941 = arith.addi %select_n3A, %add3A_940 : vector<16xi32>
        tpu.vector_store_idx %arg12[%add3A_941, %select_n3A_47, %broadcast_in_dim3A], %get3A_917 : memref<36x8x65xf32, #tpu.memory_space<vmem>>[vector<16xi32>, vector<16xi32>, vector<16xi32>], vector<16xf32>,
        %add3A_942 = arith.constant 42 : i32
        %add3A_943 = vector.broadcast %add3A_942 : i32 to vector<16xi32>
        %add3A_944 = arith.addi %select_n3A, %add3A_943 : vector<16xi32>
        tpu.vector_store_idx %arg12[%add3A_944, %select_n3A_47, %broadcast_in_dim3A], %get3A_920 : memref<36x8x65xf32, #tpu.memory_space<vmem>>[vector<16xi32>, vector<16xi32>, vector<16xi32>], vector<16xf32>,
        %add3A_945 = arith.constant 44 : i32
        %add3A_946 = vector.broadcast %add3A_945 : i32 to vector<16xi32>
        %add3A_947 = arith.addi %select_n3A, %add3A_946 : vector<16xi32>
        tpu.vector_store_idx %arg12[%add3A_947, %select_n3A_47, %broadcast_in_dim3A], %get3A_923 : memref<36x8x65xf32, #tpu.memory_space<vmem>>[vector<16xi32>, vector<16xi32>, vector<16xi32>], vector<16xf32>,
        %add3A_948 = arith.constant 46 : i32
        %add3A_949 = vector.broadcast %add3A_948 : i32 to vector<16xi32>
        %add3A_950 = arith.addi %select_n3A, %add3A_949 : vector<16xi32>
        tpu.vector_store_idx %arg12[%add3A_950, %select_n3A_47, %broadcast_in_dim3A], %get3A_926 : memref<36x8x65xf32, #tpu.memory_space<vmem>>[vector<16xi32>, vector<16xi32>, vector<16xi32>], vector<16xf32>,
        %add3A_951 = arith.constant 48 : i32
        %add3A_952 = vector.broadcast %add3A_951 : i32 to vector<16xi32>
        %add3A_953 = arith.addi %select_n3A, %add3A_952 : vector<16xi32>
        tpu.vector_store_idx %arg12[%add3A_953, %select_n3A_47, %broadcast_in_dim3A], %get3A_929 : memref<36x8x65xf32, #tpu.memory_space<vmem>>[vector<16xi32>, vector<16xi32>, vector<16xi32>], vector<16xf32>,
      }
      %scan3A_564 = arith.constant 64 : i32
      %add3A_565 = arith.addi %add3A_4, %add3A_533 : i32
      %jit3A_566 = arith.constant 2 : i32
      %div3A_567 = arith.divsi %add3A_565, %jit3A_566 : i32
      %sign3A_568 = arith.constant 0 : i32
      %sign3A_569 = arith.cmpi sgt, %add3A_565, %sign3A_568 : i32
      %sign3A_570 = arith.extui %sign3A_569 : i1 to i32
      %sign3A_571 = arith.constant 0 : i32
      %sign3A_572 = arith.cmpi slt, %add3A_565, %sign3A_571 : i32
      %sign3A_573 = arith.extui %sign3A_572 : i1 to i32
      %sign3A_574 = arith.subi %sign3A_570, %sign3A_573 : i32
      %sign3A_575 = arith.constant 0 : i32
      %sign3A_576 = arith.cmpi sgt, %jit3A_566, %sign3A_575 : i32
      %sign3A_577 = arith.extui %sign3A_576 : i1 to i32
      %sign3A_578 = arith.constant 0 : i32
      %sign3A_579 = arith.cmpi slt, %jit3A_566, %sign3A_578 : i32
      %sign3A_580 = arith.extui %sign3A_579 : i1 to i32
      %sign3A_581 = arith.subi %sign3A_577, %sign3A_580 : i32
      %ne3A_582 = arith.cmpi ne, %sign3A_574, %sign3A_581 : i32
      %rem3A_583 = arith.remsi %add3A_565, %jit3A_566 : i32
      %ne3A_584 = arith.constant 0 : i32
      %ne3A_585 = arith.cmpi ne, %rem3A_583, %ne3A_584 : i32
      %and3A_586 = arith.andi %ne3A_582, %ne3A_585 : i1
      %sub3A_587 = arith.constant 1 : i32
      %sub3A_588 = arith.subi %div3A_567, %sub3A_587 : i32
      %select_n3A_589 = arith.select %and3A_586, %sub3A_588, %div3A_567 : i32
      %jit3A_590 = arith.constant 2 : i32
      %eq3A_591 = arith.constant 0 : i32
      %eq3A_592 = arith.cmpi eq, %jit3A_590, %eq3A_591 : i32
      %jit3A_593 = arith.constant 1 : i32
      %select_n3A_594 = arith.select %eq3A_592, %jit3A_593, %jit3A_590 : i32
      %rem3A_595 = arith.remsi %add3A_565, %select_n3A_594 : i32
      %ne3A_596 = arith.constant 0 : i32
      %ne3A_597 = arith.cmpi ne, %rem3A_595, %ne3A_596 : i32
      %lt3A_598 = arith.constant 0 : i32
      %lt3A_599 = arith.cmpi slt, %rem3A_595, %lt3A_598 : i32
      %lt3A_600 = arith.constant 0 : i32
      %lt3A_601 = arith.cmpi slt, %select_n3A_594, %lt3A_600 : i32
      %ne3A_602 = arith.xori %lt3A_599, %lt3A_601 : i1
      %and3A_603 = arith.andi %ne3A_602, %ne3A_597 : i1
      %add3A_604 = arith.addi %rem3A_595, %select_n3A_594 : i32
      %select_n3A_605 = arith.select %and3A_603, %add3A_604, %rem3A_595 : i32
      %mul3A_606 = arith.constant 64 : i32
      %mul3A_607 = arith.muli %select_n3A_605, %mul3A_606 : i32
      %dma_start3A_608 = arith.constant 0 : i32
      %dma_start3A_609 = arith.constant 0 : i32
      %dma_start3A_610 = arith.constant 0 : i32
      %dma_start3A_611 = tpu.memref_slice %arg12[%dma_start3A_608, %dma_start3A_609, %dma_start3A_610] : memref<36x8x65xf32, #tpu.memory_space<vmem>> -> memref<36x8x64xf32, #tpu.memory_space<vmem>>
      %dma_start3A_612 = arith.constant 0 : i32
      %dma_start3A_613 = arith.constant 0 : i32
      %dma_start3A_614 = tpu.memref_slice %arg7[%dma_start3A_612, %select_n3A_589, %dma_start3A_613, %mul3A_607] : memref<36x2500x8x128xf32, #tpu.memory_space<hbm>> -> memref<36x1x8x64xf32, #tpu.memory_space<hbm>>
      %dma_start3A_615 = tpu.memref_squeeze %dma_start3A_614 : memref<36x1x8x64xf32, #tpu.memory_space<hbm>> -> memref<36x8x64xf32, #tpu.memory_space<hbm>>
      %dma_start3A_616 = arith.constant 0 : i32
      %dma_start3A_617 = arith.constant 0 : i32
      %dma_start3A_618 = tpu.memref_slice %arg7[%dma_start3A_616, %select_n3A_589, %dma_start3A_617, %mul3A_607] : memref<36x2500x8x128xf32, #tpu.memory_space<hbm>> -> memref<36x1x8x64xf32, #tpu.memory_space<hbm>>
      %dma_start3A_619 = tpu.memref_squeeze %dma_start3A_618 : memref<36x1x8x64xf32, #tpu.memory_space<hbm>> -> memref<36x8x64xf32, #tpu.memory_space<hbm>>
      %dma_start3A_620 = arith.constant 0 : i32
      %dma_start3A_621 = arith.constant 0 : i32
      %dma_start3A_622 = arith.constant 0 : i32
      %dma_start3A_623 = tpu.memref_slice %arg12[%dma_start3A_620, %dma_start3A_621, %dma_start3A_622] : memref<36x8x65xf32, #tpu.memory_space<vmem>> -> memref<36x8x64xf32, #tpu.memory_space<vmem>>
      tpu.enqueue_dma source(%dma_start3A_623 : memref<36x8x64xf32, #tpu.memory_space<vmem>>) target(%dma_start3A_619 : memref<36x8x64xf32, #tpu.memory_space<hbm>>) target_semaphore(%arg40 : memref<!tpu.dma_semaphore, #tpu.memory_space<semaphore_mem>>)
      %mul3A_624 = arith.constant 4 : i32
      %mul3A_625 = arith.muli %scan3A_131, %mul3A_624 : i32
      %add3A_626 = arith.constant 1 : i32
      %add3A_627 = arith.addi %mul3A_625, %add3A_626 : i32
      %dma_wait3A_628 = arith.constant 0 : i32
      %dma_wait3A_629 = arith.constant 0 : i32
      %dma_wait3A_630 = tpu.memref_slice %arg2[%dma_wait3A_628, %dma_wait3A_629] : memref<10000x128xf32, #tpu.memory_space<hbm>> -> memref<64x128xf32, #tpu.memory_space<hbm>>
      %dma_wait3A_631 = arith.constant 0 : i32
      %dma_wait3A_632 = arith.constant 0 : i32
      %dma_wait3A_633 = tpu.memref_slice %arg2[%dma_wait3A_631, %dma_wait3A_632] : memref<10000x128xf32, #tpu.memory_space<hbm>> -> memref<64x128xf32, #tpu.memory_space<hbm>>
      tpu.wait_dma2 semaphore(%arg37 : memref<!tpu.dma_semaphore, #tpu.memory_space<semaphore_mem>>) src(%dma_wait3A_633 : memref<64x128xf32, #tpu.memory_space<hbm>>) dst(%arg9 : memref<64x128xf32, #tpu.memory_space<vmem>>)
      %dma_wait3A_634 = arith.constant 0 : i32
      %dma_wait3A_635 = arith.constant 0 : i32
      %dma_wait3A_636 = arith.constant 0 : i32
      %dma_wait3A_637 = arith.constant 0 : i32
      %dma_wait3A_638 = tpu.memref_slice %arg13[%dma_wait3A_635, %dma_wait3A_636, %dma_wait3A_637] : memref<36x8x65xf32, #tpu.memory_space<vmem>> -> memref<2x8x64xf32, #tpu.memory_space<vmem>>
      %dma_wait3A_639 = arith.constant 0 : i32
      %dma_wait3A_640 = arith.constant 0 : i32
      %dma_wait3A_641 = arith.constant 0 : i32
      %dma_wait3A_642 = tpu.memref_slice %arg3[%dma_wait3A_639, %dma_wait3A_634, %dma_wait3A_640, %dma_wait3A_641] : memref<2x2500x8x128xf32, #tpu.memory_space<hbm>> -> memref<2x1x8x64xf32, #tpu.memory_space<hbm>>
      %dma_wait3A_643 = tpu.memref_squeeze %dma_wait3A_642 : memref<2x1x8x64xf32, #tpu.memory_space<hbm>> -> memref<2x8x64xf32, #tpu.memory_space<hbm>>
      %dma_wait3A_644 = arith.constant 0 : i32
      %dma_wait3A_645 = arith.constant 0 : i32
      %dma_wait3A_646 = arith.constant 0 : i32
      %dma_wait3A_647 = tpu.memref_slice %arg13[%dma_wait3A_644, %dma_wait3A_645, %dma_wait3A_646] : memref<36x8x65xf32, #tpu.memory_space<vmem>> -> memref<2x8x64xf32, #tpu.memory_space<vmem>>
      %dma_wait3A_648 = arith.constant 0 : i32
      %dma_wait3A_649 = arith.constant 0 : i32
      %dma_wait3A_650 = arith.constant 0 : i32
      %dma_wait3A_651 = tpu.memref_slice %arg3[%dma_wait3A_648, %dma_wait3A_634, %dma_wait3A_649, %dma_wait3A_650] : memref<2x2500x8x128xf32, #tpu.memory_space<hbm>> -> memref<2x1x8x64xf32, #tpu.memory_space<hbm>>
      %dma_wait3A_652 = tpu.memref_squeeze %dma_wait3A_651 : memref<2x1x8x64xf32, #tpu.memory_space<hbm>> -> memref<2x8x64xf32, #tpu.memory_space<hbm>>
      tpu.wait_dma2 semaphore(%arg29 : memref<!tpu.dma_semaphore, #tpu.memory_space<semaphore_mem>>) src(%dma_wait3A_652 : memref<2x8x64xf32, #tpu.memory_space<hbm>>) dst(%dma_wait3A_647 : memref<2x8x64xf32, #tpu.memory_space<vmem>>)
      %scan3A_653 = arith.constant 0 : i32
      %scan3A_654 = arith.constant 0 : i32
      %scan3A_655 = arith.constant 64 : i32
      %scan3A_656 = arith.addi %scan3A_654, %scan3A_655 : i32
      %scan3A_657 = arith.constant 1 : i32
      scf.for %scan3A_906 = %scan3A_654 to %scan3A_656 step %scan3A_657  : i32 {
        %broadcast_in_dim3A = vector.broadcast %scan3A_906 : i32 to vector<16xi32>
        %get3A = arith.index_cast %scan3A_906 : i32 to index
        %get3A_907 = arith.constant 0 : index
        %get3A_908 = tpu.vector_load %arg9[%get3A, %get3A_907] {strides = array<i32>} : memref<64x128xf32, #tpu.memory_space<vmem>>, vector<16xf32>,
        %get3A_909 = arith.index_cast %scan3A_906 : i32 to index
        %get3A_910 = arith.constant 16 : index
        %get3A_911 = tpu.vector_load %arg9[%get3A_909, %get3A_910] {strides = array<i32>} : memref<64x128xf32, #tpu.memory_space<vmem>>, vector<16xf32>,
        %get3A_912 = arith.index_cast %scan3A_906 : i32 to index
        %get3A_913 = arith.constant 32 : index
        %get3A_914 = tpu.vector_load %arg9[%get3A_912, %get3A_913] {strides = array<i32>} : memref<64x128xf32, #tpu.memory_space<vmem>>, vector<16xf32>,
        %get3A_915 = arith.index_cast %scan3A_906 : i32 to index
        %get3A_916 = arith.constant 48 : index
        %get3A_917 = tpu.vector_load %arg9[%get3A_915, %get3A_916] {strides = array<i32>} : memref<64x128xf32, #tpu.memory_space<vmem>>, vector<16xf32>,
        %get3A_918 = arith.index_cast %scan3A_906 : i32 to index
        %get3A_919 = arith.constant 64 : index
        %get3A_920 = tpu.vector_load %arg9[%get3A_918, %get3A_919] {strides = array<i32>} : memref<64x128xf32, #tpu.memory_space<vmem>>, vector<16xf32>,
        %get3A_921 = arith.index_cast %scan3A_906 : i32 to index
        %get3A_922 = arith.constant 80 : index
        %get3A_923 = tpu.vector_load %arg9[%get3A_921, %get3A_922] {strides = array<i32>} : memref<64x128xf32, #tpu.memory_space<vmem>>, vector<16xf32>,
        %get3A_924 = arith.index_cast %scan3A_906 : i32 to index
        %get3A_925 = arith.constant 96 : index
        %get3A_926 = tpu.vector_load %arg9[%get3A_924, %get3A_925] {strides = array<i32>} : memref<64x128xf32, #tpu.memory_space<vmem>>, vector<16xf32>,
        %get3A_927 = arith.index_cast %scan3A_906 : i32 to index
        %get3A_928 = arith.constant 112 : index
        %get3A_929 = tpu.vector_load %arg9[%get3A_927, %get3A_928] {strides = array<i32>} : memref<64x128xf32, #tpu.memory_space<vmem>>, vector<16xf32>,
        %add3A_930 = arith.constant 34 : i32
        %add3A_931 = vector.broadcast %add3A_930 : i32 to vector<16xi32>
        %add3A_932 = arith.addi %select_n3A, %add3A_931 : vector<16xi32>
        tpu.vector_store_idx %arg13[%add3A_932, %select_n3A_47, %broadcast_in_dim3A], %get3A_908 : memref<36x8x65xf32, #tpu.memory_space<vmem>>[vector<16xi32>, vector<16xi32>, vector<16xi32>], vector<16xf32>,
        %add3A_933 = arith.constant 36 : i32
        %add3A_934 = vector.broadcast %add3A_933 : i32 to vector<16xi32>
        %add3A_935 = arith.addi %select_n3A, %add3A_934 : vector<16xi32>
        tpu.vector_store_idx %arg13[%add3A_935, %select_n3A_47, %broadcast_in_dim3A], %get3A_911 : memref<36x8x65xf32, #tpu.memory_space<vmem>>[vector<16xi32>, vector<16xi32>, vector<16xi32>], vector<16xf32>,
        %add3A_936 = arith.constant 38 : i32
        %add3A_937 = vector.broadcast %add3A_936 : i32 to vector<16xi32>
        %add3A_938 = arith.addi %select_n3A, %add3A_937 : vector<16xi32>
        tpu.vector_store_idx %arg13[%add3A_938, %select_n3A_47, %broadcast_in_dim3A], %get3A_914 : memref<36x8x65xf32, #tpu.memory_space<vmem>>[vector<16xi32>, vector<16xi32>, vector<16xi32>], vector<16xf32>,
        %add3A_939 = arith.constant 40 : i32
        %add3A_940 = vector.broadcast %add3A_939 : i32 to vector<16xi32>
        %add3A_941 = arith.addi %select_n3A, %add3A_940 : vector<16xi32>
        tpu.vector_store_idx %arg13[%add3A_941, %select_n3A_47, %broadcast_in_dim3A], %get3A_917 : memref<36x8x65xf32, #tpu.memory_space<vmem>>[vector<16xi32>, vector<16xi32>, vector<16xi32>], vector<16xf32>,
        %add3A_942 = arith.constant 42 : i32
        %add3A_943 = vector.broadcast %add3A_942 : i32 to vector<16xi32>
        %add3A_944 = arith.addi %select_n3A, %add3A_943 : vector<16xi32>
        tpu.vector_store_idx %arg13[%add3A_944, %select_n3A_47, %broadcast_in_dim3A], %get3A_920 : memref<36x8x65xf32, #tpu.memory_space<vmem>>[vector<16xi32>, vector<16xi32>, vector<16xi32>], vector<16xf32>,
        %add3A_945 = arith.constant 44 : i32
        %add3A_946 = vector.broadcast %add3A_945 : i32 to vector<16xi32>
        %add3A_947 = arith.addi %select_n3A, %add3A_946 : vector<16xi32>
        tpu.vector_store_idx %arg13[%add3A_947, %select_n3A_47, %broadcast_in_dim3A], %get3A_923 : memref<36x8x65xf32, #tpu.memory_space<vmem>>[vector<16xi32>, vector<16xi32>, vector<16xi32>], vector<16xf32>,
        %add3A_948 = arith.constant 46 : i32
        %add3A_949 = vector.broadcast %add3A_948 : i32 to vector<16xi32>
        %add3A_950 = arith.addi %select_n3A, %add3A_949 : vector<16xi32>
        tpu.vector_store_idx %arg13[%add3A_950, %select_n3A_47, %broadcast_in_dim3A], %get3A_926 : memref<36x8x65xf32, #tpu.memory_space<vmem>>[vector<16xi32>, vector<16xi32>, vector<16xi32>], vector<16xf32>,
        %add3A_951 = arith.constant 48 : i32
        %add3A_952 = vector.broadcast %add3A_951 : i32 to vector<16xi32>
        %add3A_953 = arith.addi %select_n3A, %add3A_952 : vector<16xi32>
        tpu.vector_store_idx %arg13[%add3A_953, %select_n3A_47, %broadcast_in_dim3A], %get3A_929 : memref<36x8x65xf32, #tpu.memory_space<vmem>>[vector<16xi32>, vector<16xi32>, vector<16xi32>], vector<16xf32>,
      }
      %scan3A_658 = arith.constant 64 : i32
      %add3A_659 = arith.addi %add3A_4, %add3A_627 : i32
      %jit3A_660 = arith.constant 2 : i32
      %div3A_661 = arith.divsi %add3A_659, %jit3A_660 : i32
      %sign3A_662 = arith.constant 0 : i32
      %sign3A_663 = arith.cmpi sgt, %add3A_659, %sign3A_662 : i32
      %sign3A_664 = arith.extui %sign3A_663 : i1 to i32
      %sign3A_665 = arith.constant 0 : i32
      %sign3A_666 = arith.cmpi slt, %add3A_659, %sign3A_665 : i32
      %sign3A_667 = arith.extui %sign3A_666 : i1 to i32
      %sign3A_668 = arith.subi %sign3A_664, %sign3A_667 : i32
      %sign3A_669 = arith.constant 0 : i32
      %sign3A_670 = arith.cmpi sgt, %jit3A_660, %sign3A_669 : i32
      %sign3A_671 = arith.extui %sign3A_670 : i1 to i32
      %sign3A_672 = arith.constant 0 : i32
      %sign3A_673 = arith.cmpi slt, %jit3A_660, %sign3A_672 : i32
      %sign3A_674 = arith.extui %sign3A_673 : i1 to i32
      %sign3A_675 = arith.subi %sign3A_671, %sign3A_674 : i32
      %ne3A_676 = arith.cmpi ne, %sign3A_668, %sign3A_675 : i32
      %rem3A_677 = arith.remsi %add3A_659, %jit3A_660 : i32
      %ne3A_678 = arith.constant 0 : i32
      %ne3A_679 = arith.cmpi ne, %rem3A_677, %ne3A_678 : i32
      %and3A_680 = arith.andi %ne3A_676, %ne3A_679 : i1
      %sub3A_681 = arith.constant 1 : i32
      %sub3A_682 = arith.subi %div3A_661, %sub3A_681 : i32
      %select_n3A_683 = arith.select %and3A_680, %sub3A_682, %div3A_661 : i32
      %jit3A_684 = arith.constant 2 : i32
      %eq3A_685 = arith.constant 0 : i32
      %eq3A_686 = arith.cmpi eq, %jit3A_684, %eq3A_685 : i32
      %jit3A_687 = arith.constant 1 : i32
      %select_n3A_688 = arith.select %eq3A_686, %jit3A_687, %jit3A_684 : i32
      %rem3A_689 = arith.remsi %add3A_659, %select_n3A_688 : i32
      %ne3A_690 = arith.constant 0 : i32
      %ne3A_691 = arith.cmpi ne, %rem3A_689, %ne3A_690 : i32
      %lt3A_692 = arith.constant 0 : i32
      %lt3A_693 = arith.cmpi slt, %rem3A_689, %lt3A_692 : i32
      %lt3A_694 = arith.constant 0 : i32
      %lt3A_695 = arith.cmpi slt, %select_n3A_688, %lt3A_694 : i32
      %ne3A_696 = arith.xori %lt3A_693, %lt3A_695 : i1
      %and3A_697 = arith.andi %ne3A_696, %ne3A_691 : i1
      %add3A_698 = arith.addi %rem3A_689, %select_n3A_688 : i32
      %select_n3A_699 = arith.select %and3A_697, %add3A_698, %rem3A_689 : i32
      %mul3A_700 = arith.constant 64 : i32
      %mul3A_701 = arith.muli %select_n3A_699, %mul3A_700 : i32
      %dma_start3A_702 = arith.constant 0 : i32
      %dma_start3A_703 = arith.constant 0 : i32
      %dma_start3A_704 = arith.constant 0 : i32
      %dma_start3A_705 = tpu.memref_slice %arg13[%dma_start3A_702, %dma_start3A_703, %dma_start3A_704] : memref<36x8x65xf32, #tpu.memory_space<vmem>> -> memref<36x8x64xf32, #tpu.memory_space<vmem>>
      %dma_start3A_706 = arith.constant 0 : i32
      %dma_start3A_707 = arith.constant 0 : i32
      %dma_start3A_708 = tpu.memref_slice %arg7[%dma_start3A_706, %select_n3A_683, %dma_start3A_707, %mul3A_701] : memref<36x2500x8x128xf32, #tpu.memory_space<hbm>> -> memref<36x1x8x64xf32, #tpu.memory_space<hbm>>
      %dma_start3A_709 = tpu.memref_squeeze %dma_start3A_708 : memref<36x1x8x64xf32, #tpu.memory_space<hbm>> -> memref<36x8x64xf32, #tpu.memory_space<hbm>>
      %dma_start3A_710 = arith.constant 0 : i32
      %dma_start3A_711 = arith.constant 0 : i32
      %dma_start3A_712 = tpu.memref_slice %arg7[%dma_start3A_710, %select_n3A_683, %dma_start3A_711, %mul3A_701] : memref<36x2500x8x128xf32, #tpu.memory_space<hbm>> -> memref<36x1x8x64xf32, #tpu.memory_space<hbm>>
      %dma_start3A_713 = tpu.memref_squeeze %dma_start3A_712 : memref<36x1x8x64xf32, #tpu.memory_space<hbm>> -> memref<36x8x64xf32, #tpu.memory_space<hbm>>
      %dma_start3A_714 = arith.constant 0 : i32
      %dma_start3A_715 = arith.constant 0 : i32
      %dma_start3A_716 = arith.constant 0 : i32
      %dma_start3A_717 = tpu.memref_slice %arg13[%dma_start3A_714, %dma_start3A_715, %dma_start3A_716] : memref<36x8x65xf32, #tpu.memory_space<vmem>> -> memref<36x8x64xf32, #tpu.memory_space<vmem>>
      tpu.enqueue_dma source(%dma_start3A_717 : memref<36x8x64xf32, #tpu.memory_space<vmem>>) target(%dma_start3A_713 : memref<36x8x64xf32, #tpu.memory_space<hbm>>) target_semaphore(%arg41 : memref<!tpu.dma_semaphore, #tpu.memory_space<semaphore_mem>>)
      %mul3A_718 = arith.constant 4 : i32
      %mul3A_719 = arith.muli %scan3A_131, %mul3A_718 : i32
      %add3A_720 = arith.constant 2 : i32
      %add3A_721 = arith.addi %mul3A_719, %add3A_720 : i32
      %dma_wait3A_722 = arith.constant 0 : i32
      %dma_wait3A_723 = arith.constant 0 : i32
      %dma_wait3A_724 = tpu.memref_slice %arg2[%dma_wait3A_722, %dma_wait3A_723] : memref<10000x128xf32, #tpu.memory_space<hbm>> -> memref<64x128xf32, #tpu.memory_space<hbm>>
      %dma_wait3A_725 = arith.constant 0 : i32
      %dma_wait3A_726 = arith.constant 0 : i32
      %dma_wait3A_727 = tpu.memref_slice %arg2[%dma_wait3A_725, %dma_wait3A_726] : memref<10000x128xf32, #tpu.memory_space<hbm>> -> memref<64x128xf32, #tpu.memory_space<hbm>>
      tpu.wait_dma2 semaphore(%arg38 : memref<!tpu.dma_semaphore, #tpu.memory_space<semaphore_mem>>) src(%dma_wait3A_727 : memref<64x128xf32, #tpu.memory_space<hbm>>) dst(%arg10 : memref<64x128xf32, #tpu.memory_space<vmem>>)
      %dma_wait3A_728 = arith.constant 0 : i32
      %dma_wait3A_729 = arith.constant 0 : i32
      %dma_wait3A_730 = arith.constant 0 : i32
      %dma_wait3A_731 = arith.constant 0 : i32
      %dma_wait3A_732 = tpu.memref_slice %arg14[%dma_wait3A_729, %dma_wait3A_730, %dma_wait3A_731] : memref<36x8x65xf32, #tpu.memory_space<vmem>> -> memref<2x8x64xf32, #tpu.memory_space<vmem>>
      %dma_wait3A_733 = arith.constant 0 : i32
      %dma_wait3A_734 = arith.constant 0 : i32
      %dma_wait3A_735 = arith.constant 0 : i32
      %dma_wait3A_736 = tpu.memref_slice %arg3[%dma_wait3A_733, %dma_wait3A_728, %dma_wait3A_734, %dma_wait3A_735] : memref<2x2500x8x128xf32, #tpu.memory_space<hbm>> -> memref<2x1x8x64xf32, #tpu.memory_space<hbm>>
      %dma_wait3A_737 = tpu.memref_squeeze %dma_wait3A_736 : memref<2x1x8x64xf32, #tpu.memory_space<hbm>> -> memref<2x8x64xf32, #tpu.memory_space<hbm>>
      %dma_wait3A_738 = arith.constant 0 : i32
      %dma_wait3A_739 = arith.constant 0 : i32
      %dma_wait3A_740 = arith.constant 0 : i32
      %dma_wait3A_741 = tpu.memref_slice %arg14[%dma_wait3A_738, %dma_wait3A_739, %dma_wait3A_740] : memref<36x8x65xf32, #tpu.memory_space<vmem>> -> memref<2x8x64xf32, #tpu.memory_space<vmem>>
      %dma_wait3A_742 = arith.constant 0 : i32
      %dma_wait3A_743 = arith.constant 0 : i32
      %dma_wait3A_744 = arith.constant 0 : i32
      %dma_wait3A_745 = tpu.memref_slice %arg3[%dma_wait3A_742, %dma_wait3A_728, %dma_wait3A_743, %dma_wait3A_744] : memref<2x2500x8x128xf32, #tpu.memory_space<hbm>> -> memref<2x1x8x64xf32, #tpu.memory_space<hbm>>
      %dma_wait3A_746 = tpu.memref_squeeze %dma_wait3A_745 : memref<2x1x8x64xf32, #tpu.memory_space<hbm>> -> memref<2x8x64xf32, #tpu.memory_space<hbm>>
      tpu.wait_dma2 semaphore(%arg30 : memref<!tpu.dma_semaphore, #tpu.memory_space<semaphore_mem>>) src(%dma_wait3A_746 : memref<2x8x64xf32, #tpu.memory_space<hbm>>) dst(%dma_wait3A_741 : memref<2x8x64xf32, #tpu.memory_space<vmem>>)
      %scan3A_747 = arith.constant 0 : i32
      %scan3A_748 = arith.constant 0 : i32
      %scan3A_749 = arith.constant 64 : i32
      %scan3A_750 = arith.addi %scan3A_748, %scan3A_749 : i32
      %scan3A_751 = arith.constant 1 : i32
      scf.for %scan3A_906 = %scan3A_748 to %scan3A_750 step %scan3A_751  : i32 {
        %broadcast_in_dim3A = vector.broadcast %scan3A_906 : i32 to vector<16xi32>
        %get3A = arith.index_cast %scan3A_906 : i32 to index
        %get3A_907 = arith.constant 0 : index
        %get3A_908 = tpu.vector_load %arg10[%get3A, %get3A_907] {strides = array<i32>} : memref<64x128xf32, #tpu.memory_space<vmem>>, vector<16xf32>,
        %get3A_909 = arith.index_cast %scan3A_906 : i32 to index
        %get3A_910 = arith.constant 16 : index
        %get3A_911 = tpu.vector_load %arg10[%get3A_909, %get3A_910] {strides = array<i32>} : memref<64x128xf32, #tpu.memory_space<vmem>>, vector<16xf32>,
        %get3A_912 = arith.index_cast %scan3A_906 : i32 to index
        %get3A_913 = arith.constant 32 : index
        %get3A_914 = tpu.vector_load %arg10[%get3A_912, %get3A_913] {strides = array<i32>} : memref<64x128xf32, #tpu.memory_space<vmem>>, vector<16xf32>,
        %get3A_915 = arith.index_cast %scan3A_906 : i32 to index
        %get3A_916 = arith.constant 48 : index
        %get3A_917 = tpu.vector_load %arg10[%get3A_915, %get3A_916] {strides = array<i32>} : memref<64x128xf32, #tpu.memory_space<vmem>>, vector<16xf32>,
        %get3A_918 = arith.index_cast %scan3A_906 : i32 to index
        %get3A_919 = arith.constant 64 : index
        %get3A_920 = tpu.vector_load %arg10[%get3A_918, %get3A_919] {strides = array<i32>} : memref<64x128xf32, #tpu.memory_space<vmem>>, vector<16xf32>,
        %get3A_921 = arith.index_cast %scan3A_906 : i32 to index
        %get3A_922 = arith.constant 80 : index
        %get3A_923 = tpu.vector_load %arg10[%get3A_921, %get3A_922] {strides = array<i32>} : memref<64x128xf32, #tpu.memory_space<vmem>>, vector<16xf32>,
        %get3A_924 = arith.index_cast %scan3A_906 : i32 to index
        %get3A_925 = arith.constant 96 : index
        %get3A_926 = tpu.vector_load %arg10[%get3A_924, %get3A_925] {strides = array<i32>} : memref<64x128xf32, #tpu.memory_space<vmem>>, vector<16xf32>,
        %get3A_927 = arith.index_cast %scan3A_906 : i32 to index
        %get3A_928 = arith.constant 112 : index
        %get3A_929 = tpu.vector_load %arg10[%get3A_927, %get3A_928] {strides = array<i32>} : memref<64x128xf32, #tpu.memory_space<vmem>>, vector<16xf32>,
        %add3A_930 = arith.constant 34 : i32
        %add3A_931 = vector.broadcast %add3A_930 : i32 to vector<16xi32>
        %add3A_932 = arith.addi %select_n3A, %add3A_931 : vector<16xi32>
        tpu.vector_store_idx %arg14[%add3A_932, %select_n3A_47, %broadcast_in_dim3A], %get3A_908 : memref<36x8x65xf32, #tpu.memory_space<vmem>>[vector<16xi32>, vector<16xi32>, vector<16xi32>], vector<16xf32>,
        %add3A_933 = arith.constant 36 : i32
        %add3A_934 = vector.broadcast %add3A_933 : i32 to vector<16xi32>
        %add3A_935 = arith.addi %select_n3A, %add3A_934 : vector<16xi32>
        tpu.vector_store_idx %arg14[%add3A_935, %select_n3A_47, %broadcast_in_dim3A], %get3A_911 : memref<36x8x65xf32, #tpu.memory_space<vmem>>[vector<16xi32>, vector<16xi32>, vector<16xi32>], vector<16xf32>,
        %add3A_936 = arith.constant 38 : i32
        %add3A_937 = vector.broadcast %add3A_936 : i32 to vector<16xi32>
        %add3A_938 = arith.addi %select_n3A, %add3A_937 : vector<16xi32>
        tpu.vector_store_idx %arg14[%add3A_938, %select_n3A_47, %broadcast_in_dim3A], %get3A_914 : memref<36x8x65xf32, #tpu.memory_space<vmem>>[vector<16xi32>, vector<16xi32>, vector<16xi32>], vector<16xf32>,
        %add3A_939 = arith.constant 40 : i32
        %add3A_940 = vector.broadcast %add3A_939 : i32 to vector<16xi32>
        %add3A_941 = arith.addi %select_n3A, %add3A_940 : vector<16xi32>
        tpu.vector_store_idx %arg14[%add3A_941, %select_n3A_47, %broadcast_in_dim3A], %get3A_917 : memref<36x8x65xf32, #tpu.memory_space<vmem>>[vector<16xi32>, vector<16xi32>, vector<16xi32>], vector<16xf32>,
        %add3A_942 = arith.constant 42 : i32
        %add3A_943 = vector.broadcast %add3A_942 : i32 to vector<16xi32>
        %add3A_944 = arith.addi %select_n3A, %add3A_943 : vector<16xi32>
        tpu.vector_store_idx %arg14[%add3A_944, %select_n3A_47, %broadcast_in_dim3A], %get3A_920 : memref<36x8x65xf32, #tpu.memory_space<vmem>>[vector<16xi32>, vector<16xi32>, vector<16xi32>], vector<16xf32>,
        %add3A_945 = arith.constant 44 : i32
        %add3A_946 = vector.broadcast %add3A_945 : i32 to vector<16xi32>
        %add3A_947 = arith.addi %select_n3A, %add3A_946 : vector<16xi32>
        tpu.vector_store_idx %arg14[%add3A_947, %select_n3A_47, %broadcast_in_dim3A], %get3A_923 : memref<36x8x65xf32, #tpu.memory_space<vmem>>[vector<16xi32>, vector<16xi32>, vector<16xi32>], vector<16xf32>,
        %add3A_948 = arith.constant 46 : i32
        %add3A_949 = vector.broadcast %add3A_948 : i32 to vector<16xi32>
        %add3A_950 = arith.addi %select_n3A, %add3A_949 : vector<16xi32>
        tpu.vector_store_idx %arg14[%add3A_950, %select_n3A_47, %broadcast_in_dim3A], %get3A_926 : memref<36x8x65xf32, #tpu.memory_space<vmem>>[vector<16xi32>, vector<16xi32>, vector<16xi32>], vector<16xf32>,
        %add3A_951 = arith.constant 48 : i32
        %add3A_952 = vector.broadcast %add3A_951 : i32 to vector<16xi32>
        %add3A_953 = arith.addi %select_n3A, %add3A_952 : vector<16xi32>
        tpu.vector_store_idx %arg14[%add3A_953, %select_n3A_47, %broadcast_in_dim3A], %get3A_929 : memref<36x8x65xf32, #tpu.memory_space<vmem>>[vector<16xi32>, vector<16xi32>, vector<16xi32>], vector<16xf32>,
      }
      %scan3A_752 = arith.constant 64 : i32
      %add3A_753 = arith.addi %add3A_4, %add3A_721 : i32
      %jit3A_754 = arith.constant 2 : i32
      %div3A_755 = arith.divsi %add3A_753, %jit3A_754 : i32
      %sign3A_756 = arith.constant 0 : i32
      %sign3A_757 = arith.cmpi sgt, %add3A_753, %sign3A_756 : i32
      %sign3A_758 = arith.extui %sign3A_757 : i1 to i32
      %sign3A_759 = arith.constant 0 : i32
      %sign3A_760 = arith.cmpi slt, %add3A_753, %sign3A_759 : i32
      %sign3A_761 = arith.extui %sign3A_760 : i1 to i32
      %sign3A_762 = arith.subi %sign3A_758, %sign3A_761 : i32
      %sign3A_763 = arith.constant 0 : i32
      %sign3A_764 = arith.cmpi sgt, %jit3A_754, %sign3A_763 : i32
      %sign3A_765 = arith.extui %sign3A_764 : i1 to i32
      %sign3A_766 = arith.constant 0 : i32
      %sign3A_767 = arith.cmpi slt, %jit3A_754, %sign3A_766 : i32
      %sign3A_768 = arith.extui %sign3A_767 : i1 to i32
      %sign3A_769 = arith.subi %sign3A_765, %sign3A_768 : i32
      %ne3A_770 = arith.cmpi ne, %sign3A_762, %sign3A_769 : i32
      %rem3A_771 = arith.remsi %add3A_753, %jit3A_754 : i32
      %ne3A_772 = arith.constant 0 : i32
      %ne3A_773 = arith.cmpi ne, %rem3A_771, %ne3A_772 : i32
      %and3A_774 = arith.andi %ne3A_770, %ne3A_773 : i1
      %sub3A_775 = arith.constant 1 : i32
      %sub3A_776 = arith.subi %div3A_755, %sub3A_775 : i32
      %select_n3A_777 = arith.select %and3A_774, %sub3A_776, %div3A_755 : i32
      %jit3A_778 = arith.constant 2 : i32
      %eq3A_779 = arith.constant 0 : i32
      %eq3A_780 = arith.cmpi eq, %jit3A_778, %eq3A_779 : i32
      %jit3A_781 = arith.constant 1 : i32
      %select_n3A_782 = arith.select %eq3A_780, %jit3A_781, %jit3A_778 : i32
      %rem3A_783 = arith.remsi %add3A_753, %select_n3A_782 : i32
      %ne3A_784 = arith.constant 0 : i32
      %ne3A_785 = arith.cmpi ne, %rem3A_783, %ne3A_784 : i32
      %lt3A_786 = arith.constant 0 : i32
      %lt3A_787 = arith.cmpi slt, %rem3A_783, %lt3A_786 : i32
      %lt3A_788 = arith.constant 0 : i32
      %lt3A_789 = arith.cmpi slt, %select_n3A_782, %lt3A_788 : i32
      %ne3A_790 = arith.xori %lt3A_787, %lt3A_789 : i1
      %and3A_791 = arith.andi %ne3A_790, %ne3A_785 : i1
      %add3A_792 = arith.addi %rem3A_783, %select_n3A_782 : i32
      %select_n3A_793 = arith.select %and3A_791, %add3A_792, %rem3A_783 : i32
      %mul3A_794 = arith.constant 64 : i32
      %mul3A_795 = arith.muli %select_n3A_793, %mul3A_794 : i32
      %dma_start3A_796 = arith.constant 0 : i32
      %dma_start3A_797 = arith.constant 0 : i32
      %dma_start3A_798 = arith.constant 0 : i32
      %dma_start3A_799 = tpu.memref_slice %arg14[%dma_start3A_796, %dma_start3A_797, %dma_start3A_798] : memref<36x8x65xf32, #tpu.memory_space<vmem>> -> memref<36x8x64xf32, #tpu.memory_space<vmem>>
      %dma_start3A_800 = arith.constant 0 : i32
      %dma_start3A_801 = arith.constant 0 : i32
      %dma_start3A_802 = tpu.memref_slice %arg7[%dma_start3A_800, %select_n3A_777, %dma_start3A_801, %mul3A_795] : memref<36x2500x8x128xf32, #tpu.memory_space<hbm>> -> memref<36x1x8x64xf32, #tpu.memory_space<hbm>>
      %dma_start3A_803 = tpu.memref_squeeze %dma_start3A_802 : memref<36x1x8x64xf32, #tpu.memory_space<hbm>> -> memref<36x8x64xf32, #tpu.memory_space<hbm>>
      %dma_start3A_804 = arith.constant 0 : i32
      %dma_start3A_805 = arith.constant 0 : i32
      %dma_start3A_806 = tpu.memref_slice %arg7[%dma_start3A_804, %select_n3A_777, %dma_start3A_805, %mul3A_795] : memref<36x2500x8x128xf32, #tpu.memory_space<hbm>> -> memref<36x1x8x64xf32, #tpu.memory_space<hbm>>
      %dma_start3A_807 = tpu.memref_squeeze %dma_start3A_806 : memref<36x1x8x64xf32, #tpu.memory_space<hbm>> -> memref<36x8x64xf32, #tpu.memory_space<hbm>>
      %dma_start3A_808 = arith.constant 0 : i32
      %dma_start3A_809 = arith.constant 0 : i32
      %dma_start3A_810 = arith.constant 0 : i32
      %dma_start3A_811 = tpu.memref_slice %arg14[%dma_start3A_808, %dma_start3A_809, %dma_start3A_810] : memref<36x8x65xf32, #tpu.memory_space<vmem>> -> memref<36x8x64xf32, #tpu.memory_space<vmem>>
      tpu.enqueue_dma source(%dma_start3A_811 : memref<36x8x64xf32, #tpu.memory_space<vmem>>) target(%dma_start3A_807 : memref<36x8x64xf32, #tpu.memory_space<hbm>>) target_semaphore(%arg42 : memref<!tpu.dma_semaphore, #tpu.memory_space<semaphore_mem>>)
      %mul3A_812 = arith.constant 4 : i32
      %mul3A_813 = arith.muli %scan3A_131, %mul3A_812 : i32
      %add3A_814 = arith.constant 3 : i32
      %add3A_815 = arith.addi %mul3A_813, %add3A_814 : i32
      %dma_wait3A_816 = arith.constant 0 : i32
      %dma_wait3A_817 = arith.constant 0 : i32
      %dma_wait3A_818 = tpu.memref_slice %arg2[%dma_wait3A_816, %dma_wait3A_817] : memref<10000x128xf32, #tpu.memory_space<hbm>> -> memref<64x128xf32, #tpu.memory_space<hbm>>
      %dma_wait3A_819 = arith.constant 0 : i32
      %dma_wait3A_820 = arith.constant 0 : i32
      %dma_wait3A_821 = tpu.memref_slice %arg2[%dma_wait3A_819, %dma_wait3A_820] : memref<10000x128xf32, #tpu.memory_space<hbm>> -> memref<64x128xf32, #tpu.memory_space<hbm>>
      tpu.wait_dma2 semaphore(%arg39 : memref<!tpu.dma_semaphore, #tpu.memory_space<semaphore_mem>>) src(%dma_wait3A_821 : memref<64x128xf32, #tpu.memory_space<hbm>>) dst(%arg11 : memref<64x128xf32, #tpu.memory_space<vmem>>)
      %dma_wait3A_822 = arith.constant 0 : i32
      %dma_wait3A_823 = arith.constant 0 : i32
      %dma_wait3A_824 = arith.constant 0 : i32
      %dma_wait3A_825 = arith.constant 0 : i32
      %dma_wait3A_826 = tpu.memref_slice %arg15[%dma_wait3A_823, %dma_wait3A_824, %dma_wait3A_825] : memref<36x8x65xf32, #tpu.memory_space<vmem>> -> memref<2x8x64xf32, #tpu.memory_space<vmem>>
      %dma_wait3A_827 = arith.constant 0 : i32
      %dma_wait3A_828 = arith.constant 0 : i32
      %dma_wait3A_829 = arith.constant 0 : i32
      %dma_wait3A_830 = tpu.memref_slice %arg3[%dma_wait3A_827, %dma_wait3A_822, %dma_wait3A_828, %dma_wait3A_829] : memref<2x2500x8x128xf32, #tpu.memory_space<hbm>> -> memref<2x1x8x64xf32, #tpu.memory_space<hbm>>
      %dma_wait3A_831 = tpu.memref_squeeze %dma_wait3A_830 : memref<2x1x8x64xf32, #tpu.memory_space<hbm>> -> memref<2x8x64xf32, #tpu.memory_space<hbm>>
      %dma_wait3A_832 = arith.constant 0 : i32
      %dma_wait3A_833 = arith.constant 0 : i32
      %dma_wait3A_834 = arith.constant 0 : i32
      %dma_wait3A_835 = tpu.memref_slice %arg15[%dma_wait3A_832, %dma_wait3A_833, %dma_wait3A_834] : memref<36x8x65xf32, #tpu.memory_space<vmem>> -> memref<2x8x64xf32, #tpu.memory_space<vmem>>
      %dma_wait3A_836 = arith.constant 0 : i32
      %dma_wait3A_837 = arith.constant 0 : i32
      %dma_wait3A_838 = arith.constant 0 : i32
      %dma_wait3A_839 = tpu.memref_slice %arg3[%dma_wait3A_836, %dma_wait3A_822, %dma_wait3A_837, %dma_wait3A_838] : memref<2x2500x8x128xf32, #tpu.memory_space<hbm>> -> memref<2x1x8x64xf32, #tpu.memory_space<hbm>>
      %dma_wait3A_840 = tpu.memref_squeeze %dma_wait3A_839 : memref<2x1x8x64xf32, #tpu.memory_space<hbm>> -> memref<2x8x64xf32, #tpu.memory_space<hbm>>
      tpu.wait_dma2 semaphore(%arg31 : memref<!tpu.dma_semaphore, #tpu.memory_space<semaphore_mem>>) src(%dma_wait3A_840 : memref<2x8x64xf32, #tpu.memory_space<hbm>>) dst(%dma_wait3A_835 : memref<2x8x64xf32, #tpu.memory_space<vmem>>)
      %scan3A_841 = arith.constant 0 : i32
      %scan3A_842 = arith.constant 0 : i32
      %scan3A_843 = arith.constant 64 : i32
      %scan3A_844 = arith.addi %scan3A_842, %scan3A_843 : i32
      %scan3A_845 = arith.constant 1 : i32
      scf.for %scan3A_906 = %scan3A_842 to %scan3A_844 step %scan3A_845  : i32 {
        %broadcast_in_dim3A = vector.broadcast %scan3A_906 : i32 to vector<16xi32>
        %get3A = arith.index_cast %scan3A_906 : i32 to index
        %get3A_907 = arith.constant 0 : index
        %get3A_908 = tpu.vector_load %arg11[%get3A, %get3A_907] {strides = array<i32>} : memref<64x128xf32, #tpu.memory_space<vmem>>, vector<16xf32>,
        %get3A_909 = arith.index_cast %scan3A_906 : i32 to index
        %get3A_910 = arith.constant 16 : index
        %get3A_911 = tpu.vector_load %arg11[%get3A_909, %get3A_910] {strides = array<i32>} : memref<64x128xf32, #tpu.memory_space<vmem>>, vector<16xf32>,
        %get3A_912 = arith.index_cast %scan3A_906 : i32 to index
        %get3A_913 = arith.constant 32 : index
        %get3A_914 = tpu.vector_load %arg11[%get3A_912, %get3A_913] {strides = array<i32>} : memref<64x128xf32, #tpu.memory_space<vmem>>, vector<16xf32>,
        %get3A_915 = arith.index_cast %scan3A_906 : i32 to index
        %get3A_916 = arith.constant 48 : index
        %get3A_917 = tpu.vector_load %arg11[%get3A_915, %get3A_916] {strides = array<i32>} : memref<64x128xf32, #tpu.memory_space<vmem>>, vector<16xf32>,
        %get3A_918 = arith.index_cast %scan3A_906 : i32 to index
        %get3A_919 = arith.constant 64 : index
        %get3A_920 = tpu.vector_load %arg11[%get3A_918, %get3A_919] {strides = array<i32>} : memref<64x128xf32, #tpu.memory_space<vmem>>, vector<16xf32>,
        %get3A_921 = arith.index_cast %scan3A_906 : i32 to index
        %get3A_922 = arith.constant 80 : index
        %get3A_923 = tpu.vector_load %arg11[%get3A_921, %get3A_922] {strides = array<i32>} : memref<64x128xf32, #tpu.memory_space<vmem>>, vector<16xf32>,
        %get3A_924 = arith.index_cast %scan3A_906 : i32 to index
        %get3A_925 = arith.constant 96 : index
        %get3A_926 = tpu.vector_load %arg11[%get3A_924, %get3A_925] {strides = array<i32>} : memref<64x128xf32, #tpu.memory_space<vmem>>, vector<16xf32>,
        %get3A_927 = arith.index_cast %scan3A_906 : i32 to index
        %get3A_928 = arith.constant 112 : index
        %get3A_929 = tpu.vector_load %arg11[%get3A_927, %get3A_928] {strides = array<i32>} : memref<64x128xf32, #tpu.memory_space<vmem>>, vector<16xf32>,
        %add3A_930 = arith.constant 34 : i32
        %add3A_931 = vector.broadcast %add3A_930 : i32 to vector<16xi32>
        %add3A_932 = arith.addi %select_n3A, %add3A_931 : vector<16xi32>
        tpu.vector_store_idx %arg15[%add3A_932, %select_n3A_47, %broadcast_in_dim3A], %get3A_908 : memref<36x8x65xf32, #tpu.memory_space<vmem>>[vector<16xi32>, vector<16xi32>, vector<16xi32>], vector<16xf32>,
        %add3A_933 = arith.constant 36 : i32
        %add3A_934 = vector.broadcast %add3A_933 : i32 to vector<16xi32>
        %add3A_935 = arith.addi %select_n3A, %add3A_934 : vector<16xi32>
        tpu.vector_store_idx %arg15[%add3A_935, %select_n3A_47, %broadcast_in_dim3A], %get3A_911 : memref<36x8x65xf32, #tpu.memory_space<vmem>>[vector<16xi32>, vector<16xi32>, vector<16xi32>], vector<16xf32>,
        %add3A_936 = arith.constant 38 : i32
        %add3A_937 = vector.broadcast %add3A_936 : i32 to vector<16xi32>
        %add3A_938 = arith.addi %select_n3A, %add3A_937 : vector<16xi32>
        tpu.vector_store_idx %arg15[%add3A_938, %select_n3A_47, %broadcast_in_dim3A], %get3A_914 : memref<36x8x65xf32, #tpu.memory_space<vmem>>[vector<16xi32>, vector<16xi32>, vector<16xi32>], vector<16xf32>,
        %add3A_939 = arith.constant 40 : i32
        %add3A_940 = vector.broadcast %add3A_939 : i32 to vector<16xi32>
        %add3A_941 = arith.addi %select_n3A, %add3A_940 : vector<16xi32>
        tpu.vector_store_idx %arg15[%add3A_941, %select_n3A_47, %broadcast_in_dim3A], %get3A_917 : memref<36x8x65xf32, #tpu.memory_space<vmem>>[vector<16xi32>, vector<16xi32>, vector<16xi32>], vector<16xf32>,
        %add3A_942 = arith.constant 42 : i32
        %add3A_943 = vector.broadcast %add3A_942 : i32 to vector<16xi32>
        %add3A_944 = arith.addi %select_n3A, %add3A_943 : vector<16xi32>
        tpu.vector_store_idx %arg15[%add3A_944, %select_n3A_47, %broadcast_in_dim3A], %get3A_920 : memref<36x8x65xf32, #tpu.memory_space<vmem>>[vector<16xi32>, vector<16xi32>, vector<16xi32>], vector<16xf32>,
        %add3A_945 = arith.constant 44 : i32
        %add3A_946 = vector.broadcast %add3A_945 : i32 to vector<16xi32>
        %add3A_947 = arith.addi %select_n3A, %add3A_946 : vector<16xi32>
        tpu.vector_store_idx %arg15[%add3A_947, %select_n3A_47, %broadcast_in_dim3A], %get3A_923 : memref<36x8x65xf32, #tpu.memory_space<vmem>>[vector<16xi32>, vector<16xi32>, vector<16xi32>], vector<16xf32>,
        %add3A_948 = arith.constant 46 : i32
        %add3A_949 = vector.broadcast %add3A_948 : i32 to vector<16xi32>
        %add3A_950 = arith.addi %select_n3A, %add3A_949 : vector<16xi32>
        tpu.vector_store_idx %arg15[%add3A_950, %select_n3A_47, %broadcast_in_dim3A], %get3A_926 : memref<36x8x65xf32, #tpu.memory_space<vmem>>[vector<16xi32>, vector<16xi32>, vector<16xi32>], vector<16xf32>,
        %add3A_951 = arith.constant 48 : i32
        %add3A_952 = vector.broadcast %add3A_951 : i32 to vector<16xi32>
        %add3A_953 = arith.addi %select_n3A, %add3A_952 : vector<16xi32>
        tpu.vector_store_idx %arg15[%add3A_953, %select_n3A_47, %broadcast_in_dim3A], %get3A_929 : memref<36x8x65xf32, #tpu.memory_space<vmem>>[vector<16xi32>, vector<16xi32>, vector<16xi32>], vector<16xf32>,
      }
      %scan3A_846 = arith.constant 64 : i32
      %add3A_847 = arith.addi %add3A_4, %add3A_815 : i32
      %jit3A_848 = arith.constant 2 : i32
      %div3A_849 = arith.divsi %add3A_847, %jit3A_848 : i32
      %sign3A_850 = arith.constant 0 : i32
      %sign3A_851 = arith.cmpi sgt, %add3A_847, %sign3A_850 : i32
      %sign3A_852 = arith.extui %sign3A_851 : i1 to i32
      %sign3A_853 = arith.constant 0 : i32
      %sign3A_854 = arith.cmpi slt, %add3A_847, %sign3A_853 : i32
      %sign3A_855 = arith.extui %sign3A_854 : i1 to i32
      %sign3A_856 = arith.subi %sign3A_852, %sign3A_855 : i32
      %sign3A_857 = arith.constant 0 : i32
      %sign3A_858 = arith.cmpi sgt, %jit3A_848, %sign3A_857 : i32
      %sign3A_859 = arith.extui %sign3A_858 : i1 to i32
      %sign3A_860 = arith.constant 0 : i32
      %sign3A_861 = arith.cmpi slt, %jit3A_848, %sign3A_860 : i32
      %sign3A_862 = arith.extui %sign3A_861 : i1 to i32
      %sign3A_863 = arith.subi %sign3A_859, %sign3A_862 : i32
      %ne3A_864 = arith.cmpi ne, %sign3A_856, %sign3A_863 : i32
      %rem3A_865 = arith.remsi %add3A_847, %jit3A_848 : i32
      %ne3A_866 = arith.constant 0 : i32
      %ne3A_867 = arith.cmpi ne, %rem3A_865, %ne3A_866 : i32
      %and3A_868 = arith.andi %ne3A_864, %ne3A_867 : i1
      %sub3A_869 = arith.constant 1 : i32
      %sub3A_870 = arith.subi %div3A_849, %sub3A_869 : i32
      %select_n3A_871 = arith.select %and3A_868, %sub3A_870, %div3A_849 : i32
      %jit3A_872 = arith.constant 2 : i32
      %eq3A_873 = arith.constant 0 : i32
      %eq3A_874 = arith.cmpi eq, %jit3A_872, %eq3A_873 : i32
      %jit3A_875 = arith.constant 1 : i32
      %select_n3A_876 = arith.select %eq3A_874, %jit3A_875, %jit3A_872 : i32
      %rem3A_877 = arith.remsi %add3A_847, %select_n3A_876 : i32
      %ne3A_878 = arith.constant 0 : i32
      %ne3A_879 = arith.cmpi ne, %rem3A_877, %ne3A_878 : i32
      %lt3A_880 = arith.constant 0 : i32
      %lt3A_881 = arith.cmpi slt, %rem3A_877, %lt3A_880 : i32
      %lt3A_882 = arith.constant 0 : i32
      %lt3A_883 = arith.cmpi slt, %select_n3A_876, %lt3A_882 : i32
      %ne3A_884 = arith.xori %lt3A_881, %lt3A_883 : i1
      %and3A_885 = arith.andi %ne3A_884, %ne3A_879 : i1
      %add3A_886 = arith.addi %rem3A_877, %select_n3A_876 : i32
      %select_n3A_887 = arith.select %and3A_885, %add3A_886, %rem3A_877 : i32
      %mul3A_888 = arith.constant 64 : i32
      %mul3A_889 = arith.muli %select_n3A_887, %mul3A_888 : i32
      %dma_start3A_890 = arith.constant 0 : i32
      %dma_start3A_891 = arith.constant 0 : i32
      %dma_start3A_892 = arith.constant 0 : i32
      %dma_start3A_893 = tpu.memref_slice %arg15[%dma_start3A_890, %dma_start3A_891, %dma_start3A_892] : memref<36x8x65xf32, #tpu.memory_space<vmem>> -> memref<36x8x64xf32, #tpu.memory_space<vmem>>
      %dma_start3A_894 = arith.constant 0 : i32
      %dma_start3A_895 = arith.constant 0 : i32
      %dma_start3A_896 = tpu.memref_slice %arg7[%dma_start3A_894, %select_n3A_871, %dma_start3A_895, %mul3A_889] : memref<36x2500x8x128xf32, #tpu.memory_space<hbm>> -> memref<36x1x8x64xf32, #tpu.memory_space<hbm>>
      %dma_start3A_897 = tpu.memref_squeeze %dma_start3A_896 : memref<36x1x8x64xf32, #tpu.memory_space<hbm>> -> memref<36x8x64xf32, #tpu.memory_space<hbm>>
      %dma_start3A_898 = arith.constant 0 : i32
      %dma_start3A_899 = arith.constant 0 : i32
      %dma_start3A_900 = tpu.memref_slice %arg7[%dma_start3A_898, %select_n3A_871, %dma_start3A_899, %mul3A_889] : memref<36x2500x8x128xf32, #tpu.memory_space<hbm>> -> memref<36x1x8x64xf32, #tpu.memory_space<hbm>>
      %dma_start3A_901 = tpu.memref_squeeze %dma_start3A_900 : memref<36x1x8x64xf32, #tpu.memory_space<hbm>> -> memref<36x8x64xf32, #tpu.memory_space<hbm>>
      %dma_start3A_902 = arith.constant 0 : i32
      %dma_start3A_903 = arith.constant 0 : i32
      %dma_start3A_904 = arith.constant 0 : i32
      %dma_start3A_905 = tpu.memref_slice %arg15[%dma_start3A_902, %dma_start3A_903, %dma_start3A_904] : memref<36x8x65xf32, #tpu.memory_space<vmem>> -> memref<36x8x64xf32, #tpu.memory_space<vmem>>
      tpu.enqueue_dma source(%dma_start3A_905 : memref<36x8x64xf32, #tpu.memory_space<vmem>>) target(%dma_start3A_901 : memref<36x8x64xf32, #tpu.memory_space<hbm>>) target_semaphore(%arg43 : memref<!tpu.dma_semaphore, #tpu.memory_space<semaphore_mem>>)
    }
    %scan3A_52 = arith.constant 39 : i32
    %lt3A_53 = arith.constant 8 : i32
    %lt3A_54 = arith.cmpi slt, %add3A, %lt3A_53 : i32
    %convert_element_type3A = arith.extui %lt3A_54 : i1 to i32
    %cond3A = arith.constant 0 : i32
    %cond3A_55 = arith.cmpi ne, %convert_element_type3A, %cond3A : i32
    scf.if %cond3A_55 {
      %dma_wait3A_131 = arith.constant 0 : i32
      %dma_wait3A_132 = arith.constant 0 : i32
      %dma_wait3A_133 = arith.constant 0 : i32
      %dma_wait3A_134 = arith.constant 0 : i32
      %dma_wait3A_135 = tpu.memref_slice %arg12[%dma_wait3A_132, %dma_wait3A_133, %dma_wait3A_134] : memref<36x8x65xf32, #tpu.memory_space<vmem>> -> memref<36x8x64xf32, #tpu.memory_space<vmem>>
      %dma_wait3A_136 = arith.constant 0 : i32
      %dma_wait3A_137 = arith.constant 0 : i32
      %dma_wait3A_138 = arith.constant 0 : i32
      %dma_wait3A_139 = tpu.memref_slice %arg7[%dma_wait3A_136, %dma_wait3A_131, %dma_wait3A_137, %dma_wait3A_138] : memref<36x2500x8x128xf32, #tpu.memory_space<hbm>> -> memref<36x1x8x64xf32, #tpu.memory_space<hbm>>
      %dma_wait3A_140 = tpu.memref_squeeze %dma_wait3A_139 : memref<36x1x8x64xf32, #tpu.memory_space<hbm>> -> memref<36x8x64xf32, #tpu.memory_space<hbm>>
      %dma_wait3A_141 = arith.constant 0 : i32
      %dma_wait3A_142 = arith.constant 0 : i32
      %dma_wait3A_143 = arith.constant 0 : i32
      %dma_wait3A_144 = tpu.memref_slice %arg7[%dma_wait3A_141, %dma_wait3A_131, %dma_wait3A_142, %dma_wait3A_143] : memref<36x2500x8x128xf32, #tpu.memory_space<hbm>> -> memref<36x1x8x64xf32, #tpu.memory_space<hbm>>
      %dma_wait3A_145 = tpu.memref_squeeze %dma_wait3A_144 : memref<36x1x8x64xf32, #tpu.memory_space<hbm>> -> memref<36x8x64xf32, #tpu.memory_space<hbm>>
      %dma_wait3A_146 = arith.constant 0 : i32
      %dma_wait3A_147 = arith.constant 0 : i32
      %dma_wait3A_148 = arith.constant 0 : i32
      %dma_wait3A_149 = tpu.memref_slice %arg12[%dma_wait3A_146, %dma_wait3A_147, %dma_wait3A_148] : memref<36x8x65xf32, #tpu.memory_space<vmem>> -> memref<36x8x64xf32, #tpu.memory_space<vmem>>
      tpu.wait_dma2 semaphore(%arg40 : memref<!tpu.dma_semaphore, #tpu.memory_space<semaphore_mem>>) src(%dma_wait3A_149 : memref<36x8x64xf32, #tpu.memory_space<vmem>>) dst(%dma_wait3A_145 : memref<36x8x64xf32, #tpu.memory_space<hbm>>)
      %add3A_150 = arith.constant 156 : i32
      %add3A_151 = arith.addi %add3A_4, %add3A_150 : i32
      %jit3A_152 = arith.constant 2 : i32
      %div3A_153 = arith.divsi %add3A_151, %jit3A_152 : i32
      %sign3A_154 = arith.constant 0 : i32
      %sign3A_155 = arith.cmpi sgt, %add3A_151, %sign3A_154 : i32
      %sign3A_156 = arith.extui %sign3A_155 : i1 to i32
      %sign3A_157 = arith.constant 0 : i32
      %sign3A_158 = arith.cmpi slt, %add3A_151, %sign3A_157 : i32
      %sign3A_159 = arith.extui %sign3A_158 : i1 to i32
      %sign3A_160 = arith.subi %sign3A_156, %sign3A_159 : i32
      %sign3A_161 = arith.constant 0 : i32
      %sign3A_162 = arith.cmpi sgt, %jit3A_152, %sign3A_161 : i32
      %sign3A_163 = arith.extui %sign3A_162 : i1 to i32
      %sign3A_164 = arith.constant 0 : i32
      %sign3A_165 = arith.cmpi slt, %jit3A_152, %sign3A_164 : i32
      %sign3A_166 = arith.extui %sign3A_165 : i1 to i32
      %sign3A_167 = arith.subi %sign3A_163, %sign3A_166 : i32
      %ne3A_168 = arith.cmpi ne, %sign3A_160, %sign3A_167 : i32
      %rem3A_169 = arith.remsi %add3A_151, %jit3A_152 : i32
      %ne3A_170 = arith.constant 0 : i32
      %ne3A_171 = arith.cmpi ne, %rem3A_169, %ne3A_170 : i32
      %and3A_172 = arith.andi %ne3A_168, %ne3A_171 : i1
      %sub3A_173 = arith.constant 1 : i32
      %sub3A_174 = arith.subi %div3A_153, %sub3A_173 : i32
      %select_n3A_175 = arith.select %and3A_172, %sub3A_174, %div3A_153 : i32
      %jit3A_176 = arith.constant 2 : i32
      %eq3A_177 = arith.constant 0 : i32
      %eq3A_178 = arith.cmpi eq, %jit3A_176, %eq3A_177 : i32
      %jit3A_179 = arith.constant 1 : i32
      %select_n3A_180 = arith.select %eq3A_178, %jit3A_179, %jit3A_176 : i32
      %rem3A_181 = arith.remsi %add3A_151, %select_n3A_180 : i32
      %ne3A_182 = arith.constant 0 : i32
      %ne3A_183 = arith.cmpi ne, %rem3A_181, %ne3A_182 : i32
      %lt3A_184 = arith.constant 0 : i32
      %lt3A_185 = arith.cmpi slt, %rem3A_181, %lt3A_184 : i32
      %lt3A_186 = arith.constant 0 : i32
      %lt3A_187 = arith.cmpi slt, %select_n3A_180, %lt3A_186 : i32
      %ne3A_188 = arith.xori %lt3A_185, %lt3A_187 : i1
      %and3A_189 = arith.andi %ne3A_188, %ne3A_183 : i1
      %add3A_190 = arith.addi %rem3A_181, %select_n3A_180 : i32
      %select_n3A_191 = arith.select %and3A_189, %add3A_190, %rem3A_181 : i32
      %mul3A_192 = arith.constant 64 : i32
      %mul3A_193 = arith.muli %select_n3A_191, %mul3A_192 : i32
      %mul3A_194 = arith.constant 64 : i32
      %mul3A_195 = arith.muli %add3A_151, %mul3A_194 : i32
      %dma_start3A = tpu.memref_slice %arg5[%mul3A_195] : memref<320000xi32, #tpu.memory_space<hbm>> -> memref<64xi32, #tpu.memory_space<hbm>>
      %dma_start3A_196 = tpu.memref_slice %arg5[%mul3A_195] : memref<320000xi32, #tpu.memory_space<hbm>> -> memref<64xi32, #tpu.memory_space<hbm>>
      tpu.enqueue_dma source(%dma_start3A_196 : memref<64xi32, #tpu.memory_space<hbm>>) target(%arg16 : memref<64xi32, #tpu.memory_space<vmem>>) target_semaphore(%arg24 : memref<!tpu.dma_semaphore, #tpu.memory_space<semaphore_mem>>)
      %dma_start3A_197 = tpu.memref_slice %arg6[%mul3A_195] : memref<320000xi32, #tpu.memory_space<hbm>> -> memref<64xi32, #tpu.memory_space<hbm>>
      %dma_start3A_198 = tpu.memref_slice %arg6[%mul3A_195] : memref<320000xi32, #tpu.memory_space<hbm>> -> memref<64xi32, #tpu.memory_space<hbm>>
      tpu.enqueue_dma source(%dma_start3A_198 : memref<64xi32, #tpu.memory_space<hbm>>) target(%arg20 : memref<64xi32, #tpu.memory_space<vmem>>) target_semaphore(%arg24 : memref<!tpu.dma_semaphore, #tpu.memory_space<semaphore_mem>>)
      %dma_start3A_199 = arith.constant 0 : i32
      %dma_start3A_200 = arith.constant 0 : i32
      %dma_start3A_201 = arith.constant 0 : i32
      %dma_start3A_202 = tpu.memref_slice %arg12[%dma_start3A_199, %dma_start3A_200, %dma_start3A_201] : memref<36x8x65xf32, #tpu.memory_space<vmem>> -> memref<2x8x64xf32, #tpu.memory_space<vmem>>
      %dma_start3A_203 = arith.constant 0 : i32
      %dma_start3A_204 = arith.constant 0 : i32
      %dma_start3A_205 = tpu.memref_slice %arg3[%dma_start3A_203, %select_n3A_175, %dma_start3A_204, %mul3A_193] : memref<2x2500x8x128xf32, #tpu.memory_space<hbm>> -> memref<2x1x8x64xf32, #tpu.memory_space<hbm>>
      %dma_start3A_206 = tpu.memref_squeeze %dma_start3A_205 : memref<2x1x8x64xf32, #tpu.memory_space<hbm>> -> memref<2x8x64xf32, #tpu.memory_space<hbm>>
      %dma_start3A_207 = arith.constant 0 : i32
      %dma_start3A_208 = arith.constant 0 : i32
      %dma_start3A_209 = arith.constant 0 : i32
      %dma_start3A_210 = tpu.memref_slice %arg12[%dma_start3A_207, %dma_start3A_208, %dma_start3A_209] : memref<36x8x65xf32, #tpu.memory_space<vmem>> -> memref<2x8x64xf32, #tpu.memory_space<vmem>>
      %dma_start3A_211 = arith.constant 0 : i32
      %dma_start3A_212 = arith.constant 0 : i32
      %dma_start3A_213 = tpu.memref_slice %arg3[%dma_start3A_211, %select_n3A_175, %dma_start3A_212, %mul3A_193] : memref<2x2500x8x128xf32, #tpu.memory_space<hbm>> -> memref<2x1x8x64xf32, #tpu.memory_space<hbm>>
      %dma_start3A_214 = tpu.memref_squeeze %dma_start3A_213 : memref<2x1x8x64xf32, #tpu.memory_space<hbm>> -> memref<2x8x64xf32, #tpu.memory_space<hbm>>
      tpu.enqueue_dma source(%dma_start3A_214 : memref<2x8x64xf32, #tpu.memory_space<hbm>>) target(%dma_start3A_210 : memref<2x8x64xf32, #tpu.memory_space<vmem>>) target_semaphore(%arg28 : memref<!tpu.dma_semaphore, #tpu.memory_space<semaphore_mem>>)
      %dma_wait3A_215 = arith.constant 0 : i32
      %dma_wait3A_216 = tpu.memref_slice %arg5[%dma_wait3A_215] : memref<320000xi32, #tpu.memory_space<hbm>> -> memref<64xi32, #tpu.memory_space<hbm>>
      %dma_wait3A_217 = arith.constant 0 : i32
      %dma_wait3A_218 = tpu.memref_slice %arg5[%dma_wait3A_217] : memref<320000xi32, #tpu.memory_space<hbm>> -> memref<64xi32, #tpu.memory_space<hbm>>
      tpu.wait_dma2 semaphore(%arg24 : memref<!tpu.dma_semaphore, #tpu.memory_space<semaphore_mem>>) src(%dma_wait3A_218 : memref<64xi32, #tpu.memory_space<hbm>>) dst(%arg16 : memref<64xi32, #tpu.memory_space<vmem>>)
      %dma_wait3A_219 = arith.constant 0 : i32
      %dma_wait3A_220 = tpu.memref_slice %arg6[%dma_wait3A_219] : memref<320000xi32, #tpu.memory_space<hbm>> -> memref<64xi32, #tpu.memory_space<hbm>>
      %dma_wait3A_221 = arith.constant 0 : i32
      %dma_wait3A_222 = tpu.memref_slice %arg6[%dma_wait3A_221] : memref<320000xi32, #tpu.memory_space<hbm>> -> memref<64xi32, #tpu.memory_space<hbm>>
      tpu.wait_dma2 semaphore(%arg24 : memref<!tpu.dma_semaphore, #tpu.memory_space<semaphore_mem>>) src(%dma_wait3A_222 : memref<64xi32, #tpu.memory_space<hbm>>) dst(%arg20 : memref<64xi32, #tpu.memory_space<vmem>>)
      %dma_start3A_223 = arith.constant 0 : i32
      %dma_start3A_224 = arith.constant 0 : i32
      %dma_start3A_225 = tpu.memref_slice %arg2[%dma_start3A_223, %dma_start3A_224] : memref<10000x128xf32, #tpu.memory_space<hbm>> -> memref<10000x128xf32, #tpu.memory_space<hbm>>
      tpu.enqueue_indirect_dma source(%dma_start3A_225 : memref<10000x128xf32, #tpu.memory_space<hbm>>) target(%arg8 : memref<64x128xf32, #tpu.memory_space<vmem>>) offsets(%arg16 : memref<64xi32, #tpu.memory_space<vmem>>) semaphore(%arg32 : memref<!tpu.dma_semaphore, #tpu.memory_space<semaphore_mem>>)
      %dma_wait3A_226 = arith.constant 0 : i32
      %dma_wait3A_227 = arith.constant 0 : i32
      %dma_wait3A_228 = tpu.memref_slice %arg2[%dma_wait3A_226, %dma_wait3A_227] : memref<10000x128xf32, #tpu.memory_space<hbm>> -> memref<64x128xf32, #tpu.memory_space<hbm>>
      %dma_wait3A_229 = arith.constant 0 : i32
      %dma_wait3A_230 = arith.constant 0 : i32
      %dma_wait3A_231 = tpu.memref_slice %arg2[%dma_wait3A_229, %dma_wait3A_230] : memref<10000x128xf32, #tpu.memory_space<hbm>> -> memref<64x128xf32, #tpu.memory_space<hbm>>
      tpu.wait_dma2 semaphore(%arg32 : memref<!tpu.dma_semaphore, #tpu.memory_space<semaphore_mem>>) src(%dma_wait3A_231 : memref<64x128xf32, #tpu.memory_space<hbm>>) dst(%arg8 : memref<64x128xf32, #tpu.memory_space<vmem>>)
      %scan3A_232 = arith.constant 0 : i32
      %scan3A_233 = arith.constant 0 : i32
      %scan3A_234 = arith.constant 64 : i32
      %scan3A_235 = arith.addi %scan3A_233, %scan3A_234 : i32
      %scan3A_236 = arith.constant 1 : i32
      scf.for %scan3A_332 = %scan3A_233 to %scan3A_235 step %scan3A_236  : i32 {
        %broadcast_in_dim3A = vector.broadcast %scan3A_332 : i32 to vector<16xi32>
        %get3A = arith.index_cast %scan3A_332 : i32 to index
        %get3A_333 = arith.constant 0 : index
        %get3A_334 = tpu.vector_load %arg8[%get3A, %get3A_333] {strides = array<i32>} : memref<64x128xf32, #tpu.memory_space<vmem>>, vector<16xf32>,
        %get3A_335 = arith.index_cast %scan3A_332 : i32 to index
        %get3A_336 = arith.constant 16 : index
        %get3A_337 = tpu.vector_load %arg8[%get3A_335, %get3A_336] {strides = array<i32>} : memref<64x128xf32, #tpu.memory_space<vmem>>, vector<16xf32>,
        %get3A_338 = arith.index_cast %scan3A_332 : i32 to index
        %get3A_339 = arith.constant 32 : index
        %get3A_340 = tpu.vector_load %arg8[%get3A_338, %get3A_339] {strides = array<i32>} : memref<64x128xf32, #tpu.memory_space<vmem>>, vector<16xf32>,
        %get3A_341 = arith.index_cast %scan3A_332 : i32 to index
        %get3A_342 = arith.constant 48 : index
        %get3A_343 = tpu.vector_load %arg8[%get3A_341, %get3A_342] {strides = array<i32>} : memref<64x128xf32, #tpu.memory_space<vmem>>, vector<16xf32>,
        %get3A_344 = arith.index_cast %scan3A_332 : i32 to index
        %get3A_345 = arith.constant 64 : index
        %get3A_346 = tpu.vector_load %arg8[%get3A_344, %get3A_345] {strides = array<i32>} : memref<64x128xf32, #tpu.memory_space<vmem>>, vector<16xf32>,
        %get3A_347 = arith.index_cast %scan3A_332 : i32 to index
        %get3A_348 = arith.constant 80 : index
        %get3A_349 = tpu.vector_load %arg8[%get3A_347, %get3A_348] {strides = array<i32>} : memref<64x128xf32, #tpu.memory_space<vmem>>, vector<16xf32>,
        %get3A_350 = arith.index_cast %scan3A_332 : i32 to index
        %get3A_351 = arith.constant 96 : index
        %get3A_352 = tpu.vector_load %arg8[%get3A_350, %get3A_351] {strides = array<i32>} : memref<64x128xf32, #tpu.memory_space<vmem>>, vector<16xf32>,
        %get3A_353 = arith.index_cast %scan3A_332 : i32 to index
        %get3A_354 = arith.constant 112 : index
        %get3A_355 = tpu.vector_load %arg8[%get3A_353, %get3A_354] {strides = array<i32>} : memref<64x128xf32, #tpu.memory_space<vmem>>, vector<16xf32>,
        %add3A_356 = arith.constant 2 : i32
        %add3A_357 = vector.broadcast %add3A_356 : i32 to vector<16xi32>
        %add3A_358 = arith.addi %select_n3A, %add3A_357 : vector<16xi32>
        tpu.vector_store_idx %arg12[%add3A_358, %select_n3A_47, %broadcast_in_dim3A], %get3A_334 : memref<36x8x65xf32, #tpu.memory_space<vmem>>[vector<16xi32>, vector<16xi32>, vector<16xi32>], vector<16xf32>,
        %add3A_359 = arith.constant 4 : i32
        %add3A_360 = vector.broadcast %add3A_359 : i32 to vector<16xi32>
        %add3A_361 = arith.addi %select_n3A, %add3A_360 : vector<16xi32>
        tpu.vector_store_idx %arg12[%add3A_361, %select_n3A_47, %broadcast_in_dim3A], %get3A_337 : memref<36x8x65xf32, #tpu.memory_space<vmem>>[vector<16xi32>, vector<16xi32>, vector<16xi32>], vector<16xf32>,
        %add3A_362 = arith.constant 6 : i32
        %add3A_363 = vector.broadcast %add3A_362 : i32 to vector<16xi32>
        %add3A_364 = arith.addi %select_n3A, %add3A_363 : vector<16xi32>
        tpu.vector_store_idx %arg12[%add3A_364, %select_n3A_47, %broadcast_in_dim3A], %get3A_340 : memref<36x8x65xf32, #tpu.memory_space<vmem>>[vector<16xi32>, vector<16xi32>, vector<16xi32>], vector<16xf32>,
        %add3A_365 = arith.constant 8 : i32
        %add3A_366 = vector.broadcast %add3A_365 : i32 to vector<16xi32>
        %add3A_367 = arith.addi %select_n3A, %add3A_366 : vector<16xi32>
        tpu.vector_store_idx %arg12[%add3A_367, %select_n3A_47, %broadcast_in_dim3A], %get3A_343 : memref<36x8x65xf32, #tpu.memory_space<vmem>>[vector<16xi32>, vector<16xi32>, vector<16xi32>], vector<16xf32>,
        %add3A_368 = arith.constant 10 : i32
        %add3A_369 = vector.broadcast %add3A_368 : i32 to vector<16xi32>
        %add3A_370 = arith.addi %select_n3A, %add3A_369 : vector<16xi32>
        tpu.vector_store_idx %arg12[%add3A_370, %select_n3A_47, %broadcast_in_dim3A], %get3A_346 : memref<36x8x65xf32, #tpu.memory_space<vmem>>[vector<16xi32>, vector<16xi32>, vector<16xi32>], vector<16xf32>,
        %add3A_371 = arith.constant 12 : i32
        %add3A_372 = vector.broadcast %add3A_371 : i32 to vector<16xi32>
        %add3A_373 = arith.addi %select_n3A, %add3A_372 : vector<16xi32>
        tpu.vector_store_idx %arg12[%add3A_373, %select_n3A_47, %broadcast_in_dim3A], %get3A_349 : memref<36x8x65xf32, #tpu.memory_space<vmem>>[vector<16xi32>, vector<16xi32>, vector<16xi32>], vector<16xf32>,
        %add3A_374 = arith.constant 14 : i32
        %add3A_375 = vector.broadcast %add3A_374 : i32 to vector<16xi32>
        %add3A_376 = arith.addi %select_n3A, %add3A_375 : vector<16xi32>
        tpu.vector_store_idx %arg12[%add3A_376, %select_n3A_47, %broadcast_in_dim3A], %get3A_352 : memref<36x8x65xf32, #tpu.memory_space<vmem>>[vector<16xi32>, vector<16xi32>, vector<16xi32>], vector<16xf32>,
        %add3A_377 = arith.constant 16 : i32
        %add3A_378 = vector.broadcast %add3A_377 : i32 to vector<16xi32>
        %add3A_379 = arith.addi %select_n3A, %add3A_378 : vector<16xi32>
        tpu.vector_store_idx %arg12[%add3A_379, %select_n3A_47, %broadcast_in_dim3A], %get3A_355 : memref<36x8x65xf32, #tpu.memory_space<vmem>>[vector<16xi32>, vector<16xi32>, vector<16xi32>], vector<16xf32>,
      }
      %scan3A_237 = arith.constant 64 : i32
      %dma_start3A_238 = arith.constant 0 : i32
      %dma_start3A_239 = arith.constant 0 : i32
      %dma_start3A_240 = tpu.memref_slice %arg2[%dma_start3A_238, %dma_start3A_239] : memref<10000x128xf32, #tpu.memory_space<hbm>> -> memref<10000x128xf32, #tpu.memory_space<hbm>>
      tpu.enqueue_indirect_dma source(%dma_start3A_240 : memref<10000x128xf32, #tpu.memory_space<hbm>>) target(%arg8 : memref<64x128xf32, #tpu.memory_space<vmem>>) offsets(%arg20 : memref<64xi32, #tpu.memory_space<vmem>>) semaphore(%arg36 : memref<!tpu.dma_semaphore, #tpu.memory_space<semaphore_mem>>)
      %dma_wait3A_241 = arith.constant 0 : i32
      %dma_wait3A_242 = arith.constant 0 : i32
      %dma_wait3A_243 = tpu.memref_slice %arg2[%dma_wait3A_241, %dma_wait3A_242] : memref<10000x128xf32, #tpu.memory_space<hbm>> -> memref<64x128xf32, #tpu.memory_space<hbm>>
      %dma_wait3A_244 = arith.constant 0 : i32
      %dma_wait3A_245 = arith.constant 0 : i32
      %dma_wait3A_246 = tpu.memref_slice %arg2[%dma_wait3A_244, %dma_wait3A_245] : memref<10000x128xf32, #tpu.memory_space<hbm>> -> memref<64x128xf32, #tpu.memory_space<hbm>>
      tpu.wait_dma2 semaphore(%arg36 : memref<!tpu.dma_semaphore, #tpu.memory_space<semaphore_mem>>) src(%dma_wait3A_246 : memref<64x128xf32, #tpu.memory_space<hbm>>) dst(%arg8 : memref<64x128xf32, #tpu.memory_space<vmem>>)
      %dma_wait3A_247 = arith.constant 0 : i32
      %dma_wait3A_248 = arith.constant 0 : i32
      %dma_wait3A_249 = arith.constant 0 : i32
      %dma_wait3A_250 = arith.constant 0 : i32
      %dma_wait3A_251 = tpu.memref_slice %arg12[%dma_wait3A_248, %dma_wait3A_249, %dma_wait3A_250] : memref<36x8x65xf32, #tpu.memory_space<vmem>> -> memref<2x8x64xf32, #tpu.memory_space<vmem>>
      %dma_wait3A_252 = arith.constant 0 : i32
      %dma_wait3A_253 = arith.constant 0 : i32
      %dma_wait3A_254 = arith.constant 0 : i32
      %dma_wait3A_255 = tpu.memref_slice %arg3[%dma_wait3A_252, %dma_wait3A_247, %dma_wait3A_253, %dma_wait3A_254] : memref<2x2500x8x128xf32, #tpu.memory_space<hbm>> -> memref<2x1x8x64xf32, #tpu.memory_space<hbm>>
      %dma_wait3A_256 = tpu.memref_squeeze %dma_wait3A_255 : memref<2x1x8x64xf32, #tpu.memory_space<hbm>> -> memref<2x8x64xf32, #tpu.memory_space<hbm>>
      %dma_wait3A_257 = arith.constant 0 : i32
      %dma_wait3A_258 = arith.constant 0 : i32
      %dma_wait3A_259 = arith.constant 0 : i32
      %dma_wait3A_260 = tpu.memref_slice %arg12[%dma_wait3A_257, %dma_wait3A_258, %dma_wait3A_259] : memref<36x8x65xf32, #tpu.memory_space<vmem>> -> memref<2x8x64xf32, #tpu.memory_space<vmem>>
      %dma_wait3A_261 = arith.constant 0 : i32
      %dma_wait3A_262 = arith.constant 0 : i32
      %dma_wait3A_263 = arith.constant 0 : i32
      %dma_wait3A_264 = tpu.memref_slice %arg3[%dma_wait3A_261, %dma_wait3A_247, %dma_wait3A_262, %dma_wait3A_263] : memref<2x2500x8x128xf32, #tpu.memory_space<hbm>> -> memref<2x1x8x64xf32, #tpu.memory_space<hbm>>
      %dma_wait3A_265 = tpu.memref_squeeze %dma_wait3A_264 : memref<2x1x8x64xf32, #tpu.memory_space<hbm>> -> memref<2x8x64xf32, #tpu.memory_space<hbm>>
      tpu.wait_dma2 semaphore(%arg28 : memref<!tpu.dma_semaphore, #tpu.memory_space<semaphore_mem>>) src(%dma_wait3A_265 : memref<2x8x64xf32, #tpu.memory_space<hbm>>) dst(%dma_wait3A_260 : memref<2x8x64xf32, #tpu.memory_space<vmem>>)
      %scan3A_266 = arith.constant 0 : i32
      %scan3A_267 = arith.constant 0 : i32
      %scan3A_268 = arith.constant 64 : i32
      %scan3A_269 = arith.addi %scan3A_267, %scan3A_268 : i32
      %scan3A_270 = arith.constant 1 : i32
      scf.for %scan3A_332 = %scan3A_267 to %scan3A_269 step %scan3A_270  : i32 {
        %broadcast_in_dim3A = vector.broadcast %scan3A_332 : i32 to vector<16xi32>
        %get3A = arith.index_cast %scan3A_332 : i32 to index
        %get3A_333 = arith.constant 0 : index
        %get3A_334 = tpu.vector_load %arg8[%get3A, %get3A_333] {strides = array<i32>} : memref<64x128xf32, #tpu.memory_space<vmem>>, vector<16xf32>,
        %get3A_335 = arith.index_cast %scan3A_332 : i32 to index
        %get3A_336 = arith.constant 16 : index
        %get3A_337 = tpu.vector_load %arg8[%get3A_335, %get3A_336] {strides = array<i32>} : memref<64x128xf32, #tpu.memory_space<vmem>>, vector<16xf32>,
        %get3A_338 = arith.index_cast %scan3A_332 : i32 to index
        %get3A_339 = arith.constant 32 : index
        %get3A_340 = tpu.vector_load %arg8[%get3A_338, %get3A_339] {strides = array<i32>} : memref<64x128xf32, #tpu.memory_space<vmem>>, vector<16xf32>,
        %get3A_341 = arith.index_cast %scan3A_332 : i32 to index
        %get3A_342 = arith.constant 48 : index
        %get3A_343 = tpu.vector_load %arg8[%get3A_341, %get3A_342] {strides = array<i32>} : memref<64x128xf32, #tpu.memory_space<vmem>>, vector<16xf32>,
        %get3A_344 = arith.index_cast %scan3A_332 : i32 to index
        %get3A_345 = arith.constant 64 : index
        %get3A_346 = tpu.vector_load %arg8[%get3A_344, %get3A_345] {strides = array<i32>} : memref<64x128xf32, #tpu.memory_space<vmem>>, vector<16xf32>,
        %get3A_347 = arith.index_cast %scan3A_332 : i32 to index
        %get3A_348 = arith.constant 80 : index
        %get3A_349 = tpu.vector_load %arg8[%get3A_347, %get3A_348] {strides = array<i32>} : memref<64x128xf32, #tpu.memory_space<vmem>>, vector<16xf32>,
        %get3A_350 = arith.index_cast %scan3A_332 : i32 to index
        %get3A_351 = arith.constant 96 : index
        %get3A_352 = tpu.vector_load %arg8[%get3A_350, %get3A_351] {strides = array<i32>} : memref<64x128xf32, #tpu.memory_space<vmem>>, vector<16xf32>,
        %get3A_353 = arith.index_cast %scan3A_332 : i32 to index
        %get3A_354 = arith.constant 112 : index
        %get3A_355 = tpu.vector_load %arg8[%get3A_353, %get3A_354] {strides = array<i32>} : memref<64x128xf32, #tpu.memory_space<vmem>>, vector<16xf32>,
        %add3A_356 = arith.constant 34 : i32
        %add3A_357 = vector.broadcast %add3A_356 : i32 to vector<16xi32>
        %add3A_358 = arith.addi %select_n3A, %add3A_357 : vector<16xi32>
        tpu.vector_store_idx %arg12[%add3A_358, %select_n3A_47, %broadcast_in_dim3A], %get3A_334 : memref<36x8x65xf32, #tpu.memory_space<vmem>>[vector<16xi32>, vector<16xi32>, vector<16xi32>], vector<16xf32>,
        %add3A_359 = arith.constant 36 : i32
        %add3A_360 = vector.broadcast %add3A_359 : i32 to vector<16xi32>
        %add3A_361 = arith.addi %select_n3A, %add3A_360 : vector<16xi32>
        tpu.vector_store_idx %arg12[%add3A_361, %select_n3A_47, %broadcast_in_dim3A], %get3A_337 : memref<36x8x65xf32, #tpu.memory_space<vmem>>[vector<16xi32>, vector<16xi32>, vector<16xi32>], vector<16xf32>,
        %add3A_362 = arith.constant 38 : i32
        %add3A_363 = vector.broadcast %add3A_362 : i32 to vector<16xi32>
        %add3A_364 = arith.addi %select_n3A, %add3A_363 : vector<16xi32>
        tpu.vector_store_idx %arg12[%add3A_364, %select_n3A_47, %broadcast_in_dim3A], %get3A_340 : memref<36x8x65xf32, #tpu.memory_space<vmem>>[vector<16xi32>, vector<16xi32>, vector<16xi32>], vector<16xf32>,
        %add3A_365 = arith.constant 40 : i32
        %add3A_366 = vector.broadcast %add3A_365 : i32 to vector<16xi32>
        %add3A_367 = arith.addi %select_n3A, %add3A_366 : vector<16xi32>
        tpu.vector_store_idx %arg12[%add3A_367, %select_n3A_47, %broadcast_in_dim3A], %get3A_343 : memref<36x8x65xf32, #tpu.memory_space<vmem>>[vector<16xi32>, vector<16xi32>, vector<16xi32>], vector<16xf32>,
        %add3A_368 = arith.constant 42 : i32
        %add3A_369 = vector.broadcast %add3A_368 : i32 to vector<16xi32>
        %add3A_370 = arith.addi %select_n3A, %add3A_369 : vector<16xi32>
        tpu.vector_store_idx %arg12[%add3A_370, %select_n3A_47, %broadcast_in_dim3A], %get3A_346 : memref<36x8x65xf32, #tpu.memory_space<vmem>>[vector<16xi32>, vector<16xi32>, vector<16xi32>], vector<16xf32>,
        %add3A_371 = arith.constant 44 : i32
        %add3A_372 = vector.broadcast %add3A_371 : i32 to vector<16xi32>
        %add3A_373 = arith.addi %select_n3A, %add3A_372 : vector<16xi32>
        tpu.vector_store_idx %arg12[%add3A_373, %select_n3A_47, %broadcast_in_dim3A], %get3A_349 : memref<36x8x65xf32, #tpu.memory_space<vmem>>[vector<16xi32>, vector<16xi32>, vector<16xi32>], vector<16xf32>,
        %add3A_374 = arith.constant 46 : i32
        %add3A_375 = vector.broadcast %add3A_374 : i32 to vector<16xi32>
        %add3A_376 = arith.addi %select_n3A, %add3A_375 : vector<16xi32>
        tpu.vector_store_idx %arg12[%add3A_376, %select_n3A_47, %broadcast_in_dim3A], %get3A_352 : memref<36x8x65xf32, #tpu.memory_space<vmem>>[vector<16xi32>, vector<16xi32>, vector<16xi32>], vector<16xf32>,
        %add3A_377 = arith.constant 48 : i32
        %add3A_378 = vector.broadcast %add3A_377 : i32 to vector<16xi32>
        %add3A_379 = arith.addi %select_n3A, %add3A_378 : vector<16xi32>
        tpu.vector_store_idx %arg12[%add3A_379, %select_n3A_47, %broadcast_in_dim3A], %get3A_355 : memref<36x8x65xf32, #tpu.memory_space<vmem>>[vector<16xi32>, vector<16xi32>, vector<16xi32>], vector<16xf32>,
      }
      %scan3A_271 = arith.constant 64 : i32
      %add3A_272 = arith.constant 156 : i32
      %add3A_273 = arith.addi %add3A_4, %add3A_272 : i32
      %jit3A_274 = arith.constant 2 : i32
      %div3A_275 = arith.divsi %add3A_273, %jit3A_274 : i32
      %sign3A_276 = arith.constant 0 : i32
      %sign3A_277 = arith.cmpi sgt, %add3A_273, %sign3A_276 : i32
      %sign3A_278 = arith.extui %sign3A_277 : i1 to i32
      %sign3A_279 = arith.constant 0 : i32
      %sign3A_280 = arith.cmpi slt, %add3A_273, %sign3A_279 : i32
      %sign3A_281 = arith.extui %sign3A_280 : i1 to i32
      %sign3A_282 = arith.subi %sign3A_278, %sign3A_281 : i32
      %sign3A_283 = arith.constant 0 : i32
      %sign3A_284 = arith.cmpi sgt, %jit3A_274, %sign3A_283 : i32
      %sign3A_285 = arith.extui %sign3A_284 : i1 to i32
      %sign3A_286 = arith.constant 0 : i32
      %sign3A_287 = arith.cmpi slt, %jit3A_274, %sign3A_286 : i32
      %sign3A_288 = arith.extui %sign3A_287 : i1 to i32
      %sign3A_289 = arith.subi %sign3A_285, %sign3A_288 : i32
      %ne3A_290 = arith.cmpi ne, %sign3A_282, %sign3A_289 : i32
      %rem3A_291 = arith.remsi %add3A_273, %jit3A_274 : i32
      %ne3A_292 = arith.constant 0 : i32
      %ne3A_293 = arith.cmpi ne, %rem3A_291, %ne3A_292 : i32
      %and3A_294 = arith.andi %ne3A_290, %ne3A_293 : i1
      %sub3A_295 = arith.constant 1 : i32
      %sub3A_296 = arith.subi %div3A_275, %sub3A_295 : i32
      %select_n3A_297 = arith.select %and3A_294, %sub3A_296, %div3A_275 : i32
      %jit3A_298 = arith.constant 2 : i32
      %eq3A_299 = arith.constant 0 : i32
      %eq3A_300 = arith.cmpi eq, %jit3A_298, %eq3A_299 : i32
      %jit3A_301 = arith.constant 1 : i32
      %select_n3A_302 = arith.select %eq3A_300, %jit3A_301, %jit3A_298 : i32
      %rem3A_303 = arith.remsi %add3A_273, %select_n3A_302 : i32
      %ne3A_304 = arith.constant 0 : i32
      %ne3A_305 = arith.cmpi ne, %rem3A_303, %ne3A_304 : i32
      %lt3A_306 = arith.constant 0 : i32
      %lt3A_307 = arith.cmpi slt, %rem3A_303, %lt3A_306 : i32
      %lt3A_308 = arith.constant 0 : i32
      %lt3A_309 = arith.cmpi slt, %select_n3A_302, %lt3A_308 : i32
      %ne3A_310 = arith.xori %lt3A_307, %lt3A_309 : i1
      %and3A_311 = arith.andi %ne3A_310, %ne3A_305 : i1
      %add3A_312 = arith.addi %rem3A_303, %select_n3A_302 : i32
      %select_n3A_313 = arith.select %and3A_311, %add3A_312, %rem3A_303 : i32
      %mul3A_314 = arith.constant 64 : i32
      %mul3A_315 = arith.muli %select_n3A_313, %mul3A_314 : i32
      %dma_start3A_316 = arith.constant 0 : i32
      %dma_start3A_317 = arith.constant 0 : i32
      %dma_start3A_318 = arith.constant 0 : i32
      %dma_start3A_319 = tpu.memref_slice %arg12[%dma_start3A_316, %dma_start3A_317, %dma_start3A_318] : memref<36x8x65xf32, #tpu.memory_space<vmem>> -> memref<36x8x64xf32, #tpu.memory_space<vmem>>
      %dma_start3A_320 = arith.constant 0 : i32
      %dma_start3A_321 = arith.constant 0 : i32
      %dma_start3A_322 = tpu.memref_slice %arg7[%dma_start3A_320, %select_n3A_297, %dma_start3A_321, %mul3A_315] : memref<36x2500x8x128xf32, #tpu.memory_space<hbm>> -> memref<36x1x8x64xf32, #tpu.memory_space<hbm>>
      %dma_start3A_323 = tpu.memref_squeeze %dma_start3A_322 : memref<36x1x8x64xf32, #tpu.memory_space<hbm>> -> memref<36x8x64xf32, #tpu.memory_space<hbm>>
      %dma_start3A_324 = arith.constant 0 : i32
      %dma_start3A_325 = arith.constant 0 : i32
      %dma_start3A_326 = tpu.memref_slice %arg7[%dma_start3A_324, %select_n3A_297, %dma_start3A_325, %mul3A_315] : memref<36x2500x8x128xf32, #tpu.memory_space<hbm>> -> memref<36x1x8x64xf32, #tpu.memory_space<hbm>>
      %dma_start3A_327 = tpu.memref_squeeze %dma_start3A_326 : memref<36x1x8x64xf32, #tpu.memory_space<hbm>> -> memref<36x8x64xf32, #tpu.memory_space<hbm>>
      %dma_start3A_328 = arith.constant 0 : i32
      %dma_start3A_329 = arith.constant 0 : i32
      %dma_start3A_330 = arith.constant 0 : i32
      %dma_start3A_331 = tpu.memref_slice %arg12[%dma_start3A_328, %dma_start3A_329, %dma_start3A_330] : memref<36x8x65xf32, #tpu.memory_space<vmem>> -> memref<36x8x64xf32, #tpu.memory_space<vmem>>
      tpu.enqueue_dma source(%dma_start3A_331 : memref<36x8x64xf32, #tpu.memory_space<vmem>>) target(%dma_start3A_327 : memref<36x8x64xf32, #tpu.memory_space<hbm>>) target_semaphore(%arg40 : memref<!tpu.dma_semaphore, #tpu.memory_space<semaphore_mem>>)
    } else {
    }
    %dma_wait3A = arith.constant 0 : i32
    %dma_wait3A_56 = arith.constant 0 : i32
    %dma_wait3A_57 = arith.constant 0 : i32
    %dma_wait3A_58 = arith.constant 0 : i32
    %dma_wait3A_59 = tpu.memref_slice %arg12[%dma_wait3A_56, %dma_wait3A_57, %dma_wait3A_58] : memref<36x8x65xf32, #tpu.memory_space<vmem>> -> memref<36x8x64xf32, #tpu.memory_space<vmem>>
    %dma_wait3A_60 = arith.constant 0 : i32
    %dma_wait3A_61 = arith.constant 0 : i32
    %dma_wait3A_62 = arith.constant 0 : i32
    %dma_wait3A_63 = tpu.memref_slice %arg7[%dma_wait3A_60, %dma_wait3A, %dma_wait3A_61, %dma_wait3A_62] : memref<36x2500x8x128xf32, #tpu.memory_space<hbm>> -> memref<36x1x8x64xf32, #tpu.memory_space<hbm>>
    %dma_wait3A_64 = tpu.memref_squeeze %dma_wait3A_63 : memref<36x1x8x64xf32, #tpu.memory_space<hbm>> -> memref<36x8x64xf32, #tpu.memory_space<hbm>>
    %dma_wait3A_65 = arith.constant 0 : i32
    %dma_wait3A_66 = arith.constant 0 : i32
    %dma_wait3A_67 = arith.constant 0 : i32
    %dma_wait3A_68 = tpu.memref_slice %arg7[%dma_wait3A_65, %dma_wait3A, %dma_wait3A_66, %dma_wait3A_67] : memref<36x2500x8x128xf32, #tpu.memory_space<hbm>> -> memref<36x1x8x64xf32, #tpu.memory_space<hbm>>
    %dma_wait3A_69 = tpu.memref_squeeze %dma_wait3A_68 : memref<36x1x8x64xf32, #tpu.memory_space<hbm>> -> memref<36x8x64xf32, #tpu.memory_space<hbm>>
    %dma_wait3A_70 = arith.constant 0 : i32
    %dma_wait3A_71 = arith.constant 0 : i32
    %dma_wait3A_72 = arith.constant 0 : i32
    %dma_wait3A_73 = tpu.memref_slice %arg12[%dma_wait3A_70, %dma_wait3A_71, %dma_wait3A_72] : memref<36x8x65xf32, #tpu.memory_space<vmem>> -> memref<36x8x64xf32, #tpu.memory_space<vmem>>
    tpu.wait_dma2 semaphore(%arg40 : memref<!tpu.dma_semaphore, #tpu.memory_space<semaphore_mem>>) src(%dma_wait3A_73 : memref<36x8x64xf32, #tpu.memory_space<vmem>>) dst(%dma_wait3A_69 : memref<36x8x64xf32, #tpu.memory_space<hbm>>)
    %dma_wait3A_74 = arith.constant 0 : i32
    %dma_wait3A_75 = arith.constant 0 : i32
    %dma_wait3A_76 = arith.constant 0 : i32
    %dma_wait3A_77 = arith.constant 0 : i32
    %dma_wait3A_78 = tpu.memref_slice %arg13[%dma_wait3A_75, %dma_wait3A_76, %dma_wait3A_77] : memref<36x8x65xf32, #tpu.memory_space<vmem>> -> memref<36x8x64xf32, #tpu.memory_space<vmem>>
    %dma_wait3A_79 = arith.constant 0 : i32
    %dma_wait3A_80 = arith.constant 0 : i32
    %dma_wait3A_81 = arith.constant 0 : i32
    %dma_wait3A_82 = tpu.memref_slice %arg7[%dma_wait3A_79, %dma_wait3A_74, %dma_wait3A_80, %dma_wait3A_81] : memref<36x2500x8x128xf32, #tpu.memory_space<hbm>> -> memref<36x1x8x64xf32, #tpu.memory_space<hbm>>
    %dma_wait3A_83 = tpu.memref_squeeze %dma_wait3A_82 : memref<36x1x8x64xf32, #tpu.memory_space<hbm>> -> memref<36x8x64xf32, #tpu.memory_space<hbm>>
    %dma_wait3A_84 = arith.constant 0 : i32
    %dma_wait3A_85 = arith.constant 0 : i32
    %dma_wait3A_86 = arith.constant 0 : i32
    %dma_wait3A_87 = tpu.memref_slice %arg7[%dma_wait3A_84, %dma_wait3A_74, %dma_wait3A_85, %dma_wait3A_86] : memref<36x2500x8x128xf32, #tpu.memory_space<hbm>> -> memref<36x1x8x64xf32, #tpu.memory_space<hbm>>
    %dma_wait3A_88 = tpu.memref_squeeze %dma_wait3A_87 : memref<36x1x8x64xf32, #tpu.memory_space<hbm>> -> memref<36x8x64xf32, #tpu.memory_space<hbm>>
    %dma_wait3A_89 = arith.constant 0 : i32
    %dma_wait3A_90 = arith.constant 0 : i32
    %dma_wait3A_91 = arith.constant 0 : i32
    %dma_wait3A_92 = tpu.memref_slice %arg13[%dma_wait3A_89, %dma_wait3A_90, %dma_wait3A_91] : memref<36x8x65xf32, #tpu.memory_space<vmem>> -> memref<36x8x64xf32, #tpu.memory_space<vmem>>
    tpu.wait_dma2 semaphore(%arg41 : memref<!tpu.dma_semaphore, #tpu.memory_space<semaphore_mem>>) src(%dma_wait3A_92 : memref<36x8x64xf32, #tpu.memory_space<vmem>>) dst(%dma_wait3A_88 : memref<36x8x64xf32, #tpu.memory_space<hbm>>)
    %dma_wait3A_93 = arith.constant 0 : i32
    %dma_wait3A_94 = arith.constant 0 : i32
    %dma_wait3A_95 = arith.constant 0 : i32
    %dma_wait3A_96 = arith.constant 0 : i32
    %dma_wait3A_97 = tpu.memref_slice %arg14[%dma_wait3A_94, %dma_wait3A_95, %dma_wait3A_96] : memref<36x8x65xf32, #tpu.memory_space<vmem>> -> memref<36x8x64xf32, #tpu.memory_space<vmem>>
    %dma_wait3A_98 = arith.constant 0 : i32
    %dma_wait3A_99 = arith.constant 0 : i32
    %dma_wait3A_100 = arith.constant 0 : i32
    %dma_wait3A_101 = tpu.memref_slice %arg7[%dma_wait3A_98, %dma_wait3A_93, %dma_wait3A_99, %dma_wait3A_100] : memref<36x2500x8x128xf32, #tpu.memory_space<hbm>> -> memref<36x1x8x64xf32, #tpu.memory_space<hbm>>
    %dma_wait3A_102 = tpu.memref_squeeze %dma_wait3A_101 : memref<36x1x8x64xf32, #tpu.memory_space<hbm>> -> memref<36x8x64xf32, #tpu.memory_space<hbm>>
    %dma_wait3A_103 = arith.constant 0 : i32
    %dma_wait3A_104 = arith.constant 0 : i32
    %dma_wait3A_105 = arith.constant 0 : i32
    %dma_wait3A_106 = tpu.memref_slice %arg7[%dma_wait3A_103, %dma_wait3A_93, %dma_wait3A_104, %dma_wait3A_105] : memref<36x2500x8x128xf32, #tpu.memory_space<hbm>> -> memref<36x1x8x64xf32, #tpu.memory_space<hbm>>
    %dma_wait3A_107 = tpu.memref_squeeze %dma_wait3A_106 : memref<36x1x8x64xf32, #tpu.memory_space<hbm>> -> memref<36x8x64xf32, #tpu.memory_space<hbm>>
    %dma_wait3A_108 = arith.constant 0 : i32
    %dma_wait3A_109 = arith.constant 0 : i32
    %dma_wait3A_110 = arith.constant 0 : i32
    %dma_wait3A_111 = tpu.memref_slice %arg14[%dma_wait3A_108, %dma_wait3A_109, %dma_wait3A_110] : memref<36x8x65xf32, #tpu.memory_space<vmem>> -> memref<36x8x64xf32, #tpu.memory_space<vmem>>
    tpu.wait_dma2 semaphore(%arg42 : memref<!tpu.dma_semaphore, #tpu.memory_space<semaphore_mem>>) src(%dma_wait3A_111 : memref<36x8x64xf32, #tpu.memory_space<vmem>>) dst(%dma_wait3A_107 : memref<36x8x64xf32, #tpu.memory_space<hbm>>)
    %dma_wait3A_112 = arith.constant 0 : i32
    %dma_wait3A_113 = arith.constant 0 : i32
    %dma_wait3A_114 = arith.constant 0 : i32
    %dma_wait3A_115 = arith.constant 0 : i32
    %dma_wait3A_116 = tpu.memref_slice %arg15[%dma_wait3A_113, %dma_wait3A_114, %dma_wait3A_115] : memref<36x8x65xf32, #tpu.memory_space<vmem>> -> memref<36x8x64xf32, #tpu.memory_space<vmem>>
    %dma_wait3A_117 = arith.constant 0 : i32
    %dma_wait3A_118 = arith.constant 0 : i32
    %dma_wait3A_119 = arith.constant 0 : i32
    %dma_wait3A_120 = tpu.memref_slice %arg7[%dma_wait3A_117, %dma_wait3A_112, %dma_wait3A_118, %dma_wait3A_119] : memref<36x2500x8x128xf32, #tpu.memory_space<hbm>> -> memref<36x1x8x64xf32, #tpu.memory_space<hbm>>
    %dma_wait3A_121 = tpu.memref_squeeze %dma_wait3A_120 : memref<36x1x8x64xf32, #tpu.memory_space<hbm>> -> memref<36x8x64xf32, #tpu.memory_space<hbm>>
    %dma_wait3A_122 = arith.constant 0 : i32
    %dma_wait3A_123 = arith.constant 0 : i32
    %dma_wait3A_124 = arith.constant 0 : i32
    %dma_wait3A_125 = tpu.memref_slice %arg7[%dma_wait3A_122, %dma_wait3A_112, %dma_wait3A_123, %dma_wait3A_124] : memref<36x2500x8x128xf32, #tpu.memory_space<hbm>> -> memref<36x1x8x64xf32, #tpu.memory_space<hbm>>
    %dma_wait3A_126 = tpu.memref_squeeze %dma_wait3A_125 : memref<36x1x8x64xf32, #tpu.memory_space<hbm>> -> memref<36x8x64xf32, #tpu.memory_space<hbm>>
    %dma_wait3A_127 = arith.constant 0 : i32
    %dma_wait3A_128 = arith.constant 0 : i32
    %dma_wait3A_129 = arith.constant 0 : i32
    %dma_wait3A_130 = tpu.memref_slice %arg15[%dma_wait3A_127, %dma_wait3A_128, %dma_wait3A_129] : memref<36x8x65xf32, #tpu.memory_space<vmem>> -> memref<36x8x64xf32, #tpu.memory_space<vmem>>
    tpu.wait_dma2 semaphore(%arg43 : memref<!tpu.dma_semaphore, #tpu.memory_space<semaphore_mem>>) src(%dma_wait3A_130 : memref<36x8x64xf32, #tpu.memory_space<vmem>>) dst(%dma_wait3A_126 : memref<36x8x64xf32, #tpu.memory_space<hbm>>)
    return
  }
}

</mosaic_0001>

<sc_bundles>
// kernel: kernel.3.cloned.1.call-start
scs
__scs_entry_jumppad:
0x0: {  	(pc) =	sbr.rel $0x88, $3  }
0x1: {  	(tag) =	ssettag $0x0;
	lr =	simm.s32 $0x1  }
0x2: {  	[smem:$0x3F9D] =	sst lr;
	_ =	strace $0xD0000000  }
0x3: {  	_ = 	snop  }
0x4: {  	_ = 	snop  }
0x5: {  	_ = 	snop  }
0x6: {  	_ = 	snop  }
0x7: {  	_ = 	snop  }
__scs_overlays_trampoline_lowered:
0x8: {  	[smem:$0x3FAC] =	sst s0  }
0x9: {  	[smem:$0x3FAD] =	sst s1  }
0xa: {  	[smem:$0x3FAE] =	sst s2  }
0xb: {  	[smem:$0x3FAF] =	sst s3  }
0xc: {  	[smem:$0x3FB0] =	sst s4  }
0xd: {  	[smem:$0x3FB1] =	sst s5  }
0xe: {  	[smem:$0x3FB2] =	sst s6  }
0xf: {  	[smem:$0x3FB3] =	sst s7  }
0x10: {  	[smem:$0x3FB4] =	sst s8  }
0x11: {  	[smem:$0x3FB5] =	sst s9;
	s0 =	simm.s32 @!p0 $0x0  }
0x12: {  	s1 =	sld [smem:$0x3F9B];
	s0 =	simm.s32 @p0 $0x1  }
0x13: {  	[smem:$0x3FB6] =	sst s0;
	s0 =	simm.s32 @!p1 $0x0  }
0x14: {  	s2 =	sld [smem:$0x3F9A];
	s0 =	simm.s32 @p1 $0x1  }
0x15: {  	[smem:$0x3FB7] =	sst s0;
	s0 =	simm.s32 @!p2 $0x0  }
0x16: {  	s3 =	sld [smem:$0x3FDB];
	s0 =	simm.s32 @p2 $0x1  }
0x17: {  	s4 =	simm.s32 $0x1BF5;
	[smem:$0x3FB9] =	sst s0  }
0x18: {  	s0 =	sld [smem:$0x3F9C];
	_ =	swait.ge [sflag:s4], $0x0  }
0x19: {  	s7 =	sld [smem:$0x3F9D]  }
0x1a: {  	s8 =	sadd.s32 $0xFFFFE003, lr  }
0x1b: {  	s9 =	sadd.s32 $0xFFFFFEF7, lr;
	s5 =	simm.s32 $0xFFFFFFFF;
	p2 =	slt.u32 s8, $0xFFFFF086  }
0x1c: {  	p1 =	slt.u32 s9, $0xF7A;
	s5 =	simm.s32 @!p2 $0x0  }
0x1d: {  	s5 =	simm.s32 @p1 $0x1;
	p0 =	seq.s32 s7, s2  }
0x1e: {  	s7 =	smul.u32 @!p0 $0xF7A, s2;
	p2 =	seq.s32 @!p0 s5, $0x0  }
0x1f: {  	s9 =	smul.u32 $0xF7A, s1;
	s8 =	simm.s32 @!p0 $0x1BF5;
	p2 =	por !p2, p0  }
0x20: {  	[sflag:s8] =	ssyncset.s32 @!p0 $0xFFFFF086;
	s6 =	sadd.s32 @!p0 s3, s7;
	s7 =	simm.s32 @!p0 $0x108  }
0x21: {  	s3 =	sadd.s32 s3, s9;
	s6 =	sadd.s32 @!p0 $0x88, s6;
	s7 =	simm.s32 @p2 $0x1082  }
0x22: {  	[simem:s7], [sflag:s8] =	dma.local @!p0 [hbm:s6], $0xF7A  }
0x23: {  	s9 =	sor.u32 $0xD0000000, s2;
	s6 =	simm.s32 $0x108;
	_ =	swait.ge @!p0 [sflag:s8], $0x0  }
0x24: {  	s3 =	sadd.s32 $0x88, s3;
	s6 =	simm.s32 @!p1 $0x1082;
	[sflag:s4] =	ssyncset.s32 $0xFFFFF086  }
0x25: {  	[simem:s6], [sflag:s4] =	dma.local [hbm:s3], $0xF7A  }
0x26: {  	[smem:$0x3F9D] =	sst s1;
	(tag) =	ssettag s2;
	_ =	strace s9  }
0x27: {  	s1 =	sld [smem:$0x3FAD]  }
0x28: {  	s2 =	sld [smem:$0x3FAE]  }
0x29: {  	s4 =	sld [smem:$0x3FB0]  }
0x2a: {  	p0 =	seq.s32 s5, $0x0;
	s5 =	sld [smem:$0x3FB1]  }
0x2b: {  	s6 =	sld [smem:$0x3FB2]  }
0x2c: {  	s7 =	sld [smem:$0x3FB3]  }
0x2d: {  	s3 =	simm.s32 $0x108;
	s8 =	sld [smem:$0x3FB4]  }
0x2e: {  	s3 =	simm.s32 @!p0 $0x1082;
	s9 =	sld [smem:$0x3FB5]  }
0x2f: {  	lr =	sadd.s32 s0, s3;
	s0 =	sld [smem:$0x3FAC]  }
0x30: {  	s3 =	sld [smem:$0x3FAF]  }
0x31: {  	[smem:$0x3FB8] =	sst s10  }
0x32: {  	s10 =	sld [smem:$0x3FB6];
	_ =	sdelay $0x3  }
0x33: {  	p0 =	seq.s32 s10, $0x1;
	s10 =	sld [smem:$0x3FB8];
	_ =	sdelay $0x3  }
0x34: {  	[smem:$0x3FB8] =	sst s10  }
0x35: {  	s10 =	sld [smem:$0x3FB7];
	_ =	sdelay $0x3  }
0x36: {  	p1 =	seq.s32 s10, $0x1;
	s10 =	sld [smem:$0x3FB8];
	_ =	sdelay $0x3  }
0x37: {  	[smem:$0x3FB8] =	sst s10  }
0x38: {  	s10 =	sld [smem:$0x3FB9]  }
0x39: {  	_ = 	snop;
	(pc) =	sbr.ind lr, $3  }
0x3a: {  	_ = 	snop  }
0x3b: {  	_ = 	snop  }
0x3c: {  	p2 =	seq.s32 s10, $0x1;
	s10 =	sld [smem:$0x3FB8]  }
0x3d: {  	_ =	shalt  }
0x3e: {  	_ =	shalt  }
0x3f: {  	_ =	shalt  }
0x40: {  	_ =	shalt  }
0x41: {  	_ =	shalt  }
0x42: {  	_ =	shalt  }
0x43: {  	_ =	shalt  }
0x44: {  	_ =	shalt  }
0x45: {  	_ =	shalt  }
0x46: {  	_ =	shalt  }
0x47: {  	_ =	shalt  }
0x48: {  	_ =	shalt  }
0x49: {  	_ =	shalt  }
0x4a: {  	_ =	shalt  }
0x4b: {  	_ =	shalt  }
0x4c: {  	_ =	shalt  }
0x4d: {  	_ =	shalt  }
0x4e: {  	_ =	shalt  }
0x4f: {  	_ =	shalt  }
0x50: {  	_ =	shalt  }
0x51: {  	_ =	shalt  }
0x52: {  	_ =	shalt  }
0x53: {  	_ =	shalt  }
0x54: {  	_ =	shalt  }
0x55: {  	_ =	shalt  }
0x56: {  	_ =	shalt  }
0x57: {  	_ =	shalt  }
0x58: {  	_ =	shalt  }
0x59: {  	_ =	shalt  }
0x5a: {  	_ =	shalt  }
0x5b: {  	_ =	shalt  }
0x5c: {  	_ =	shalt  }
0x5d: {  	_ =	shalt  }
0x5e: {  	_ =	shalt  }
0x5f: {  	_ =	shalt  }
0x60: {  	_ =	shalt  }
0x61: {  	_ =	shalt  }
0x62: {  	_ =	shalt  }
0x63: {  	_ =	shalt  }
0x64: {  	_ =	shalt  }
0x65: {  	_ =	shalt  }
0x66: {  	_ =	shalt  }
0x67: {  	_ =	shalt  }
0x68: {  	_ =	shalt  }
0x69: {  	_ =	shalt  }
0x6a: {  	_ =	shalt  }
0x6b: {  	_ =	shalt  }
0x6c: {  	_ =	shalt  }
0x6d: {  	_ =	shalt  }
0x6e: {  	_ =	shalt  }
0x6f: {  	_ =	shalt  }
0x70: {  	_ =	shalt  }
0x71: {  	_ =	shalt  }
0x72: {  	_ =	shalt  }
0x73: {  	_ =	shalt  }
0x74: {  	_ =	shalt  }
0x75: {  	_ =	shalt  }
0x76: {  	_ =	shalt  }
0x77: {  	_ =	shalt  }
0x78: {  	_ =	shalt  }
0x79: {  	_ =	shalt  }
0x7a: {  	_ =	shalt  }
0x7b: {  	_ =	shalt  }
0x7c: {  	_ =	shalt  }
0x7d: {  	_ =	shalt  }
0x7e: {  	_ =	shalt  }
0x7f: {  	_ =	shalt  }
0x80: {  	_ =	shalt  }
0x81: {  	_ =	shalt  }
0x82: {  	_ =	shalt  }
0x83: {  	_ =	shalt  }
0x84: {  	_ =	shalt  }
0x85: {  	_ =	shalt  }
0x86: {  	_ =	shalt  }
0x87: {  	_ =	shalt  }
.Lfunc_end0:
.L_simem_size_0:
called_computation_lowered:
.L_overlay_start_0:
0x88: {  	s2 =	sld [smem:$0x3FD9]  }
0x89: {  	s3 =	sld [smem:$0x3FFE];
	_ =	sdelay $0x1  }
0x8a: {  	s1 =	srdreg.scid  }
0x8b: {  	s0 =	sand.u32 $0x1, s1  }
0x8c: {  	s17 =	sshll.u32 s0, $0xA;
	s2 =	sadd.s32 s3, s2  }
0x8d: {  	s2 =	sadd.s32 s2, s17  }
0x8e: {  	[smem:$0x3FC4] =	sst s2  }
0x8f: {  	_ = 	snop  }
0x90: {  	s2 =	sld [smem:$0x3FC9]  }
0x91: {  	s18 =	sld [smem:$0x3FC8]  }
0x92: {  	s4 =	sld [smem:$0x3FD0];
	(tm) =	ssettm $0x1  }
0x93: {  	s5 =	sld [smem:$0x3FFB];
	_ =	sdelay $0x3  }
0x94: {  	_ =	strace s5  }
0x95: {  	s5 =	sld [smem:$0x3FFC];
	_ =	sdelay $0x3  }
0x96: {  	_ =	strace s5  }
0x97: {  	s5 =	sld [smem:$0x3FFD];
	_ =	sdelay $0x3  }
0x98: {  	_ =	strace s5  }
0x99: {  	_ =	strace $0x8FFFFFFF  }
0x9a: {  	s19 =	sld [smem:$0x3FDB];
	_ =	sdelay $0x1  }
0x9b: {  	s6 =	simm.s32 $_scs_section_size  }
0x9c: {  	s7 =	simm.s32 $_size__tile_overlayer_lowered;
	s8 =	simm.s32 $_tile_overlayer_lowered  }
0x9d: {  	s22 =	simm.s32 $0x1BFF;
	s21 =	sshll.u32 s8, $0x1;
	s5 =	sadd.s32 s6, s19  }
0x9e: {  	s9 =	simm.s32 $0x0;
	s20 =	sshll.u32 s7, $0x1;
	s7 =	sadd.s32 s21, s5  }
0x9f: {  	[timem:s9], [sflag:s22] =	dma.local [hbm:s7], s20  }
0xa0: {  	_ =	swait.ge [sflag:s22], s20  }
0xa1: {  	s6 =	ssub.s32 $0x0, s20;
	[sflag:s22] =	ssyncset.done $0x0  }
0xa2: {  	[sflag:s22] =	ssyncadd.s32 s6;
	_ =	sdelay $0x1  }
0xa3: {  	s23 =	simm.s32 $0x1B8B  }
0xa4: {  	_ =	swait.ge [sflag:s23], $0x1  }
0xa5: {  	[sflag:s23] =	ssyncset.done $0x0  }
0xa6: {  	s25 =	simm.s32 $0x1B8E;
	s24 =	sld [smem:$0x3FFE];
	[sflag:s23] =	ssyncadd.s32 $0xFFFFFFFF  }
0xa7: {  	s26 =	simm.s32 $execute0_lowered;
	[smem:$0x3FD2] =	sst s25  }
0xa8: {  	s7 =	sshll.u32 s26, $0x1;
	_ =	strace $0x80000046;
	[dreg:$0x1] =	wrdreg $0xFFFFFFFF  }
0xa9: {  	s28 =	simm.s32 $_size_execute0_lowered;
	s5 =	sadd.s32 s5, s7;
	[dreg:$0x0] =	wrdreg $0x0  }
0xaa: {  	s7 =	sshll.u32 s28, $0x1;
	[dreg:$0x2] =	wrdreg s5  }
0xab: {  	[dreg:$0x3] =	wrdreg s7  }
0xac: {  	[dreg:$0x4] =	wrdreg $0xC0  }
0xad: {  	_ =	task [dreg:s9], $0x5FFFF  }
0xae: {  	[dreg:$0x1] =	wrdreg $0xFFFFFFFF  }
0xaf: {  	[dreg:$0x0] =	wrdreg $0x60  }
0xb0: {  	[dreg:$0x2] =	wrdreg s2  }
0xb1: {  	[dreg:$0x3] =	wrdreg s18  }
0xb2: {  	[dreg:$0x4] =	wrdreg s24  }
0xb3: {  	[dreg:$0x5] =	wrdreg s4  }
0xb4: {  	[dreg:$0x6] =	wrdreg $0x9  }
0xb5: {  	_ =	task.clear_ibuf [dreg:s9], $0x7FFFF;
	_ =	strace $0x90000046  }
0xb6: {  	s29 =	simm.s32 $0x9;
	_ =	strace $0x80000048  }
0xb7: {  	_ =	swait.ge [sflag:s29], $0x1  }
0xb8: {  	[sflag:s29] =	ssyncadd.s32 $0xFFFFFFFF  }
0xb9: {  	_ =	strace $0x90000048  }
0xba: {  	_ =	sfence  }
0xbb: {  	s30 =	sld [smem:$0x0];
	_ =	sdelay $0x2  }
0xbc: {  	s31 =	sshll.u32 s1, $0xD;
	s1 =	sshrl.u32 s1, $0x2  }
0xbd: {  	s3 =	sand.u32 $0x4000, s31;
	s1 =	sadd.s32 s1, s30  }
0xbe: {  	s0 =	sor.u32 s3, s0;
	s1 =	sshll.u32 s1, $0x11  }
0xbf: {  	s0 =	sor.u32 s1, s0  }
0xc0: {  	s0 =	sadd.s32 $0x8F2B, s0  }
0xc1: {  	[sflag:s0] =	ssyncadd.remote.s32 $0x1  }
0xc2: {  	_ =	sfence.sel $0xFFFF  }
0xc3: {  	[dreg:$0x0] =	wrdreg $0xFFFFFFFF;
	(pc) =	sbr.abs _section_cstart, $3  }
0xc4: {  	[dreg:$0x1] =	wrdreg $0xFFFFFFFF  }
0xc5: {  	_ =	task.clear_ibuf [dreg:s9], $0x2FFFF;
	_ =	strace $0x9FFFFFFF  }
0xc6: {  	(tm) =	ssettm $0x7FFFFFFF  }
0xc7: {  	_ =	shalt  }
tec
execute0_lowered:
.L_overlay_start_1:
0x0: {  	(tag) =	ssettag $0x1  }
0x1: {  	s1 =	rddreg [dreg:$0x0]  }
0x2: {  	s2 =	rddreg [dreg:$0x1]  }
0x3: {  	s13 =	rddreg [dreg:$0x2]  }
0x4: {  	s5 =	rddreg [dreg:$0x3];
	s0 =	srdreg.scid  }
0x5: {  	s12 =	stileid.u32;
	s6 =	simm.s32 $0x0;
	s30 =	simm.s32 $0x3  }
0x6: {  	s0 =	sand.u32 $0x1, s0;
	[smem:$0x7FF] =	sst s6;
	s15 =	sadd.s32 $0x8, s13  }
0x7: {  	s16 =	sadd.s32 $0x10, s13;
	_ =	strace $0x80000047;
	[dreg:$0xc] =	wrdreg s15  }
0x8: {  	s3 =	sshll.u32 s12, $0x1;
	s17 =	sadd.s32 $0x18, s13;
	[dreg:$0xd] =	wrdreg s16  }
0x9: {  	s7 =	sadd.s32 $0xA000, s13;
	s18 =	sadd.s32 $0x20, s13;
	[dreg:$0xe] =	wrdreg s17  }
0xa: {  	s19 =	sadd.s32 $0x28, s13;
	s20 =	sadd.s32 $0x30, s13;
	[dreg:$0xf] =	wrdreg s18  }
0xb: {  	s21 =	sadd.s32 $0x38, s13;
	s22 =	sadd.s32 $0x40, s13;
	[dreg:$0x10] =	wrdreg s19  }
0xc: {  	s3 =	sor.u32 s0, s3;
	s0 =	ssub.s32 $0x2, s0;
	[dreg:$0x11] =	wrdreg s20  }
0xd: {  	[dreg:$0x12] =	wrdreg s21;
	s4 =	smul.u32 $0x9C, s3;
	s3 =	smin.u32 s3, $0x8  }
0xe: {  	[dreg:$0x13] =	wrdreg s22;
	s10 =	sshrl.u32 s0, $0x1;
	s25 =	sshll.u32 s3, $0x6  }
0xf: {  	s23 =	sand.u32 $0x1, s3;
	s0 =	ssub.s32 s0, s10;
	s10 =	sand.u32 $0x40, s25  }
0x10: {  	s9 =	sadd.s32 s3, s4;
	s0 =	smax.u32 s0, $0x1;
	[dreg:$0x5] =	wrdreg s10  }
0x11: {  	p0 =	seq.s32 s23, $0x1;
	s23 =	sadd.s32 $0x48, s13;
	[dreg:$0xb] =	wrdreg s0  }
0x12: {  	s25 =	sadd.s32 $0x58, s13;
	s24 =	sadd.s32 $0x9C, s9;
	[dreg:$0x14] =	wrdreg s23  }
0x13: {  	s3 =	sshll.u32 s3, $0x3;
	[dreg:$0x16] =	wrdreg s25;
	s11 =	sshll.u32 s24, $0x6  }
0x14: {  	s4 =	sshll.u32 s24, $0x3;
	s24 =	sadd.s32 $0x50, s13;
	s26 =	sor.u32 s3, s11  }
0x15: {  	s3 =	sand.u32 $0x8, s3;
	s28 =	sand.u32 $0x1FFFFFF8, s4;
	[dreg:$0x15] =	wrdreg s24  }
0x16: {  	v0 =	vlaneseq.u32;
	s8 =	sadd.s32 $0x200, s13;
	[dreg:$0x6] =	wrdreg s3;
	s31 =	sadd.s32 s7, s28  }
0x17: {  	p1 =	sgt.u32 s12, $0x3;
	v15 =	vmul.u32 $0x48, v0;
	s3 =	sadd.s32 s8, s28;
	[dreg:$0x7] =	wrdreg s31  }
0x18: {  	s29 =	sand.u32 $0xFFFFF88, s26;
	s26 =	sadd.s32 $0x60, s13;
	[dreg:$0x8] =	wrdreg s3  }
0x19: {  	s20 =	simm.s32 $0x12200;
	v0 =	vadd.s32 $0x480, v15;
	s28 =	sadd.s32 $0x68, s13;
	[dreg:$0x17] =	wrdreg s26  }
.Ltmp0:
0x1a: {  	v1 =	vadd.s32 $0x900, v15;
	v2 =	vadd.s32 $0xD80, v15;
	v3 =	vadd.s32 $0x1200, v15;
	s11 =	sadd.s32 s2, s29;
	[dreg:$0x18] =	wrdreg s28;
	(pc) =	sbr.rel .LBB2_1-.Ltmp0, $4  }
0x1b: {  	s21 =	simm.s32 $0x4;
	v4 =	vadd.s32 $0x1680, v15;
	v5 =	vadd.s32 $0x1B00, v15;
	v6 =	vadd.s32 $0x1F80, v15;
	s14 =	sadd.s32 s5, s29;
	[dreg:$0x9] =	wrdreg s11  }
0x1c: {  	v7 =	vadd.s32 $0x2400, v15;
	v8 =	vadd.s32 $0x4C80, v15;
	v9 =	vadd.s32 $0x5100, v15;
	s25 =	simm.s32 $0x17300;
	s29 =	sadd.s32 $0x70, s13;
	[dreg:$0xa] =	wrdreg s14  }
0x1d: {  	v10 =	vadd.s32 $0x5580, v15;
	v11 =	vadd.s32 $0x5A00, v15;
	v12 =	vadd.s32 $0x5E80, v15;
	s4 =	simm.s32 $0x8000;
	s31 =	sadd.s32 $0x78, s13;
	[dreg:$0x19] =	wrdreg s29  }
0x1e: {  	v13 =	vadd.s32 $0x6300, v15;
	v14 =	vadd.s32 $0x6780, v15;
	v15 =	vadd.s32 $0x6C00, v15;
	s3 =	simm.s32 $0xD100;
	[dreg:$0x1a] =	wrdreg s31;
	s11 =	simm.s32 $0x0  }
.LBB2_35:
0x1f: {  	s0 =	simm.s32 $0x11  }
0x20: {  	_ =	swait.ge [sflag:s0], $0x4800  }
0x21: {  	[sflag:s0] =	ssyncset.done $0x0  }
0x22: {  	s28 =	simm.s32 $0x12;
	[sflag:s0] =	ssyncadd.s32 $0xFFFFB800  }
0x23: {  	_ =	swait.ge [sflag:s28], $0x4800  }
0x24: {  	[sflag:s28] =	ssyncset.done $0x0  }
0x25: {  	s29 =	simm.s32 $0x13;
	[sflag:s28] =	ssyncadd.s32 $0xFFFFB800  }
0x26: {  	_ =	swait.ge [sflag:s29], $0x4800  }
0x27: {  	[sflag:s29] =	ssyncset.done $0x0  }
0x28: {  	s10 =	simm.s32 $0x14;
	[sflag:s29] =	ssyncadd.s32 $0xFFFFB800  }
0x29: {  	_ =	swait.ge [sflag:s10], $0x4800  }
0x2a: {  	s11 =	sadd.s32 $0x1, s11;
	s31 =	rddreg [dreg:$0xb]  }
0x2b: {  	p2 =	sne.s32 s11, s31  }
.Ltmp1:
0x2c: {  	_ = 	snop;
	(pc) =	sbr.rel @!p2 .LBB2_36-.Ltmp1, $3  }
0x2d: {  	_ =	sdelay $0x1  }
0x2e: {  	[sflag:s10] =	ssyncset.done $0x0  }
0x2f: {  	[sflag:s10] =	ssyncadd.s32 $0xFFFFB800  }
.LBB2_1:
0x30: {  	[dreg:$0x1b] =	wrdreg s11  }
0x31: {  	s29 =	rddreg [dreg:$0x2];
	s10 =	simm.s32 $0xCC80  }
0x32: {  	[tilespmem:s10], [sflag:$0x15] =	stream.linear.gather [hbm4b:s29+s6], $0x40, $0x38;
	[tilespmem:$0x1C600] =	vst v63  }
0x33: {  	s22 =	simm.s32 $0xCCC8;
	s10 =	rddreg [dreg:$0xc]  }
0x34: {  	[tilespmem:s22], [sflag:$0x15] =	stream.linear.gather [hbm4b:s10+s6], $0x40, $0x38;
	[tilespmem:$0x1C600] =	vst v63  }
0x35: {  	s11 =	rddreg [dreg:$0xd];
	s13 =	simm.s32 $0xCD10  }
0x36: {  	[tilespmem:s13], [sflag:$0x15] =	stream.linear.gather [hbm4b:s11+s6], $0x40, $0x38;
	[tilespmem:$0x1C600] =	vst v63  }
0x37: {  	s14 =	simm.s32 $0xCD58;
	s13 =	rddreg [dreg:$0xe]  }
0x38: {  	[tilespmem:s14], [sflag:$0x15] =	stream.linear.gather [hbm4b:s13+s6], $0x40, $0x38;
	[tilespmem:$0x1C600] =	vst v63  }
0x39: {  	s16 =	rddreg [dreg:$0xf];
	s23 =	simm.s32 $0xCDA0  }
0x3a: {  	[tilespmem:s23], [sflag:$0x15] =	stream.linear.gather [hbm4b:s16+s6], $0x40, $0x38;
	[tilespmem:$0x1C600] =	vst v63  }
0x3b: {  	s19 =	rddreg [dreg:$0x10];
	s24 =	simm.s32 $0xCDE8  }
0x3c: {  	[tilespmem:s24], [sflag:$0x15] =	stream.linear.gather [hbm4b:s19+s6], $0x40, $0x38;
	[tilespmem:$0x1C600] =	vst v63  }
0x3d: {  	s26 =	simm.s32 $0xCE30;
	s23 =	rddreg [dreg:$0x11]  }
0x3e: {  	[tilespmem:s26], [sflag:$0x15] =	stream.linear.gather [hbm4b:s23+s6], $0x40, $0x38;
	[tilespmem:$0x1C600] =	vst v63  }
0x3f: {  	s28 =	simm.s32 $0xCE78;
	s24 =	rddreg [dreg:$0x12]  }
0x40: {  	[tilespmem:s28], [sflag:$0x15] =	stream.linear.gather [hbm4b:s24+s6], $0x40, $0x38;
	[tilespmem:$0x1C600] =	vst v63  }
0x41: {  	s31 =	simm.s32 $0xCEC0;
	s26 =	rddreg [dreg:$0x13]  }
0x42: {  	[tilespmem:s31], [sflag:$0x15] =	stream.linear.gather [hbm4b:s26+s6], $0x40, $0x38;
	[tilespmem:$0x1C600] =	vst v63  }
0x43: {  	s0 =	simm.s32 $0xCF08;
	s28 =	rddreg [dreg:$0x14]  }
0x44: {  	[tilespmem:s0], [sflag:$0x15] =	stream.linear.gather [hbm4b:s28+s6], $0x40, $0x38;
	[tilespmem:$0x1C600] =	vst v63  }
0x45: {  	s18 =	rddreg [dreg:$0x15];
	s12 =	simm.s32 $0xCF50  }
0x46: {  	[tilespmem:s12], [sflag:$0x15] =	stream.linear.gather [hbm4b:s18+s6], $0x40, $0x38;
	[tilespmem:$0x1C600] =	vst v63  }
0x47: {  	s17 =	rddreg [dreg:$0x16];
	s15 =	simm.s32 $0xCF98  }
0x48: {  	[tilespmem:s15], [sflag:$0x15] =	stream.linear.gather [hbm4b:s17+s6], $0x40, $0x38;
	[tilespmem:$0x1C600] =	vst v63  }
0x49: {  	s22 =	simm.s32 $0xCFE0;
	s31 =	rddreg [dreg:$0x17]  }
0x4a: {  	[tilespmem:s22], [sflag:$0x15] =	stream.linear.gather [hbm4b:s31+s6], $0x40, $0x38;
	[tilespmem:$0x1C600] =	vst v63  }
0x4b: {  	s0 =	simm.s32 $0xD028;
	s22 =	rddreg [dreg:$0x18]  }
0x4c: {  	[tilespmem:s0], [sflag:$0x15] =	stream.linear.gather [hbm4b:s22+s6], $0x40, $0x38;
	[tilespmem:$0x1C600] =	vst v63  }
0x4d: {  	s14 =	rddreg [dreg:$0x19];
	s15 =	simm.s32 $0xD070  }
0x4e: {  	[tilespmem:s15], [sflag:$0x15] =	stream.linear.gather [hbm4b:s14+s6], $0x40, $0x38;
	[tilespmem:$0x1C600] =	vst v63  }
0x4f: {  	s0 =	simm.s32 $0xD0B8;
	s15 =	rddreg [dreg:$0x1a]  }
0x50: {  	[tilespmem:s0], [sflag:$0x15] =	stream.linear.gather [hbm4b:s15+s6], $0x40, $0x38;
	[tilespmem:$0x1C600] =	vst v63  }
0x51: {  	s0 =	simm.s32 $0x15  }
0x52: {  	_ =	swait.ge [sflag:s0], $0x400  }
0x53: {  	s12 =	smov.u32 s5;
	[sflag:s0] =	ssyncset.done $0x0  }
0x54: {  	s5 =	smov.u32 s2;
	s2 =	simm.s32 $0x11D80;
	[sflag:s0] =	ssyncadd.s32 $0xFFFFFC00  }
0x55: {  	[tilespmem:s2], [sflag:$0x15] =	stream.linear.gather [hbm4b:s29+s6], $0x40, $0x38;
	[tilespmem:$0x1C600] =	vst v63  }
0x56: {  	s2 =	smov.u32 s5;
	s5 =	smov.u32 s12;
	s12 =	simm.s32 $0x11DC8  }
0x57: {  	[tilespmem:s12], [sflag:$0x15] =	stream.linear.gather [hbm4b:s10+s6], $0x40, $0x38;
	[tilespmem:$0x1C600] =	vst v63  }
0x58: {  	s12 =	simm.s32 $0x11E10  }
0x59: {  	[tilespmem:s12], [sflag:$0x15] =	stream.linear.gather [hbm4b:s11+s6], $0x40, $0x38;
	[tilespmem:$0x1C600] =	vst v63  }
0x5a: {  	s12 =	simm.s32 $0x11E58  }
0x5b: {  	[tilespmem:s12], [sflag:$0x15] =	stream.linear.gather [hbm4b:s13+s6], $0x40, $0x38;
	[tilespmem:$0x1C600] =	vst v63  }
0x5c: {  	s12 =	simm.s32 $0x11EA0  }
0x5d: {  	[tilespmem:s12], [sflag:$0x15] =	stream.linear.gather [hbm4b:s16+s6], $0x40, $0x38;
	[tilespmem:$0x1C600] =	vst v63  }
0x5e: {  	s12 =	simm.s32 $0x11EE8  }
0x5f: {  	[tilespmem:s12], [sflag:$0x15] =	stream.linear.gather [hbm4b:s19+s6], $0x40, $0x38;
	[tilespmem:$0x1C600] =	vst v63  }
0x60: {  	s12 =	simm.s32 $0x11F30  }
0x61: {  	[tilespmem:s12], [sflag:$0x15] =	stream.linear.gather [hbm4b:s23+s6], $0x40, $0x38;
	[tilespmem:$0x1C600] =	vst v63  }
0x62: {  	s12 =	simm.s32 $0x11F78  }
0x63: {  	[tilespmem:s12], [sflag:$0x15] =	stream.linear.gather [hbm4b:s24+s6], $0x40, $0x38;
	[tilespmem:$0x1C600] =	vst v63  }
0x64: {  	s12 =	simm.s32 $0x11FC0  }
0x65: {  	[tilespmem:s12], [sflag:$0x15] =	stream.linear.gather [hbm4b:s26+s6], $0x40, $0x38;
	[tilespmem:$0x1C600] =	vst v63  }
0x66: {  	s12 =	simm.s32 $0x12008  }
0x67: {  	[tilespmem:s12], [sflag:$0x15] =	stream.linear.gather [hbm4b:s28+s6], $0x40, $0x38;
	[tilespmem:$0x1C600] =	vst v63  }
0x68: {  	s12 =	simm.s32 $0x12050  }
0x69: {  	[tilespmem:s12], [sflag:$0x15] =	stream.linear.gather [hbm4b:s18+s6], $0x40, $0x38;
	[tilespmem:$0x1C600] =	vst v63  }
0x6a: {  	s12 =	simm.s32 $0x12098  }
0x6b: {  	[tilespmem:s12], [sflag:$0x15] =	stream.linear.gather [hbm4b:s17+s6], $0x40, $0x38;
	[tilespmem:$0x1C600] =	vst v63  }
0x6c: {  	s12 =	simm.s32 $0x120E0  }
0x6d: {  	[tilespmem:s12], [sflag:$0x15] =	stream.linear.gather [hbm4b:s31+s6], $0x40, $0x38;
	[tilespmem:$0x1C600] =	vst v63  }
0x6e: {  	s12 =	simm.s32 $0x12128  }
0x6f: {  	[tilespmem:s12], [sflag:$0x15] =	stream.linear.gather [hbm4b:s22+s6], $0x40, $0x38;
	[tilespmem:$0x1C600] =	vst v63  }
0x70: {  	s12 =	simm.s32 $0x12170  }
0x71: {  	[tilespmem:s12], [sflag:$0x15] =	stream.linear.gather [hbm4b:s14+s6], $0x40, $0x38;
	[tilespmem:$0x1C600] =	vst v63  }
0x72: {  	s12 =	simm.s32 $0x121B8  }
0x73: {  	[tilespmem:s12], [sflag:$0x15] =	stream.linear.gather [hbm4b:s15+s6], $0x40, $0x38;
	[tilespmem:$0x1C600] =	vst v63  }
0x74: {  	_ =	swait.ge [sflag:s0], $0x400  }
0x75: {  	[sflag:s0] =	ssyncset.done $0x0  }
0x76: {  	s12 =	simm.s32 $0x16E80;
	[sflag:s0] =	ssyncadd.s32 $0xFFFFFC00  }
0x77: {  	[tilespmem:s12], [sflag:$0x15] =	stream.linear.gather [hbm4b:s29+s6], $0x40, $0x38;
	[tilespmem:$0x1C600] =	vst v63  }
0x78: {  	s12 =	simm.s32 $0x16EC8  }
0x79: {  	[tilespmem:s12], [sflag:$0x15] =	stream.linear.gather [hbm4b:s10+s6], $0x40, $0x38;
	[tilespmem:$0x1C600] =	vst v63  }
0x7a: {  	s12 =	simm.s32 $0x16F10  }
0x7b: {  	[tilespmem:s12], [sflag:$0x15] =	stream.linear.gather [hbm4b:s11+s6], $0x40, $0x38;
	[tilespmem:$0x1C600] =	vst v63  }
0x7c: {  	s12 =	simm.s32 $0x16F58  }
0x7d: {  	[tilespmem:s12], [sflag:$0x15] =	stream.linear.gather [hbm4b:s13+s6], $0x40, $0x38;
	[tilespmem:$0x1C600] =	vst v63  }
0x7e: {  	s12 =	simm.s32 $0x16FA0  }
0x7f: {  	[tilespmem:s12], [sflag:$0x15] =	stream.linear.gather [hbm4b:s16+s6], $0x40, $0x38;
	[tilespmem:$0x1C600] =	vst v63  }
0x80: {  	s12 =	simm.s32 $0x16FE8  }
0x81: {  	[tilespmem:s12], [sflag:$0x15] =	stream.linear.gather [hbm4b:s19+s6], $0x40, $0x38;
	[tilespmem:$0x1C600] =	vst v63  }
0x82: {  	s12 =	simm.s32 $0x17030  }
0x83: {  	[tilespmem:s12], [sflag:$0x15] =	stream.linear.gather [hbm4b:s23+s6], $0x40, $0x38;
	[tilespmem:$0x1C600] =	vst v63  }
0x84: {  	s12 =	simm.s32 $0x17078  }
0x85: {  	[tilespmem:s12], [sflag:$0x15] =	stream.linear.gather [hbm4b:s24+s6], $0x40, $0x38;
	[tilespmem:$0x1C600] =	vst v63  }
0x86: {  	s12 =	simm.s32 $0x170C0  }
0x87: {  	[tilespmem:s12], [sflag:$0x15] =	stream.linear.gather [hbm4b:s26+s6], $0x40, $0x38;
	[tilespmem:$0x1C600] =	vst v63  }
0x88: {  	s12 =	simm.s32 $0x17108  }
0x89: {  	[tilespmem:s12], [sflag:$0x15] =	stream.linear.gather [hbm4b:s28+s6], $0x40, $0x38;
	[tilespmem:$0x1C600] =	vst v63  }
0x8a: {  	s12 =	simm.s32 $0x17150  }
0x8b: {  	[tilespmem:s12], [sflag:$0x15] =	stream.linear.gather [hbm4b:s18+s6], $0x40, $0x38;
	[tilespmem:$0x1C600] =	vst v63  }
0x8c: {  	s12 =	simm.s32 $0x17198  }
0x8d: {  	[tilespmem:s12], [sflag:$0x15] =	stream.linear.gather [hbm4b:s17+s6], $0x40, $0x38;
	[tilespmem:$0x1C600] =	vst v63  }
0x8e: {  	s12 =	simm.s32 $0x171E0  }
0x8f: {  	[tilespmem:s12], [sflag:$0x15] =	stream.linear.gather [hbm4b:s31+s6], $0x40, $0x38;
	[tilespmem:$0x1C600] =	vst v63  }
0x90: {  	s12 =	simm.s32 $0x17228  }
0x91: {  	[tilespmem:s12], [sflag:$0x15] =	stream.linear.gather [hbm4b:s22+s6], $0x40, $0x38;
	[tilespmem:$0x1C600] =	vst v63  }
0x92: {  	s12 =	simm.s32 $0x17270  }
0x93: {  	[tilespmem:s12], [sflag:$0x15] =	stream.linear.gather [hbm4b:s14+s6], $0x40, $0x38;
	[tilespmem:$0x1C600] =	vst v63  }
0x94: {  	s12 =	simm.s32 $0x172B8  }
0x95: {  	[tilespmem:s12], [sflag:$0x15] =	stream.linear.gather [hbm4b:s15+s6], $0x40, $0x38;
	[tilespmem:$0x1C600] =	vst v63  }
0x96: {  	_ =	swait.ge [sflag:s0], $0x400  }
0x97: {  	[sflag:s0] =	ssyncset.done $0x0  }
0x98: {  	s12 =	simm.s32 $0x1BF80;
	[sflag:s0] =	ssyncadd.s32 $0xFFFFFC00  }
0x99: {  	[tilespmem:s12], [sflag:$0x15] =	stream.linear.gather [hbm4b:s29+s6], $0x40, $0x38;
	[tilespmem:$0x1C600] =	vst v63  }
0x9a: {  	s12 =	simm.s32 $0x1BFC8  }
0x9b: {  	[tilespmem:s12], [sflag:$0x15] =	stream.linear.gather [hbm4b:s10+s6], $0x40, $0x38;
	[tilespmem:$0x1C600] =	vst v63  }
0x9c: {  	s10 =	simm.s32 $0x1C010  }
0x9d: {  	[tilespmem:s10], [sflag:$0x15] =	stream.linear.gather [hbm4b:s11+s6], $0x40, $0x38;
	[tilespmem:$0x1C600] =	vst v63  }
0x9e: {  	s11 =	simm.s32 $0x1C058  }
0x9f: {  	[tilespmem:s11], [sflag:$0x15] =	stream.linear.gather [hbm4b:s13+s6], $0x40, $0x38;
	[tilespmem:$0x1C600] =	vst v63  }
0xa0: {  	s13 =	simm.s32 $0x1C0A0  }
0xa1: {  	[tilespmem:s13], [sflag:$0x15] =	stream.linear.gather [hbm4b:s16+s6], $0x40, $0x38;
	[tilespmem:$0x1C600] =	vst v63  }
0xa2: {  	s16 =	simm.s32 $0x1C0E8  }
0xa3: {  	[tilespmem:s16], [sflag:$0x15] =	stream.linear.gather [hbm4b:s19+s6], $0x40, $0x38;
	[tilespmem:$0x1C600] =	vst v63  }
0xa4: {  	s19 =	simm.s32 $0x1C130  }
0xa5: {  	[tilespmem:s19], [sflag:$0x15] =	stream.linear.gather [hbm4b:s23+s6], $0x40, $0x38;
	[tilespmem:$0x1C600] =	vst v63  }
0xa6: {  	s11 =	simm.s32 $0x1C178  }
0xa7: {  	[tilespmem:s11], [sflag:$0x15] =	stream.linear.gather [hbm4b:s24+s6], $0x40, $0x38;
	[tilespmem:$0x1C600] =	vst v63  }
0xa8: {  	s13 =	simm.s32 $0x1C1C0  }
0xa9: {  	[tilespmem:s13], [sflag:$0x15] =	stream.linear.gather [hbm4b:s26+s6], $0x40, $0x38;
	[tilespmem:$0x1C600] =	vst v63  }
0xaa: {  	s16 =	simm.s32 $0x1C208  }
0xab: {  	[tilespmem:s16], [sflag:$0x15] =	stream.linear.gather [hbm4b:s28+s6], $0x40, $0x38;
	[tilespmem:$0x1C600] =	vst v63  }
0xac: {  	s19 =	simm.s32 $0x1C250  }
0xad: {  	[tilespmem:s19], [sflag:$0x15] =	stream.linear.gather [hbm4b:s18+s6], $0x40, $0x38;
	[tilespmem:$0x1C600] =	vst v63  }
0xae: {  	s23 =	simm.s32 $0x1C298  }
0xaf: {  	[tilespmem:s23], [sflag:$0x15] =	stream.linear.gather [hbm4b:s17+s6], $0x40, $0x38;
	[tilespmem:$0x1C600] =	vst v63  }
0xb0: {  	s24 =	simm.s32 $0x1C2E0  }
0xb1: {  	[tilespmem:s24], [sflag:$0x15] =	stream.linear.gather [hbm4b:s31+s6], $0x40, $0x38;
	[tilespmem:$0x1C600] =	vst v63  }
0xb2: {  	s26 =	simm.s32 $0x1C328  }
0xb3: {  	[tilespmem:s26], [sflag:$0x15] =	stream.linear.gather [hbm4b:s22+s6], $0x40, $0x38;
	[tilespmem:$0x1C600] =	vst v63  }
0xb4: {  	s28 =	simm.s32 $0x1C370  }
0xb5: {  	[tilespmem:s28], [sflag:$0x15] =	stream.linear.gather [hbm4b:s14+s6], $0x40, $0x38;
	[tilespmem:$0x1C600] =	vst v63  }
0xb6: {  	s29 =	simm.s32 $0x2;
	s31 =	simm.s32 $0x1C3B8  }
0xb7: {  	[tilespmem:s31], [sflag:$0x15] =	stream.linear.gather [hbm4b:s15+s6], $0x40, $0x38;
	[tilespmem:$0x1C600] =	vst v63  }
0xb8: {  	s12 =	simm.s32 $0x1;
	s17 =	simm.s32 $0x8048;
	_ =	swait.ge [sflag:s0], $0x400  }
0xb9: {  	s24 =	simm.s32 $0x0;
	s22 =	simm.s32 $0x80D8;
	[sflag:s0] =	ssyncset.done $0x0  }
0xba: {  	s14 =	simm.s32 $0x1C400;
	s15 =	simm.s32 $0x1C500;
	[sflag:s0] =	ssyncadd.s32 $0xFFFFFC00  }
.LBB2_2:
0xbb: {  	p2 =	seq.s32 s24, $0x0;
	s0 =	sshll.u32 s24, $0x2  }
0xbc: {  	s10 =	simm.s32 @!p2 $0x11;
	s11 =	sadd.s32 s9, s0  }
0xbd: {  	s13 =	simm.s32 $0x1;
	_ =	swait.ge @!p2 [sflag:s10], $0x4800;
	p3 =	seq.s32 s11, $0x0  }
0xbe: {  	s23 =	sshll.u32 s11, $0x3;
	[sflag:s10] =	ssyncset.done @!p2 $0x0;
	p3 =	por !p3, !p0  }
0xbf: {  	[sflag:s10] =	ssyncadd.s32 @!p2 $0xFFFFB800;
	p3 =	por !p3, !p3;
	s10 =	sand.u32 $0x1FFFFFF8, s23  }
0xc0: {  	s11 =	sshrl.u32 s11, $0x1;
	s13 =	simm.s32 @!p3 $0x0;
	s16 =	sadd.s32 s7, s10  }
0xc1: {  	[tilespmem:s14], [sflag:$0x1] =	stream.linear.gather [hbm4b:s16+s6], $0x40, $0x38;
	[tilespmem:$0x1C600] =	vst v63  }
0xc2: {  	s11 =	ssub.s32 s11, s13  }
0xc3: {  	s31 =	rddreg [dreg:$0x5];
	s10 =	sadd.s32 s8, s10;
	s26 =	sshll.u32 s11, $0xA  }
0xc4: {  	[tilespmem:s15], [sflag:$0x1] =	stream.linear.gather [hbm4b:s10+s6], $0x40, $0x38;
	[tilespmem:$0x1C600] =	vst v63  }
0xc5: {  	s10 =	sor.u32 s31, s26  }
0xc6: {  	s23 =	sshrl.u32 s10, $0x3  }
0xc7: {  	s10 =	sadd.s32 s2, s23  }
0xc8: {  	[tilespmem:s4], [sflag:$0x5] =	stream.linear.gather [hbm4b:s10+s6], $0x40, $0x38;
	[tilespmem:$0x1C600] =	vst v63  }
0xc9: {  	s13 =	sadd.s32 $0x10, s10  }
0xca: {  	[tilespmem:s17], [sflag:$0x5] =	stream.linear.gather [hbm4b:s13+s6], $0x40, $0x38;
	[tilespmem:$0x1C600] =	vst v63  }
0xcb: {  	s18 =	simm.s32 $0x8090;
	s16 =	sadd.s32 $0x20, s10  }
0xcc: {  	[tilespmem:s18], [sflag:$0x5] =	stream.linear.gather [hbm4b:s16+s6], $0x40, $0x38;
	[tilespmem:$0x1C600] =	vst v63  }
0xcd: {  	s19 =	sadd.s32 $0x30, s10  }
0xce: {  	[tilespmem:s22], [sflag:$0x5] =	stream.linear.gather [hbm4b:s19+s6], $0x40, $0x38;
	[tilespmem:$0x1C600] =	vst v63  }
0xcf: {  	s31 =	simm.s32 $0x8120;
	s26 =	sadd.s32 $0x40, s10  }
0xd0: {  	[tilespmem:s31], [sflag:$0x5] =	stream.linear.gather [hbm4b:s26+s6], $0x40, $0x38;
	[tilespmem:$0x1C600] =	vst v63  }
0xd1: {  	s13 =	sadd.s32 $0x50, s10;
	s16 =	simm.s32 $0x8168  }
0xd2: {  	[tilespmem:s16], [sflag:$0x5] =	stream.linear.gather [hbm4b:s13+s6], $0x40, $0x38;
	[tilespmem:$0x1C600] =	vst v63  }
0xd3: {  	s18 =	sadd.s32 $0x60, s10;
	s19 =	simm.s32 $0x81B0  }
0xd4: {  	[tilespmem:s19], [sflag:$0x5] =	stream.linear.gather [hbm4b:s18+s6], $0x40, $0x38;
	[tilespmem:$0x1C600] =	vst v63  }
0xd5: {  	s26 =	sadd.s32 $0x70, s10;
	s31 =	simm.s32 $0x81F8  }
0xd6: {  	[tilespmem:s31], [sflag:$0x5] =	stream.linear.gather [hbm4b:s26+s6], $0x40, $0x38;
	[tilespmem:$0x1C600] =	vst v63  }
0xd7: {  	s10 =	sadd.s32 $0x4E200, s10;
	s16 =	simm.s32 $0x8240  }
0xd8: {  	[tilespmem:s16], [sflag:$0x5] =	stream.linear.gather [hbm4b:s10+s6], $0x40, $0x38;
	[tilespmem:$0x1C600] =	vst v63  }
0xd9: {  	s18 =	sadd.s32 $0x10, s10;
	s19 =	simm.s32 $0x8288  }
0xda: {  	[tilespmem:s19], [sflag:$0x5] =	stream.linear.gather [hbm4b:s18+s6], $0x40, $0x38;
	[tilespmem:$0x1C600] =	vst v63  }
0xdb: {  	s26 =	sadd.s32 $0x20, s10;
	s31 =	simm.s32 $0x82D0  }
0xdc: {  	[tilespmem:s31], [sflag:$0x5] =	stream.linear.gather [hbm4b:s26+s6], $0x40, $0x38;
	[tilespmem:$0x1C600] =	vst v63  }
0xdd: {  	s13 =	sadd.s32 $0x30, s10;
	s16 =	simm.s32 $0x8318  }
0xde: {  	[tilespmem:s16], [sflag:$0x5] =	stream.linear.gather [hbm4b:s13+s6], $0x40, $0x38;
	[tilespmem:$0x1C600] =	vst v63  }
0xdf: {  	s18 =	sadd.s32 $0x40, s10;
	s19 =	simm.s32 $0x8360  }
0xe0: {  	[tilespmem:s19], [sflag:$0x5] =	stream.linear.gather [hbm4b:s18+s6], $0x40, $0x38;
	[tilespmem:$0x1C600] =	vst v63  }
0xe1: {  	s26 =	sadd.s32 $0x50, s10;
	s31 =	simm.s32 $0x83A8  }
0xe2: {  	[tilespmem:s31], [sflag:$0x5] =	stream.linear.gather [hbm4b:s26+s6], $0x40, $0x38;
	[tilespmem:$0x1C600] =	vst v63  }
0xe3: {  	s16 =	sadd.s32 $0x60, s10;
	s18 =	simm.s32 $0x83F0  }
0xe4: {  	[tilespmem:s18], [sflag:$0x5] =	stream.linear.gather [hbm4b:s16+s6], $0x40, $0x38;
	[tilespmem:$0x1C600] =	vst v63  }
0xe5: {  	s10 =	sadd.s32 $0x70, s10;
	s19 =	simm.s32 $0x8438;
	s26 =	sor.u32 $0x1, s0  }
0xe6: {  	[tilespmem:s19], [sflag:$0x5] =	stream.linear.gather [hbm4b:s10+s6], $0x40, $0x38;
	[tilespmem:$0x1C600] =	vst v63  }
0xe7: {  	s11 =	simm.s32 @!p2 $0x12;
	s10 =	sadd.s32 s9, s26;
	s19 =	simm.s32 $0x1C440  }
0xe8: {  	_ =	swait.ge @!p2 [sflag:s11], $0x4800;
	s13 =	sshll.u32 s10, $0x3;
	s10 =	sshll.u32 s10, $0x6  }
0xe9: {  	[sflag:s11] =	ssyncset.done @!p2 $0x0;
	s31 =	sand.u32 $0x1FFFFFF8, s13;
	s10 =	sand.u32 $0xFFFFF80, s10  }
0xea: {  	s13 =	sand.u32 $0x8, s13;
	[sflag:s11] =	ssyncadd.s32 @!p2 $0xFFFFB800;
	s18 =	sadd.s32 s7, s31  }
0xeb: {  	[tilespmem:s19], [sflag:$0x2] =	stream.linear.gather [hbm4b:s18+s6], $0x40, $0x38;
	[tilespmem:$0x1C600] =	vst v63  }
0xec: {  	s26 =	sadd.s32 s8, s31;
	s31 =	simm.s32 $0x1C540;
	s28 =	sor.u32 s13, s10  }
0xed: {  	[tilespmem:s31], [sflag:$0x2] =	stream.linear.gather [hbm4b:s26+s6], $0x40, $0x38;
	[tilespmem:$0x1C600] =	vst v63  }
0xee: {  	s10 =	sadd.s32 s2, s28  }
0xef: {  	[tilespmem:s3], [sflag:$0x6] =	stream.linear.gather [hbm4b:s10+s6], $0x40, $0x38;
	[tilespmem:$0x1C600] =	vst v63  }
0xf0: {  	s18 =	simm.s32 $0xD148;
	s16 =	sadd.s32 $0x10, s10  }
0xf1: {  	[tilespmem:s18], [sflag:$0x6] =	stream.linear.gather [hbm4b:s16+s6], $0x40, $0x38;
	[tilespmem:$0x1C600] =	vst v63  }
0xf2: {  	s26 =	sadd.s32 $0x20, s10;
	s31 =	simm.s32 $0xD190  }
0xf3: {  	[tilespmem:s31], [sflag:$0x6] =	stream.linear.gather [hbm4b:s26+s6], $0x40, $0x38;
	[tilespmem:$0x1C600] =	vst v63  }
0xf4: {  	s16 =	sadd.s32 $0x30, s10;
	s18 =	simm.s32 $0xD1D8  }
0xf5: {  	[tilespmem:s18], [sflag:$0x6] =	stream.linear.gather [hbm4b:s16+s6], $0x40, $0x38;
	[tilespmem:$0x1C600] =	vst v63  }
0xf6: {  	s26 =	sadd.s32 $0x40, s10;
	s31 =	simm.s32 $0xD220  }
0xf7: {  	[tilespmem:s31], [sflag:$0x6] =	stream.linear.gather [hbm4b:s26+s6], $0x40, $0x38;
	[tilespmem:$0x1C600] =	vst v63  }
0xf8: {  	s16 =	sadd.s32 $0x50, s10;
	s18 =	simm.s32 $0xD268  }
0xf9: {  	[tilespmem:s18], [sflag:$0x6] =	stream.linear.gather [hbm4b:s16+s6], $0x40, $0x38;
	[tilespmem:$0x1C600] =	vst v63  }
0xfa: {  	s26 =	sadd.s32 $0x60, s10;
	s31 =	simm.s32 $0xD2B0  }
0xfb: {  	[tilespmem:s31], [sflag:$0x6] =	stream.linear.gather [hbm4b:s26+s6], $0x40, $0x38;
	[tilespmem:$0x1C600] =	vst v63  }
0xfc: {  	s13 =	sadd.s32 $0x70, s10;
	s16 =	simm.s32 $0xD2F8  }
0xfd: {  	[tilespmem:s16], [sflag:$0x6] =	stream.linear.gather [hbm4b:s13+s6], $0x40, $0x38;
	[tilespmem:$0x1C600] =	vst v63  }
0xfe: {  	s10 =	sadd.s32 $0x4E200, s10;
	s18 =	simm.s32 $0xD340  }
0xff: {  	[tilespmem:s18], [sflag:$0x6] =	stream.linear.gather [hbm4b:s10+s6], $0x40, $0x38;
	[tilespmem:$0x1C600] =	vst v63  }
0x100: {  	s26 =	sadd.s32 $0x10, s10;
	s31 =	simm.s32 $0xD388  }
0x101: {  	[tilespmem:s31], [sflag:$0x6] =	stream.linear.gather [hbm4b:s26+s6], $0x40, $0x38;
	[tilespmem:$0x1C600] =	vst v63  }
0x102: {  	s16 =	sadd.s32 $0x20, s10;
	s18 =	simm.s32 $0xD3D0  }
0x103: {  	[tilespmem:s18], [sflag:$0x6] =	stream.linear.gather [hbm4b:s16+s6], $0x40, $0x38;
	[tilespmem:$0x1C600] =	vst v63  }
0x104: {  	s26 =	sadd.s32 $0x30, s10;
	s31 =	simm.s32 $0xD418  }
0x105: {  	[tilespmem:s31], [sflag:$0x6] =	stream.linear.gather [hbm4b:s26+s6], $0x40, $0x38;
	[tilespmem:$0x1C600] =	vst v63  }
0x106: {  	s16 =	sadd.s32 $0x40, s10;
	s18 =	simm.s32 $0xD460  }
0x107: {  	[tilespmem:s18], [sflag:$0x6] =	stream.linear.gather [hbm4b:s16+s6], $0x40, $0x38;
	[tilespmem:$0x1C600] =	vst v63  }
0x108: {  	s26 =	sadd.s32 $0x50, s10;
	s31 =	simm.s32 $0xD4A8  }
0x109: {  	[tilespmem:s31], [sflag:$0x6] =	stream.linear.gather [hbm4b:s26+s6], $0x40, $0x38;
	[tilespmem:$0x1C600] =	vst v63  }
0x10a: {  	s13 =	sadd.s32 $0x60, s10;
	s16 =	simm.s32 $0xD4F0  }
0x10b: {  	[tilespmem:s16], [sflag:$0x6] =	stream.linear.gather [hbm4b:s13+s6], $0x40, $0x38;
	[tilespmem:$0x1C600] =	vst v63  }
0x10c: {  	s10 =	sadd.s32 $0x70, s10;
	s18 =	simm.s32 $0xD538;
	s26 =	sor.u32 $0x2, s0  }
0x10d: {  	[tilespmem:s18], [sflag:$0x6] =	stream.linear.gather [hbm4b:s10+s6], $0x40, $0x38;
	[tilespmem:$0x1C600] =	vst v63  }
0x10e: {  	s11 =	simm.s32 @!p2 $0x13;
	s10 =	sadd.s32 s9, s26  }
0x10f: {  	s26 =	simm.s32 $0x1C580;
	_ =	swait.ge @!p2 [sflag:s11], $0x4800;
	s31 =	sshll.u32 s10, $0x3  }
0x110: {  	s10 =	sshll.u32 s10, $0x6;
	[sflag:s11] =	ssyncset.done @!p2 $0x0;
	s13 =	sand.u32 $0x1FFFFFF8, s31  }
0x111: {  	s31 =	simm.s32 $0x1C480;
	[sflag:s11] =	ssyncadd.s32 @!p2 $0xFFFFB800;
	s16 =	sadd.s32 s7, s13  }
0x112: {  	[tilespmem:s31], [sflag:$0x3] =	stream.linear.gather [hbm4b:s16+s6], $0x40, $0x38;
	[tilespmem:$0x1C600] =	vst v63  }
0x113: {  	s10 =	sand.u32 $0xFFFFF80, s10;
	s18 =	sadd.s32 s8, s13;
	s13 =	rddreg [dreg:$0x6]  }
0x114: {  	[tilespmem:s26], [sflag:$0x3] =	stream.linear.gather [hbm4b:s18+s6], $0x40, $0x38;
	[tilespmem:$0x1C600] =	vst v63  }
0x115: {  	s26 =	sor.u32 s13, s10  }
0x116: {  	s10 =	sadd.s32 s2, s26  }
0x117: {  	[tilespmem:s20], [sflag:$0x7] =	stream.linear.gather [hbm4b:s10+s6], $0x40, $0x38;
	[tilespmem:$0x1C600] =	vst v63  }
0x118: {  	s18 =	simm.s32 $0x12248;
	s16 =	sadd.s32 $0x10, s10  }
0x119: {  	[tilespmem:s18], [sflag:$0x7] =	stream.linear.gather [hbm4b:s16+s6], $0x40, $0x38;
	[tilespmem:$0x1C600] =	vst v63  }
0x11a: {  	s16 =	sadd.s32 $0x20, s10;
	s18 =	simm.s32 $0x12290  }
0x11b: {  	[tilespmem:s18], [sflag:$0x7] =	stream.linear.gather [hbm4b:s16+s6], $0x40, $0x38;
	[tilespmem:$0x1C600] =	vst v63  }
0x11c: {  	s16 =	sadd.s32 $0x30, s10;
	s18 =	simm.s32 $0x122D8  }
0x11d: {  	[tilespmem:s18], [sflag:$0x7] =	stream.linear.gather [hbm4b:s16+s6], $0x40, $0x38;
	[tilespmem:$0x1C600] =	vst v63  }
0x11e: {  	s16 =	sadd.s32 $0x40, s10;
	s18 =	simm.s32 $0x12320  }
0x11f: {  	[tilespmem:s18], [sflag:$0x7] =	stream.linear.gather [hbm4b:s16+s6], $0x40, $0x38;
	[tilespmem:$0x1C600] =	vst v63  }
0x120: {  	s16 =	sadd.s32 $0x50, s10;
	s18 =	simm.s32 $0x12368  }
0x121: {  	[tilespmem:s18], [sflag:$0x7] =	stream.linear.gather [hbm4b:s16+s6], $0x40, $0x38;
	[tilespmem:$0x1C600] =	vst v63  }
0x122: {  	s16 =	sadd.s32 $0x60, s10;
	s18 =	simm.s32 $0x123B0  }
0x123: {  	[tilespmem:s18], [sflag:$0x7] =	stream.linear.gather [hbm4b:s16+s6], $0x40, $0x38;
	[tilespmem:$0x1C600] =	vst v63  }
0x124: {  	s16 =	sadd.s32 $0x70, s10;
	s18 =	simm.s32 $0x123F8  }
0x125: {  	[tilespmem:s18], [sflag:$0x7] =	stream.linear.gather [hbm4b:s16+s6], $0x40, $0x38;
	[tilespmem:$0x1C600] =	vst v63  }
0x126: {  	s13 =	simm.s32 $0x12440;
	s10 =	sadd.s32 $0x4E200, s10  }
0x127: {  	[tilespmem:s13], [sflag:$0x7] =	stream.linear.gather [hbm4b:s10+s6], $0x40, $0x38;
	[tilespmem:$0x1C600] =	vst v63  }
0x128: {  	s16 =	sadd.s32 $0x10, s10;
	s18 =	simm.s32 $0x12488  }
0x129: {  	[tilespmem:s18], [sflag:$0x7] =	stream.linear.gather [hbm4b:s16+s6], $0x40, $0x38;
	[tilespmem:$0x1C600] =	vst v63  }
0x12a: {  	s16 =	sadd.s32 $0x20, s10;
	s18 =	simm.s32 $0x124D0  }
0x12b: {  	[tilespmem:s18], [sflag:$0x7] =	stream.linear.gather [hbm4b:s16+s6], $0x40, $0x38;
	[tilespmem:$0x1C600] =	vst v63  }
0x12c: {  	s16 =	sadd.s32 $0x30, s10;
	s18 =	simm.s32 $0x12518  }
0x12d: {  	[tilespmem:s18], [sflag:$0x7] =	stream.linear.gather [hbm4b:s16+s6], $0x40, $0x38;
	[tilespmem:$0x1C600] =	vst v63  }
0x12e: {  	s16 =	sadd.s32 $0x40, s10;
	s18 =	simm.s32 $0x12560  }
0x12f: {  	[tilespmem:s18], [sflag:$0x7] =	stream.linear.gather [hbm4b:s16+s6], $0x40, $0x38;
	[tilespmem:$0x1C600] =	vst v63  }
0x130: {  	s16 =	sadd.s32 $0x50, s10;
	s18 =	simm.s32 $0x125A8  }
0x131: {  	[tilespmem:s18], [sflag:$0x7] =	stream.linear.gather [hbm4b:s16+s6], $0x40, $0x38;
	[tilespmem:$0x1C600] =	vst v63  }
0x132: {  	s0 =	sor.u32 $0x3, s0;
	s13 =	sadd.s32 $0x60, s10;
	s16 =	simm.s32 $0x125F0  }
0x133: {  	[tilespmem:s16], [sflag:$0x7] =	stream.linear.gather [hbm4b:s13+s6], $0x40, $0x38;
	[tilespmem:$0x1C600] =	vst v63  }
0x134: {  	s0 =	sadd.s32 s9, s0;
	s10 =	sadd.s32 $0x70, s10;
	s18 =	simm.s32 $0x12638  }
0x135: {  	[tilespmem:s18], [sflag:$0x7] =	stream.linear.gather [hbm4b:s10+s6], $0x40, $0x38;
	[tilespmem:$0x1C600] =	vst v63  }
0x136: {  	s11 =	simm.s32 $0x0;
	s13 =	sshll.u32 s0, $0x3;
	s10 =	simm.s32 @!p2 $0x14  }
0x137: {  	s0 =	sshll.u32 s0, $0x6;
	s16 =	sand.u32 $0x1FFFFFF8, s13;
	_ =	swait.ge @!p2 [sflag:s10], $0x4800  }
0x138: {  	s0 =	sand.u32 $0xFFFFF80, s0;
	s13 =	sand.u32 $0x8, s13;
	[sflag:s10] =	ssyncset.done @!p2 $0x0  }
0x139: {  	s18 =	simm.s32 $0x1C4C0;
	[sflag:s10] =	ssyncadd.s32 @!p2 $0xFFFFB800;
	s10 =	sadd.s32 s7, s16  }
0x13a: {  	[tilespmem:s18], [sflag:$0x4] =	stream.linear.gather [hbm4b:s10+s11], $0x40, $0x38;
	[tilespmem:$0x1C600] =	vst v63  }
0x13b: {  	s0 =	sor.u32 s13, s0;
	s10 =	sadd.s32 s8, s16;
	s16 =	simm.s32 $0x1C5C0  }
0x13c: {  	[tilespmem:s16], [sflag:$0x4] =	stream.linear.gather [hbm4b:s10+s11], $0x40, $0x38;
	[tilespmem:$0x1C600] =	vst v63  }
0x13d: {  	s10 =	sadd.s32 s2, s0  }
0x13e: {  	[tilespmem:s25], [sflag:$0x8] =	stream.linear.gather [hbm4b:s10+s11], $0x40, $0x38;
	[tilespmem:$0x1C600] =	vst v63  }
0x13f: {  	s16 =	simm.s32 $0x17348;
	s13 =	sadd.s32 $0x10, s10  }
0x140: {  	[tilespmem:s16], [sflag:$0x8] =	stream.linear.gather [hbm4b:s13+s11], $0x40, $0x38;
	[tilespmem:$0x1C600] =	vst v63  }
0x141: {  	s13 =	sadd.s32 $0x20, s10;
	s16 =	simm.s32 $0x17390  }
0x142: {  	[tilespmem:s16], [sflag:$0x8] =	stream.linear.gather [hbm4b:s13+s11], $0x40, $0x38;
	[tilespmem:$0x1C600] =	vst v63  }
0x143: {  	s13 =	sadd.s32 $0x30, s10;
	s16 =	simm.s32 $0x173D8  }
0x144: {  	[tilespmem:s16], [sflag:$0x8] =	stream.linear.gather [hbm4b:s13+s11], $0x40, $0x38;
	[tilespmem:$0x1C600] =	vst v63  }
0x145: {  	s13 =	sadd.s32 $0x40, s10;
	s16 =	simm.s32 $0x17420  }
0x146: {  	[tilespmem:s16], [sflag:$0x8] =	stream.linear.gather [hbm4b:s13+s11], $0x40, $0x38;
	[tilespmem:$0x1C600] =	vst v63  }
0x147: {  	s13 =	sadd.s32 $0x50, s10;
	s16 =	simm.s32 $0x17468  }
0x148: {  	[tilespmem:s16], [sflag:$0x8] =	stream.linear.gather [hbm4b:s13+s11], $0x40, $0x38;
	[tilespmem:$0x1C600] =	vst v63  }
0x149: {  	s13 =	sadd.s32 $0x60, s10;
	s16 =	simm.s32 $0x174B0  }
0x14a: {  	[tilespmem:s16], [sflag:$0x8] =	stream.linear.gather [hbm4b:s13+s11], $0x40, $0x38;
	[tilespmem:$0x1C600] =	vst v63  }
0x14b: {  	s13 =	sadd.s32 $0x70, s10;
	s16 =	simm.s32 $0x174F8  }
0x14c: {  	[tilespmem:s16], [sflag:$0x8] =	stream.linear.gather [hbm4b:s13+s11], $0x40, $0x38;
	[tilespmem:$0x1C600] =	vst v63  }
0x14d: {  	s10 =	sadd.s32 $0x4E200, s10;
	s16 =	simm.s32 $0x17540  }
0x14e: {  	[tilespmem:s16], [sflag:$0x8] =	stream.linear.gather [hbm4b:s10+s11], $0x40, $0x38;
	[tilespmem:$0x1C600] =	vst v63  }
0x14f: {  	s13 =	sadd.s32 $0x10, s10;
	s16 =	simm.s32 $0x17588  }
0x150: {  	[tilespmem:s16], [sflag:$0x8] =	stream.linear.gather [hbm4b:s13+s11], $0x40, $0x38;
	[tilespmem:$0x1C600] =	vst v63  }
0x151: {  	s13 =	sadd.s32 $0x20, s10;
	s16 =	simm.s32 $0x175D0  }
0x152: {  	[tilespmem:s16], [sflag:$0x8] =	stream.linear.gather [hbm4b:s13+s11], $0x40, $0x38;
	[tilespmem:$0x1C600] =	vst v63  }
0x153: {  	s13 =	sadd.s32 $0x30, s10;
	s16 =	simm.s32 $0x17618  }
0x154: {  	[tilespmem:s16], [sflag:$0x8] =	stream.linear.gather [hbm4b:s13+s11], $0x40, $0x38;
	[tilespmem:$0x1C600] =	vst v63  }
0x155: {  	s13 =	sadd.s32 $0x40, s10;
	s16 =	simm.s32 $0x17660  }
0x156: {  	[tilespmem:s16], [sflag:$0x8] =	stream.linear.gather [hbm4b:s13+s11], $0x40, $0x38;
	[tilespmem:$0x1C600] =	vst v63  }
0x157: {  	s13 =	sadd.s32 $0x50, s10;
	s16 =	simm.s32 $0x176A8  }
0x158: {  	[tilespmem:s16], [sflag:$0x8] =	stream.linear.gather [hbm4b:s13+s11], $0x40, $0x38;
	[tilespmem:$0x1C600] =	vst v63  }
0x159: {  	s13 =	sadd.s32 $0x60, s10;
	s16 =	simm.s32 $0x176F0  }
0x15a: {  	[tilespmem:s16], [sflag:$0x8] =	stream.linear.gather [hbm4b:s13+s11], $0x40, $0x38;
	[tilespmem:$0x1C600] =	vst v63  }
0x15b: {  	s10 =	sadd.s32 $0x70, s10;
	s16 =	simm.s32 $0x17738  }
0x15c: {  	[tilespmem:s16], [sflag:$0x8] =	stream.linear.gather [hbm4b:s10+s11], $0x40, $0x38;
	[tilespmem:$0x1C600] =	vst v63  }
0x15d: {  	_ =	swait.ge [sflag:s12], $0x40  }
0x15e: {  	[sflag:s12] =	ssyncset.done $0x0  }
0x15f: {  	[sflag:s12] =	ssyncadd.s32 $0xFFFFFFC0  }
0x160: {  	_ =	swait.ge [sflag:s12], $0x40  }
0x161: {  	[sflag:s12] =	ssyncset.done $0x0  }
0x162: {  	s10 =	simm.s32 $0x40;
	[sflag:s12] =	ssyncadd.s32 $0xFFFFFFC0  }
0x163: {  	[tilespmem:s11], [sflag:$0x9] =	stream.indirect.gather [hbm4b:s1+s10], $0x80, s14, s10, $0xb8;
	[tilespmem:$0x1C600] =	vst v63  }
0x164: {  	_ =	swait.ge [sflag:s29], $0x40  }
0x165: {  	[sflag:s29] =	ssyncset.done $0x0  }
0x166: {  	[sflag:s29] =	ssyncadd.s32 $0xFFFFFFC0  }
0x167: {  	_ =	swait.ge [sflag:s29], $0x40  }
0x168: {  	[sflag:s29] =	ssyncset.done $0x0  }
0x169: {  	s16 =	simm.s32 $0x2000;
	[sflag:s29] =	ssyncadd.s32 $0xFFFFFFC0  }
0x16a: {  	[tilespmem:s16], [sflag:$0xA] =	stream.indirect.gather [hbm4b:s1+s10], $0x80, s19, s10, $0xb8;
	[tilespmem:$0x1C600] =	vst v63  }
0x16b: {  	_ =	swait.ge [sflag:s30], $0x40  }
0x16c: {  	[sflag:s30] =	ssyncset.done $0x0  }
0x16d: {  	[sflag:s30] =	ssyncadd.s32 $0xFFFFFFC0  }
0x16e: {  	_ =	swait.ge [sflag:s30], $0x40  }
0x16f: {  	[sflag:s30] =	ssyncset.done $0x0  }
0x170: {  	s16 =	simm.s32 $0x4000;
	[sflag:s30] =	ssyncadd.s32 $0xFFFFFFC0  }
0x171: {  	[tilespmem:s16], [sflag:$0xB] =	stream.indirect.gather [hbm4b:s1+s10], $0x80, s31, s10, $0xb8;
	[tilespmem:$0x1C600] =	vst v63  }
0x172: {  	_ =	swait.ge [sflag:s21], $0x40  }
0x173: {  	[sflag:s21] =	ssyncset.done $0x0  }
0x174: {  	[sflag:s21] =	ssyncadd.s32 $0xFFFFFFC0  }
0x175: {  	_ =	swait.ge [sflag:s21], $0x40  }
0x176: {  	[sflag:s21] =	ssyncset.done $0x0  }
0x177: {  	s19 =	simm.s32 $0x6000;
	s31 =	simm.s32 $0x9;
	[sflag:s21] =	ssyncadd.s32 $0xFFFFFFC0  }
0x178: {  	[tilespmem:s19], [sflag:$0xC] =	stream.indirect.gather [hbm4b:s1+s10], $0x80, s18, s10, $0xb8;
	[tilespmem:$0x1C600] =	vst v63  }
0x179: {  	_ =	swait.ge [sflag:s31], $0x2000  }
0x17a: {  	[sflag:s31] =	ssyncset.done $0x0  }
0x17b: {  	[sflag:s31] =	ssyncadd.s32 $0xFFFFE000  }
0x17c: {  	v17 =	vmov s11;
	v16 =	vld [tilespmem:s10+$0x30]  }
0x17d: {  	v17 =	vand.u32 $0x3F, v17;
	v18 =	vld [tilespmem:s10+$0x20]  }
0x17e: {  	v21 =	vadd.s32 v0, v17;
	v20 =	vld [tilespmem:s10+$0xFFFFFFC0]  }
0x17f: {  	v23 =	vadd.s32 v1, v17;
	v22 =	vld [tilespmem:s10+$0xFFFFFFD0]  }
0x180: {  	v25 =	vadd.s32 v2, v17;
	v24 =	vld [tilespmem:s10+$0xFFFFFFE0]  }
0x181: {  	v27 =	vadd.s32 v3, v17;
	v26 =	vld [tilespmem:s10+$0xFFFFFFF0]  }
0x182: {  	v29 =	vadd.s32 v4, v17;
	v28 =	vld [tilespmem:s10+$0x0]  }
0x183: {  	v62 =	vadd.s32 v5, v17;
	v19 =	vld [tilespmem:s10+$0x10];
	[tilespmem:v21+s4+$0x0] =	vst.idx.msk $0xffff, v20  }
0x184: {  	v63 =	vadd.s32 v6, v17;
	[tilespmem:v23+s4+$0x0] =	vst.idx.msk $0xffff, v22  }
0x185: {  	[tilespmem:v25+s4+$0x0] =	vst.idx.msk $0xffff, v24  }
0x186: {  	v17 =	vadd.s32 v7, v17;
	[tilespmem:v27+s4+$0x0] =	vst.idx.msk $0xffff, v26  }
0x187: {  	[tilespmem:v29+s4+$0x0] =	vst.idx.msk $0xffff, v28  }
0x188: {  	[tilespmem:v62+s4+$0x0] =	vst.idx.msk $0xffff, v19  }
0x189: {  	s11 =	simm.s32 $0x1;
	[tilespmem:v63+s4+$0x0] =	vst.idx.msk $0xffff, v18  }
.LBB2_3:
0x18a: {  	p2 =	sne.s32 s11, $0x3F  }
0x18b: {  	[tilespmem:v17+s4+$0x0] =	vst.idx.msk $0xffff, v16;
	s10 =	sadd.s32 $0x80, s10;
	s13 =	smov.u32 s11;
	s11 =	sadd.s32 $0x1, s11  }
0x18c: {  	v16 =	vld [tilespmem:s10+$0x30]  }
0x18d: {  	v17 =	vmov s13;
	v18 =	vld [tilespmem:s10+$0x20]  }
0x18e: {  	v17 =	vand.u32 $0x3F, v17;
	v19 =	vld [tilespmem:s10+$0x10]  }
0x18f: {  	v21 =	vadd.s32 v0, v17;
	v20 =	vld [tilespmem:s10+$0xFFFFFFC0]  }
0x190: {  	v23 =	vadd.s32 v1, v17;
	v22 =	vld [tilespmem:s10+$0xFFFFFFD0]  }
0x191: {  	v25 =	vadd.s32 v2, v17;
	v24 =	vld [tilespmem:s10+$0xFFFFFFE0]  }
0x192: {  	v27 =	vadd.s32 v3, v17;
	v26 =	vld [tilespmem:s10+$0xFFFFFFF0]  }
0x193: {  	v29 =	vadd.s32 v4, v17;
	v28 =	vld [tilespmem:s10+$0x0]  }
0x194: {  	[tilespmem:v21+s4+$0x0] =	vst.idx.msk $0xffff, v20;
	v20 =	vadd.s32 v5, v17  }
0x195: {  	v21 =	vadd.s32 v6, v17;
	[tilespmem:v23+s4+$0x0] =	vst.idx.msk $0xffff, v22  }
.Ltmp2:
0x196: {  	v17 =	vadd.s32 v7, v17;
	[tilespmem:v25+s4+$0x0] =	vst.idx.msk $0xffff, v24;
	(pc) =	sbr.rel @p2 .LBB2_3-.Ltmp2, $4  }
0x197: {  	[tilespmem:v27+s4+$0x0] =	vst.idx.msk $0xffff, v26  }
0x198: {  	[tilespmem:v29+s4+$0x0] =	vst.idx.msk $0xffff, v28  }
0x199: {  	[tilespmem:v20+s4+$0x0] =	vst.idx.msk $0xffff, v19  }
0x19a: {  	[tilespmem:v21+s4+$0x0] =	vst.idx.msk $0xffff, v18  }
0x19b: {  	_ =	sdelay $0x3  }
0x19c: {  	[tilespmem:v17+s4+$0x0] =	vst.idx.msk $0xffff, v16;
	s11 =	simm.s32 $0x0;
	s16 =	simm.s32 $0x40;
	s10 =	simm.s32 $0xA  }
0x19d: {  	[tilespmem:s11], [sflag:$0xD] =	stream.indirect.gather [hbm4b:s1+s16], $0x80, s15, s16, $0xb8;
	[tilespmem:$0x1C600] =	vst v63  }
0x19e: {  	_ =	swait.ge [sflag:s10], $0x2000  }
0x19f: {  	[sflag:s10] =	ssyncset.done $0x0  }
0x1a0: {  	[sflag:s10] =	ssyncadd.s32 $0xFFFFE000;
	s10 =	simm.s32 $0x2040  }
0x1a1: {  	v17 =	vmov s11;
	v16 =	vld [tilespmem:s10+$0x30]  }
0x1a2: {  	v17 =	vand.u32 $0x3F, v17;
	v18 =	vld [tilespmem:s10+$0x20]  }
0x1a3: {  	v21 =	vadd.s32 v0, v17;
	v20 =	vld [tilespmem:s10+$0xFFFFFFC0]  }
0x1a4: {  	v23 =	vadd.s32 v1, v17;
	v22 =	vld [tilespmem:s10+$0xFFFFFFD0]  }
0x1a5: {  	v25 =	vadd.s32 v2, v17;
	v24 =	vld [tilespmem:s10+$0xFFFFFFE0]  }
0x1a6: {  	v27 =	vadd.s32 v3, v17;
	v26 =	vld [tilespmem:s10+$0xFFFFFFF0]  }
0x1a7: {  	v29 =	vadd.s32 v4, v17;
	v28 =	vld [tilespmem:s10+$0x0]  }
0x1a8: {  	v62 =	vadd.s32 v5, v17;
	v19 =	vld [tilespmem:s10+$0x10];
	[tilespmem:v21+s3+$0x0] =	vst.idx.msk $0xffff, v20  }
0x1a9: {  	v63 =	vadd.s32 v6, v17;
	[tilespmem:v23+s3+$0x0] =	vst.idx.msk $0xffff, v22  }
0x1aa: {  	[tilespmem:v25+s3+$0x0] =	vst.idx.msk $0xffff, v24  }
0x1ab: {  	v17 =	vadd.s32 v7, v17;
	[tilespmem:v27+s3+$0x0] =	vst.idx.msk $0xffff, v26  }
0x1ac: {  	[tilespmem:v29+s3+$0x0] =	vst.idx.msk $0xffff, v28  }
0x1ad: {  	[tilespmem:v62+s3+$0x0] =	vst.idx.msk $0xffff, v19  }
0x1ae: {  	s11 =	simm.s32 $0x1;
	[tilespmem:v63+s3+$0x0] =	vst.idx.msk $0xffff, v18  }
.LBB2_5:
0x1af: {  	p2 =	sne.s32 s11, $0x3F  }
0x1b0: {  	[tilespmem:v17+s3+$0x0] =	vst.idx.msk $0xffff, v16;
	s10 =	sadd.s32 $0x80, s10;
	s13 =	smov.u32 s11;
	s11 =	sadd.s32 $0x1, s11  }
0x1b1: {  	v16 =	vld [tilespmem:s10+$0x30]  }
0x1b2: {  	v17 =	vmov s13;
	v18 =	vld [tilespmem:s10+$0x20]  }
0x1b3: {  	v17 =	vand.u32 $0x3F, v17;
	v19 =	vld [tilespmem:s10+$0x10]  }
0x1b4: {  	v21 =	vadd.s32 v0, v17;
	v20 =	vld [tilespmem:s10+$0xFFFFFFC0]  }
0x1b5: {  	v23 =	vadd.s32 v1, v17;
	v22 =	vld [tilespmem:s10+$0xFFFFFFD0]  }
0x1b6: {  	v25 =	vadd.s32 v2, v17;
	v24 =	vld [tilespmem:s10+$0xFFFFFFE0]  }
0x1b7: {  	v27 =	vadd.s32 v3, v17;
	v26 =	vld [tilespmem:s10+$0xFFFFFFF0]  }
0x1b8: {  	v29 =	vadd.s32 v4, v17;
	v28 =	vld [tilespmem:s10+$0x0]  }
0x1b9: {  	[tilespmem:v21+s3+$0x0] =	vst.idx.msk $0xffff, v20;
	v20 =	vadd.s32 v5, v17  }
0x1ba: {  	v21 =	vadd.s32 v6, v17;
	[tilespmem:v23+s3+$0x0] =	vst.idx.msk $0xffff, v22  }
.Ltmp3:
0x1bb: {  	v17 =	vadd.s32 v7, v17;
	[tilespmem:v25+s3+$0x0] =	vst.idx.msk $0xffff, v24;
	(pc) =	sbr.rel @p2 .LBB2_5-.Ltmp3, $4  }
0x1bc: {  	[tilespmem:v27+s3+$0x0] =	vst.idx.msk $0xffff, v26  }
0x1bd: {  	[tilespmem:v29+s3+$0x0] =	vst.idx.msk $0xffff, v28  }
0x1be: {  	[tilespmem:v20+s3+$0x0] =	vst.idx.msk $0xffff, v19  }
0x1bf: {  	[tilespmem:v21+s3+$0x0] =	vst.idx.msk $0xffff, v18  }
0x1c0: {  	_ =	sdelay $0x3  }
0x1c1: {  	[tilespmem:v17+s3+$0x0] =	vst.idx.msk $0xffff, v16;
	s10 =	simm.s32 $0x1C540;
	s11 =	simm.s32 $0x2000;
	s19 =	simm.s32 $0xB  }
0x1c2: {  	[tilespmem:s11], [sflag:$0xE] =	stream.indirect.gather [hbm4b:s1+s16], $0x80, s10, s16, $0xb8;
	[tilespmem:$0x1C600] =	vst v63  }
0x1c3: {  	_ =	swait.ge [sflag:s19], $0x2000  }
0x1c4: {  	[sflag:s19] =	ssyncset.done $0x0  }
0x1c5: {  	s31 =	simm.s32 $0x0;
	s10 =	simm.s32 $0x4040;
	[sflag:s19] =	ssyncadd.s32 $0xFFFFE000  }
0x1c6: {  	v17 =	vmov s31;
	v16 =	vld [tilespmem:s10+$0x30]  }
0x1c7: {  	v17 =	vand.u32 $0x3F, v17;
	v18 =	vld [tilespmem:s10+$0x20]  }
0x1c8: {  	v21 =	vadd.s32 v0, v17;
	v20 =	vld [tilespmem:s10+$0xFFFFFFC0]  }
0x1c9: {  	v23 =	vadd.s32 v1, v17;
	v22 =	vld [tilespmem:s10+$0xFFFFFFD0]  }
0x1ca: {  	v25 =	vadd.s32 v2, v17;
	v24 =	vld [tilespmem:s10+$0xFFFFFFE0]  }
0x1cb: {  	v27 =	vadd.s32 v3, v17;
	v26 =	vld [tilespmem:s10+$0xFFFFFFF0]  }
0x1cc: {  	v29 =	vadd.s32 v4, v17;
	v28 =	vld [tilespmem:s10+$0x0]  }
0x1cd: {  	v62 =	vadd.s32 v5, v17;
	v19 =	vld [tilespmem:s10+$0x10];
	[tilespmem:v21+s20+$0x0] =	vst.idx.msk $0xffff, v20  }
0x1ce: {  	v63 =	vadd.s32 v6, v17;
	[tilespmem:v23+s20+$0x0] =	vst.idx.msk $0xffff, v22  }
0x1cf: {  	[tilespmem:v25+s20+$0x0] =	vst.idx.msk $0xffff, v24  }
0x1d0: {  	v17 =	vadd.s32 v7, v17;
	[tilespmem:v27+s20+$0x0] =	vst.idx.msk $0xffff, v26  }
0x1d1: {  	[tilespmem:v29+s20+$0x0] =	vst.idx.msk $0xffff, v28  }
0x1d2: {  	[tilespmem:v62+s20+$0x0] =	vst.idx.msk $0xffff, v19  }
0x1d3: {  	s11 =	simm.s32 $0x1;
	[tilespmem:v63+s20+$0x0] =	vst.idx.msk $0xffff, v18  }
.LBB2_7:
0x1d4: {  	p2 =	sne.s32 s11, $0x3F  }
0x1d5: {  	[tilespmem:v17+s20+$0x0] =	vst.idx.msk $0xffff, v16;
	s10 =	sadd.s32 $0x80, s10;
	s13 =	smov.u32 s11;
	s11 =	sadd.s32 $0x1, s11  }
0x1d6: {  	v16 =	vld [tilespmem:s10+$0x30]  }
0x1d7: {  	v17 =	vmov s13;
	v18 =	vld [tilespmem:s10+$0x20]  }
0x1d8: {  	v17 =	vand.u32 $0x3F, v17;
	v19 =	vld [tilespmem:s10+$0x10]  }
0x1d9: {  	v21 =	vadd.s32 v0, v17;
	v20 =	vld [tilespmem:s10+$0xFFFFFFC0]  }
0x1da: {  	v23 =	vadd.s32 v1, v17;
	v22 =	vld [tilespmem:s10+$0xFFFFFFD0]  }
0x1db: {  	v25 =	vadd.s32 v2, v17;
	v24 =	vld [tilespmem:s10+$0xFFFFFFE0]  }
0x1dc: {  	v27 =	vadd.s32 v3, v17;
	v26 =	vld [tilespmem:s10+$0xFFFFFFF0]  }
0x1dd: {  	v29 =	vadd.s32 v4, v17;
	v28 =	vld [tilespmem:s10+$0x0]  }
0x1de: {  	[tilespmem:v21+s20+$0x0] =	vst.idx.msk $0xffff, v20;
	v20 =	vadd.s32 v5, v17  }
0x1df: {  	v21 =	vadd.s32 v6, v17;
	[tilespmem:v23+s20+$0x0] =	vst.idx.msk $0xffff, v22  }
.Ltmp4:
0x1e0: {  	v17 =	vadd.s32 v7, v17;
	[tilespmem:v25+s20+$0x0] =	vst.idx.msk $0xffff, v24;
	(pc) =	sbr.rel @p2 .LBB2_7-.Ltmp4, $4  }
0x1e1: {  	[tilespmem:v27+s20+$0x0] =	vst.idx.msk $0xffff, v26  }
0x1e2: {  	[tilespmem:v29+s20+$0x0] =	vst.idx.msk $0xffff, v28  }
0x1e3: {  	[tilespmem:v20+s20+$0x0] =	vst.idx.msk $0xffff, v19  }
0x1e4: {  	[tilespmem:v21+s20+$0x0] =	vst.idx.msk $0xffff, v18  }
0x1e5: {  	_ =	sdelay $0x3  }
0x1e6: {  	[tilespmem:v17+s20+$0x0] =	vst.idx.msk $0xffff, v16;
	s10 =	simm.s32 $0x1C580;
	s11 =	simm.s32 $0x4000;
	s19 =	simm.s32 $0xC  }
0x1e7: {  	[tilespmem:s11], [sflag:$0xF] =	stream.indirect.gather [hbm4b:s1+s16], $0x80, s10, s16, $0xb8;
	[tilespmem:$0x1C600] =	vst v63  }
0x1e8: {  	_ =	swait.ge [sflag:s19], $0x2000  }
0x1e9: {  	[sflag:s19] =	ssyncset.done $0x0  }
0x1ea: {  	s31 =	simm.s32 $0x0;
	s10 =	simm.s32 $0x6040;
	[sflag:s19] =	ssyncadd.s32 $0xFFFFE000  }
0x1eb: {  	v17 =	vmov s31;
	v16 =	vld [tilespmem:s10+$0x30]  }
0x1ec: {  	v17 =	vand.u32 $0x3F, v17;
	v18 =	vld [tilespmem:s10+$0x20]  }
0x1ed: {  	v21 =	vadd.s32 v0, v17;
	v20 =	vld [tilespmem:s10+$0xFFFFFFC0]  }
0x1ee: {  	v23 =	vadd.s32 v1, v17;
	v22 =	vld [tilespmem:s10+$0xFFFFFFD0]  }
0x1ef: {  	v25 =	vadd.s32 v2, v17;
	v24 =	vld [tilespmem:s10+$0xFFFFFFE0]  }
0x1f0: {  	v27 =	vadd.s32 v3, v17;
	v26 =	vld [tilespmem:s10+$0xFFFFFFF0]  }
0x1f1: {  	v29 =	vadd.s32 v4, v17;
	v28 =	vld [tilespmem:s10+$0x0]  }
0x1f2: {  	v62 =	vadd.s32 v5, v17;
	v19 =	vld [tilespmem:s10+$0x10];
	[tilespmem:v21+s25+$0x0] =	vst.idx.msk $0xffff, v20  }
0x1f3: {  	v63 =	vadd.s32 v6, v17;
	[tilespmem:v23+s25+$0x0] =	vst.idx.msk $0xffff, v22  }
0x1f4: {  	[tilespmem:v25+s25+$0x0] =	vst.idx.msk $0xffff, v24  }
0x1f5: {  	v17 =	vadd.s32 v7, v17;
	[tilespmem:v27+s25+$0x0] =	vst.idx.msk $0xffff, v26  }
0x1f6: {  	[tilespmem:v29+s25+$0x0] =	vst.idx.msk $0xffff, v28  }
0x1f7: {  	[tilespmem:v62+s25+$0x0] =	vst.idx.msk $0xffff, v19  }
0x1f8: {  	s11 =	simm.s32 $0x1;
	[tilespmem:v63+s25+$0x0] =	vst.idx.msk $0xffff, v18  }
.LBB2_9:
0x1f9: {  	p2 =	sne.s32 s11, $0x3F  }
0x1fa: {  	[tilespmem:v17+s25+$0x0] =	vst.idx.msk $0xffff, v16;
	s10 =	sadd.s32 $0x80, s10;
	s13 =	smov.u32 s11;
	s11 =	sadd.s32 $0x1, s11  }
0x1fb: {  	v16 =	vld [tilespmem:s10+$0x30]  }
0x1fc: {  	v17 =	vmov s13;
	v18 =	vld [tilespmem:s10+$0x20]  }
0x1fd: {  	v17 =	vand.u32 $0x3F, v17;
	v19 =	vld [tilespmem:s10+$0x10]  }
0x1fe: {  	v21 =	vadd.s32 v0, v17;
	v20 =	vld [tilespmem:s10+$0xFFFFFFC0]  }
0x1ff: {  	v23 =	vadd.s32 v1, v17;
	v22 =	vld [tilespmem:s10+$0xFFFFFFD0]  }
0x200: {  	v25 =	vadd.s32 v2, v17;
	v24 =	vld [tilespmem:s10+$0xFFFFFFE0]  }
0x201: {  	v27 =	vadd.s32 v3, v17;
	v26 =	vld [tilespmem:s10+$0xFFFFFFF0]  }
0x202: {  	v29 =	vadd.s32 v4, v17;
	v28 =	vld [tilespmem:s10+$0x0]  }
0x203: {  	[tilespmem:v21+s25+$0x0] =	vst.idx.msk $0xffff, v20;
	v20 =	vadd.s32 v5, v17  }
0x204: {  	v21 =	vadd.s32 v6, v17;
	[tilespmem:v23+s25+$0x0] =	vst.idx.msk $0xffff, v22  }
.Ltmp5:
0x205: {  	v17 =	vadd.s32 v7, v17;
	[tilespmem:v25+s25+$0x0] =	vst.idx.msk $0xffff, v24;
	(pc) =	sbr.rel @p2 .LBB2_9-.Ltmp5, $4  }
0x206: {  	[tilespmem:v27+s25+$0x0] =	vst.idx.msk $0xffff, v26  }
0x207: {  	[tilespmem:v29+s25+$0x0] =	vst.idx.msk $0xffff, v28  }
0x208: {  	[tilespmem:v20+s25+$0x0] =	vst.idx.msk $0xffff, v19  }
0x209: {  	[tilespmem:v21+s25+$0x0] =	vst.idx.msk $0xffff, v18  }
0x20a: {  	_ =	sdelay $0x2  }
0x20b: {  	s10 =	simm.s32 $0x40  }
0x20c: {  	[tilespmem:v17+s25+$0x0] =	vst.idx.msk $0xffff, v16;
	s11 =	simm.s32 $0x1C5C0;
	s13 =	simm.s32 $0x6000;
	s18 =	simm.s32 $0xD  }
0x20d: {  	[tilespmem:s13], [sflag:$0x10] =	stream.indirect.gather [hbm4b:s1+s10], $0x80, s11, s10, $0xb8;
	[tilespmem:$0x1C600] =	vst v63  }
0x20e: {  	_ =	swait.ge [sflag:s18], $0x2000  }
0x20f: {  	[sflag:s18] =	ssyncset.done $0x0  }
0x210: {  	s19 =	simm.s32 $0x5;
	[sflag:s18] =	ssyncadd.s32 $0xFFFFE000  }
0x211: {  	_ =	swait.ge [sflag:s19], $0x400  }
0x212: {  	[sflag:s19] =	ssyncset.done $0x0  }
0x213: {  	s31 =	simm.s32 $0x0;
	[sflag:s19] =	ssyncadd.s32 $0xFFFFFC00  }
0x214: {  	v17 =	vmov s31;
	v16 =	vld [tilespmem:s10+$0x30]  }
0x215: {  	v17 =	vand.u32 $0x3F, v17;
	v18 =	vld [tilespmem:s10+$0x20]  }
0x216: {  	v21 =	vadd.s32 v8, v17;
	v20 =	vld [tilespmem:s10+$0xFFFFFFC0]  }
0x217: {  	v23 =	vadd.s32 v9, v17;
	v22 =	vld [tilespmem:s10+$0xFFFFFFD0]  }
0x218: {  	v25 =	vadd.s32 v10, v17;
	v24 =	vld [tilespmem:s10+$0xFFFFFFE0]  }
0x219: {  	v27 =	vadd.s32 v11, v17;
	v26 =	vld [tilespmem:s10+$0xFFFFFFF0]  }
0x21a: {  	v29 =	vadd.s32 v12, v17;
	v28 =	vld [tilespmem:s10+$0x0]  }
0x21b: {  	v62 =	vadd.s32 v13, v17;
	v19 =	vld [tilespmem:s10+$0x10];
	[tilespmem:v21+s4+$0x0] =	vst.idx.msk $0xffff, v20  }
0x21c: {  	v63 =	vadd.s32 v14, v17;
	[tilespmem:v23+s4+$0x0] =	vst.idx.msk $0xffff, v22  }
0x21d: {  	[tilespmem:v25+s4+$0x0] =	vst.idx.msk $0xffff, v24  }
0x21e: {  	v17 =	vadd.s32 v15, v17;
	[tilespmem:v27+s4+$0x0] =	vst.idx.msk $0xffff, v26  }
0x21f: {  	[tilespmem:v29+s4+$0x0] =	vst.idx.msk $0xffff, v28  }
0x220: {  	[tilespmem:v62+s4+$0x0] =	vst.idx.msk $0xffff, v19  }
0x221: {  	s11 =	simm.s32 $0x1;
	[tilespmem:v63+s4+$0x0] =	vst.idx.msk $0xffff, v18  }
.LBB2_11:
0x222: {  	p2 =	sne.s32 s11, $0x3F  }
0x223: {  	[tilespmem:v17+s4+$0x0] =	vst.idx.msk $0xffff, v16;
	s10 =	sadd.s32 $0x80, s10;
	s13 =	smov.u32 s11;
	s11 =	sadd.s32 $0x1, s11  }
0x224: {  	v16 =	vld [tilespmem:s10+$0x30]  }
0x225: {  	v17 =	vmov s13;
	v18 =	vld [tilespmem:s10+$0x20]  }
0x226: {  	v17 =	vand.u32 $0x3F, v17;
	v19 =	vld [tilespmem:s10+$0x10]  }
0x227: {  	v21 =	vadd.s32 v8, v17;
	v20 =	vld [tilespmem:s10+$0xFFFFFFC0]  }
0x228: {  	v23 =	vadd.s32 v9, v17;
	v22 =	vld [tilespmem:s10+$0xFFFFFFD0]  }
0x229: {  	v25 =	vadd.s32 v10, v17;
	v24 =	vld [tilespmem:s10+$0xFFFFFFE0]  }
0x22a: {  	v27 =	vadd.s32 v11, v17;
	v26 =	vld [tilespmem:s10+$0xFFFFFFF0]  }
0x22b: {  	v29 =	vadd.s32 v12, v17;
	v28 =	vld [tilespmem:s10+$0x0]  }
0x22c: {  	[tilespmem:v21+s4+$0x0] =	vst.idx.msk $0xffff, v20;
	v20 =	vadd.s32 v13, v17  }
0x22d: {  	v21 =	vadd.s32 v14, v17;
	[tilespmem:v23+s4+$0x0] =	vst.idx.msk $0xffff, v22  }
.Ltmp6:
0x22e: {  	v17 =	vadd.s32 v15, v17;
	[tilespmem:v25+s4+$0x0] =	vst.idx.msk $0xffff, v24;
	(pc) =	sbr.rel @p2 .LBB2_11-.Ltmp6, $4  }
0x22f: {  	[tilespmem:v27+s4+$0x0] =	vst.idx.msk $0xffff, v26  }
0x230: {  	[tilespmem:v29+s4+$0x0] =	vst.idx.msk $0xffff, v28  }
0x231: {  	[tilespmem:v20+s4+$0x0] =	vst.idx.msk $0xffff, v19  }
0x232: {  	[tilespmem:v21+s4+$0x0] =	vst.idx.msk $0xffff, v18  }
0x233: {  	_ =	sdelay $0x3  }
0x234: {  	[tilespmem:v17+s4+$0x0] =	vst.idx.msk $0xffff, v16;
	s11 =	sadd.s32 s5, s23;
	s10 =	simm.s32 $0x8000  }
0x235: {  	[hbm4b:s11+s6] =	stream.linear.scatter [tilespmem:s10], [sflag:$0x11], $0x40, $0x38;
	[tilespmem:$0x1C600] =	vst v63  }
0x236: {  	s16 =	simm.s32 $0x8048;
	s13 =	sadd.s32 $0x10, s11  }
0x237: {  	[hbm4b:s13+s6] =	stream.linear.scatter [tilespmem:s16], [sflag:$0x11], $0x40, $0x38;
	[tilespmem:$0x1C600] =	vst v63  }
0x238: {  	s18 =	simm.s32 $0x8090;
	s19 =	sadd.s32 $0x20, s11  }
0x239: {  	[hbm4b:s19+s6] =	stream.linear.scatter [tilespmem:s18], [sflag:$0x11], $0x40, $0x38;
	[tilespmem:$0x1C600] =	vst v63  }
0x23a: {  	s23 =	simm.s32 $0x80D8;
	s31 =	sadd.s32 $0x30, s11  }
0x23b: {  	[hbm4b:s31+s6] =	stream.linear.scatter [tilespmem:s23], [sflag:$0x11], $0x40, $0x38;
	[tilespmem:$0x1C600] =	vst v63  }
0x23c: {  	s13 =	simm.s32 $0x8120;
	s16 =	sadd.s32 $0x40, s11  }
0x23d: {  	[hbm4b:s16+s6] =	stream.linear.scatter [tilespmem:s13], [sflag:$0x11], $0x40, $0x38;
	[tilespmem:$0x1C600] =	vst v63  }
0x23e: {  	s10 =	simm.s32 $0x240;
	s18 =	simm.s32 $0x8168;
	s19 =	sadd.s32 $0x50, s11  }
0x23f: {  	[hbm4b:s19+s6] =	stream.linear.scatter [tilespmem:s18], [sflag:$0x11], $0x40, $0x38;
	[tilespmem:$0x1C600] =	vst v63  }
0x240: {  	s23 =	simm.s32 $0x81B0;
	s31 =	sadd.s32 $0x60, s11;
	s13 =	simm.s32 $0x81F8  }
0x241: {  	[hbm4b:s31+s6] =	stream.linear.scatter [tilespmem:s23], [sflag:$0x11], $0x40, $0x38;
	[tilespmem:$0x1C600] =	vst v63  }
0x242: {  	s16 =	sadd.s32 $0x70, s11;
	s11 =	sadd.s32 $0x4E200, s11;
	s23 =	simm.s32 $0x1200  }
.LBB2_13:
0x243: {  	[hbm4b:s16+s6] =	stream.linear.scatter [tilespmem:s13], [sflag:$0x11], $0x40, $0x38;
	[tilespmem:$0x1C600] =	vst v63  }
0x244: {  	s13 =	smov.u32 s10;
	s10 =	smov.u32 s23  }
0x245: {  	s19 =	sadd.s32 $0x900, s23;
	s10 =	sshra.s32 s10, $0x2;
	s16 =	sadd.s32 $0x8000, s13  }
0x246: {  	[hbm4b:s11+s6] =	stream.linear.scatter [tilespmem:s16], [sflag:$0x11], $0x40, $0x38;
	[tilespmem:$0x1C600] =	vst v63  }
0x247: {  	p2 =	sne.s32 s23, $0x13B00;
	s23 =	sadd.s32 $0x10, s11;
	s16 =	sadd.s32 $0x8048, s13  }
0x248: {  	[hbm4b:s23+s6] =	stream.linear.scatter [tilespmem:s16], [sflag:$0x11], $0x40, $0x38;
	[tilespmem:$0x1C600] =	vst v63  }
0x249: {  	s16 =	sadd.s32 $0x8090, s13;
	s23 =	sadd.s32 $0x20, s11  }
0x24a: {  	[hbm4b:s23+s6] =	stream.linear.scatter [tilespmem:s16], [sflag:$0x11], $0x40, $0x38;
	[tilespmem:$0x1C600] =	vst v63  }
0x24b: {  	s16 =	sadd.s32 $0x80D8, s13;
	s23 =	sadd.s32 $0x30, s11  }
0x24c: {  	[hbm4b:s23+s6] =	stream.linear.scatter [tilespmem:s16], [sflag:$0x11], $0x40, $0x38;
	[tilespmem:$0x1C600] =	vst v63  }
0x24d: {  	s16 =	sadd.s32 $0x8120, s13;
	s23 =	sadd.s32 $0x40, s11  }
0x24e: {  	[hbm4b:s23+s6] =	stream.linear.scatter [tilespmem:s16], [sflag:$0x11], $0x40, $0x38;
	[tilespmem:$0x1C600] =	vst v63  }
.Ltmp7:
0x24f: {  	s16 =	sadd.s32 $0x8168, s13;
	s23 =	sadd.s32 $0x50, s11;
	(pc) =	sbr.rel @p2 .LBB2_13-.Ltmp7, $4  }
0x250: {  	[hbm4b:s23+s6] =	stream.linear.scatter [tilespmem:s16], [sflag:$0x11], $0x40, $0x38;
	[tilespmem:$0x1C600] =	vst v63  }
0x251: {  	s16 =	sadd.s32 $0x81B0, s13;
	s23 =	sadd.s32 $0x60, s11;
	s13 =	sadd.s32 $0x81F8, s13  }
0x252: {  	[hbm4b:s23+s6] =	stream.linear.scatter [tilespmem:s16], [sflag:$0x11], $0x40, $0x38;
	[tilespmem:$0x1C600] =	vst v63  }
0x253: {  	s16 =	sadd.s32 $0x70, s11;
	s11 =	sadd.s32 $0x4E200, s11;
	s23 =	smov.u32 s19  }
0x254: {  	[hbm4b:s16+s6] =	stream.linear.scatter [tilespmem:s13], [sflag:$0x11], $0x40, $0x38;
	[tilespmem:$0x1C600] =	vst v63  }
0x255: {  	s16 =	sadd.s32 $0x8000, s10  }
0x256: {  	[hbm4b:s11+s6] =	stream.linear.scatter [tilespmem:s16], [sflag:$0x11], $0x40, $0x38;
	[tilespmem:$0x1C600] =	vst v63  }
0x257: {  	s18 =	sadd.s32 $0x8048, s10;
	s19 =	sadd.s32 $0x10, s11  }
0x258: {  	[hbm4b:s19+s6] =	stream.linear.scatter [tilespmem:s18], [sflag:$0x11], $0x40, $0x38;
	[tilespmem:$0x1C600] =	vst v63  }
0x259: {  	s23 =	sadd.s32 $0x8090, s10;
	s31 =	sadd.s32 $0x20, s11  }
0x25a: {  	[hbm4b:s31+s6] =	stream.linear.scatter [tilespmem:s23], [sflag:$0x11], $0x40, $0x38;
	[tilespmem:$0x1C600] =	vst v63  }
0x25b: {  	s18 =	sadd.s32 $0x80D8, s10;
	s19 =	sadd.s32 $0x30, s11  }
0x25c: {  	[hbm4b:s19+s6] =	stream.linear.scatter [tilespmem:s18], [sflag:$0x11], $0x40, $0x38;
	[tilespmem:$0x1C600] =	vst v63  }
0x25d: {  	s23 =	sadd.s32 $0x8120, s10;
	s31 =	sadd.s32 $0x40, s11  }
0x25e: {  	[hbm4b:s31+s6] =	stream.linear.scatter [tilespmem:s23], [sflag:$0x11], $0x40, $0x38;
	[tilespmem:$0x1C600] =	vst v63  }
0x25f: {  	s18 =	sadd.s32 $0x8168, s10;
	s19 =	sadd.s32 $0x50, s11  }
0x260: {  	[hbm4b:s19+s6] =	stream.linear.scatter [tilespmem:s18], [sflag:$0x11], $0x40, $0x38;
	[tilespmem:$0x1C600] =	vst v63  }
0x261: {  	s23 =	sadd.s32 $0x81B0, s10;
	s31 =	sadd.s32 $0x60, s11  }
0x262: {  	[hbm4b:s31+s6] =	stream.linear.scatter [tilespmem:s23], [sflag:$0x11], $0x40, $0x38;
	[tilespmem:$0x1C600] =	vst v63  }
0x263: {  	s16 =	sadd.s32 $0x81F8, s10;
	s18 =	sadd.s32 $0x70, s11;
	s19 =	simm.s32 $0xE  }
0x264: {  	[hbm4b:s18+s6] =	stream.linear.scatter [tilespmem:s16], [sflag:$0x11], $0x40, $0x38;
	[tilespmem:$0x1C600] =	vst v63  }
0x265: {  	_ =	swait.ge [sflag:s19], $0x2000  }
0x266: {  	[sflag:s19] =	ssyncset.done $0x0  }
0x267: {  	s23 =	simm.s32 $0x6;
	[sflag:s19] =	ssyncadd.s32 $0xFFFFE000  }
0x268: {  	_ =	swait.ge [sflag:s23], $0x400  }
0x269: {  	[sflag:s23] =	ssyncset.done $0x0  }
0x26a: {  	s10 =	simm.s32 $0x2040;
	s31 =	simm.s32 $0x0;
	[sflag:s23] =	ssyncadd.s32 $0xFFFFFC00  }
0x26b: {  	v17 =	vmov s31;
	v16 =	vld [tilespmem:s10+$0x30]  }
0x26c: {  	v17 =	vand.u32 $0x3F, v17;
	v18 =	vld [tilespmem:s10+$0x20]  }
0x26d: {  	v21 =	vadd.s32 v8, v17;
	v20 =	vld [tilespmem:s10+$0xFFFFFFC0]  }
0x26e: {  	v23 =	vadd.s32 v9, v17;
	v22 =	vld [tilespmem:s10+$0xFFFFFFD0]  }
0x26f: {  	v25 =	vadd.s32 v10, v17;
	v24 =	vld [tilespmem:s10+$0xFFFFFFE0]  }
0x270: {  	v27 =	vadd.s32 v11, v17;
	v26 =	vld [tilespmem:s10+$0xFFFFFFF0]  }
0x271: {  	v29 =	vadd.s32 v12, v17;
	v28 =	vld [tilespmem:s10+$0x0]  }
0x272: {  	v62 =	vadd.s32 v13, v17;
	v19 =	vld [tilespmem:s10+$0x10];
	[tilespmem:v21+s3+$0x0] =	vst.idx.msk $0xffff, v20  }
0x273: {  	v63 =	vadd.s32 v14, v17;
	[tilespmem:v23+s3+$0x0] =	vst.idx.msk $0xffff, v22  }
0x274: {  	[tilespmem:v25+s3+$0x0] =	vst.idx.msk $0xffff, v24  }
0x275: {  	v17 =	vadd.s32 v15, v17;
	[tilespmem:v27+s3+$0x0] =	vst.idx.msk $0xffff, v26  }
0x276: {  	[tilespmem:v29+s3+$0x0] =	vst.idx.msk $0xffff, v28  }
0x277: {  	[tilespmem:v62+s3+$0x0] =	vst.idx.msk $0xffff, v19  }
0x278: {  	s11 =	simm.s32 $0x1;
	[tilespmem:v63+s3+$0x0] =	vst.idx.msk $0xffff, v18  }
.LBB2_15:
0x279: {  	p2 =	sne.s32 s11, $0x3F  }
0x27a: {  	[tilespmem:v17+s3+$0x0] =	vst.idx.msk $0xffff, v16;
	s10 =	sadd.s32 $0x80, s10;
	s13 =	smov.u32 s11;
	s11 =	sadd.s32 $0x1, s11  }
0x27b: {  	v16 =	vld [tilespmem:s10+$0x30]  }
0x27c: {  	v17 =	vmov s13;
	v18 =	vld [tilespmem:s10+$0x20]  }
0x27d: {  	v17 =	vand.u32 $0x3F, v17;
	v19 =	vld [tilespmem:s10+$0x10]  }
0x27e: {  	v21 =	vadd.s32 v8, v17;
	v20 =	vld [tilespmem:s10+$0xFFFFFFC0]  }
0x27f: {  	v23 =	vadd.s32 v9, v17;
	v22 =	vld [tilespmem:s10+$0xFFFFFFD0]  }
0x280: {  	v25 =	vadd.s32 v10, v17;
	v24 =	vld [tilespmem:s10+$0xFFFFFFE0]  }
0x281: {  	v27 =	vadd.s32 v11, v17;
	v26 =	vld [tilespmem:s10+$0xFFFFFFF0]  }
0x282: {  	v29 =	vadd.s32 v12, v17;
	v28 =	vld [tilespmem:s10+$0x0]  }
0x283: {  	[tilespmem:v21+s3+$0x0] =	vst.idx.msk $0xffff, v20;
	v20 =	vadd.s32 v13, v17  }
0x284: {  	v21 =	vadd.s32 v14, v17;
	[tilespmem:v23+s3+$0x0] =	vst.idx.msk $0xffff, v22  }
.Ltmp8:
0x285: {  	v17 =	vadd.s32 v15, v17;
	[tilespmem:v25+s3+$0x0] =	vst.idx.msk $0xffff, v24;
	(pc) =	sbr.rel @p2 .LBB2_15-.Ltmp8, $4  }
0x286: {  	[tilespmem:v27+s3+$0x0] =	vst.idx.msk $0xffff, v26  }
0x287: {  	[tilespmem:v29+s3+$0x0] =	vst.idx.msk $0xffff, v28  }
0x288: {  	[tilespmem:v20+s3+$0x0] =	vst.idx.msk $0xffff, v19  }
0x289: {  	[tilespmem:v21+s3+$0x0] =	vst.idx.msk $0xffff, v18  }
0x28a: {  	_ =	sdelay $0x3  }
0x28b: {  	[tilespmem:v17+s3+$0x0] =	vst.idx.msk $0xffff, v16;
	s11 =	sadd.s32 s5, s28;
	s10 =	simm.s32 $0xD100  }
0x28c: {  	[hbm4b:s11+s6] =	stream.linear.scatter [tilespmem:s10], [sflag:$0x12], $0x40, $0x38;
	[tilespmem:$0x1C600] =	vst v63  }
0x28d: {  	s18 =	simm.s32 $0xD148;
	s13 =	sadd.s32 $0x10, s11  }
0x28e: {  	[hbm4b:s13+s6] =	stream.linear.scatter [tilespmem:s18], [sflag:$0x12], $0x40, $0x38;
	[tilespmem:$0x1C600] =	vst v63  }
0x28f: {  	s19 =	simm.s32 $0xD190;
	s28 =	simm.s32 $0xD1D8;
	s23 =	sadd.s32 $0x20, s11  }
0x290: {  	[hbm4b:s23+s6] =	stream.linear.scatter [tilespmem:s19], [sflag:$0x12], $0x40, $0x38;
	[tilespmem:$0x1C600] =	vst v63  }
0x291: {  	s16 =	simm.s32 $0xD220;
	s31 =	sadd.s32 $0x30, s11;
	s10 =	simm.s32 $0x240  }
0x292: {  	[hbm4b:s31+s6] =	stream.linear.scatter [tilespmem:s28], [sflag:$0x12], $0x40, $0x38;
	[tilespmem:$0x1C600] =	vst v63  }
0x293: {  	s18 =	sadd.s32 $0x40, s11;
	s13 =	simm.s32 $0xD2F8;
	s19 =	simm.s32 $0xD268  }
0x294: {  	[hbm4b:s18+s6] =	stream.linear.scatter [tilespmem:s16], [sflag:$0x12], $0x40, $0x38;
	[tilespmem:$0x1C600] =	vst v63  }
0x295: {  	s23 =	sadd.s32 $0x50, s11;
	s28 =	simm.s32 $0xD2B0;
	s31 =	sadd.s32 $0x60, s11  }
0x296: {  	[hbm4b:s23+s6] =	stream.linear.scatter [tilespmem:s19], [sflag:$0x12], $0x40, $0x38;
	[tilespmem:$0x1C600] =	vst v63  }
0x297: {  	s16 =	sadd.s32 $0x70, s11;
	s11 =	sadd.s32 $0x4E200, s11;
	s23 =	simm.s32 $0x1200  }
0x298: {  	[hbm4b:s31+s6] =	stream.linear.scatter [tilespmem:s28], [sflag:$0x12], $0x40, $0x38;
	[tilespmem:$0x1C600] =	vst v63  }
.LBB2_17:
0x299: {  	[hbm4b:s16+s6] =	stream.linear.scatter [tilespmem:s13], [sflag:$0x12], $0x40, $0x38;
	[tilespmem:$0x1C600] =	vst v63  }
0x29a: {  	s13 =	smov.u32 s10;
	s10 =	smov.u32 s23  }
0x29b: {  	s19 =	sadd.s32 $0x900, s23;
	s10 =	sshra.s32 s10, $0x2;
	s16 =	sadd.s32 $0xD100, s13  }
0x29c: {  	[hbm4b:s11+s6] =	stream.linear.scatter [tilespmem:s16], [sflag:$0x12], $0x40, $0x38;
	[tilespmem:$0x1C600] =	vst v63  }
0x29d: {  	p2 =	sne.s32 s23, $0x13B00;
	s23 =	sadd.s32 $0x10, s11;
	s16 =	sadd.s32 $0xD148, s13  }
0x29e: {  	[hbm4b:s23+s6] =	stream.linear.scatter [tilespmem:s16], [sflag:$0x12], $0x40, $0x38;
	[tilespmem:$0x1C600] =	vst v63  }
0x29f: {  	s16 =	sadd.s32 $0xD190, s13;
	s23 =	sadd.s32 $0x20, s11  }
0x2a0: {  	[hbm4b:s23+s6] =	stream.linear.scatter [tilespmem:s16], [sflag:$0x12], $0x40, $0x38;
	[tilespmem:$0x1C600] =	vst v63  }
0x2a1: {  	s16 =	sadd.s32 $0xD1D8, s13;
	s23 =	sadd.s32 $0x30, s11  }
0x2a2: {  	[hbm4b:s23+s6] =	stream.linear.scatter [tilespmem:s16], [sflag:$0x12], $0x40, $0x38;
	[tilespmem:$0x1C600] =	vst v63  }
0x2a3: {  	s16 =	sadd.s32 $0xD220, s13;
	s23 =	sadd.s32 $0x40, s11  }
0x2a4: {  	[hbm4b:s23+s6] =	stream.linear.scatter [tilespmem:s16], [sflag:$0x12], $0x40, $0x38;
	[tilespmem:$0x1C600] =	vst v63  }
.Ltmp9:
0x2a5: {  	s16 =	sadd.s32 $0xD268, s13;
	s23 =	sadd.s32 $0x50, s11;
	(pc) =	sbr.rel @p2 .LBB2_17-.Ltmp9, $4  }
0x2a6: {  	[hbm4b:s23+s6] =	stream.linear.scatter [tilespmem:s16], [sflag:$0x12], $0x40, $0x38;
	[tilespmem:$0x1C600] =	vst v63  }
0x2a7: {  	s16 =	sadd.s32 $0xD2B0, s13;
	s23 =	sadd.s32 $0x60, s11;
	s13 =	sadd.s32 $0xD2F8, s13  }
0x2a8: {  	[hbm4b:s23+s6] =	stream.linear.scatter [tilespmem:s16], [sflag:$0x12], $0x40, $0x38;
	[tilespmem:$0x1C600] =	vst v63  }
0x2a9: {  	s16 =	sadd.s32 $0x70, s11;
	s11 =	sadd.s32 $0x4E200, s11;
	s23 =	smov.u32 s19  }
0x2aa: {  	[hbm4b:s16+s6] =	stream.linear.scatter [tilespmem:s13], [sflag:$0x12], $0x40, $0x38;
	[tilespmem:$0x1C600] =	vst v63  }
0x2ab: {  	s31 =	sadd.s32 $0xD100, s10  }
0x2ac: {  	[hbm4b:s11+s6] =	stream.linear.scatter [tilespmem:s31], [sflag:$0x12], $0x40, $0x38;
	[tilespmem:$0x1C600] =	vst v63  }
0x2ad: {  	s16 =	sadd.s32 $0xD148, s10;
	s18 =	sadd.s32 $0x10, s11  }
0x2ae: {  	[hbm4b:s18+s6] =	stream.linear.scatter [tilespmem:s16], [sflag:$0x12], $0x40, $0x38;
	[tilespmem:$0x1C600] =	vst v63  }
0x2af: {  	s19 =	sadd.s32 $0xD190, s10;
	s23 =	sadd.s32 $0x20, s11  }
0x2b0: {  	[hbm4b:s23+s6] =	stream.linear.scatter [tilespmem:s19], [sflag:$0x12], $0x40, $0x38;
	[tilespmem:$0x1C600] =	vst v63  }
0x2b1: {  	s28 =	sadd.s32 $0xD1D8, s10;
	s31 =	sadd.s32 $0x30, s11  }
0x2b2: {  	[hbm4b:s31+s6] =	stream.linear.scatter [tilespmem:s28], [sflag:$0x12], $0x40, $0x38;
	[tilespmem:$0x1C600] =	vst v63  }
0x2b3: {  	s16 =	sadd.s32 $0xD220, s10;
	s18 =	sadd.s32 $0x40, s11  }
0x2b4: {  	[hbm4b:s18+s6] =	stream.linear.scatter [tilespmem:s16], [sflag:$0x12], $0x40, $0x38;
	[tilespmem:$0x1C600] =	vst v63  }
0x2b5: {  	s19 =	sadd.s32 $0xD268, s10;
	s23 =	sadd.s32 $0x50, s11  }
0x2b6: {  	[hbm4b:s23+s6] =	stream.linear.scatter [tilespmem:s19], [sflag:$0x12], $0x40, $0x38;
	[tilespmem:$0x1C600] =	vst v63  }
0x2b7: {  	s28 =	sadd.s32 $0xD2B0, s10;
	s31 =	sadd.s32 $0x60, s11  }
0x2b8: {  	[hbm4b:s31+s6] =	stream.linear.scatter [tilespmem:s28], [sflag:$0x12], $0x40, $0x38;
	[tilespmem:$0x1C600] =	vst v63  }
0x2b9: {  	s18 =	sadd.s32 $0xD2F8, s10;
	s19 =	sadd.s32 $0x70, s11;
	s23 =	simm.s32 $0xF  }
0x2ba: {  	[hbm4b:s19+s6] =	stream.linear.scatter [tilespmem:s18], [sflag:$0x12], $0x40, $0x38;
	[tilespmem:$0x1C600] =	vst v63  }
0x2bb: {  	_ =	swait.ge [sflag:s23], $0x2000  }
0x2bc: {  	[sflag:s23] =	ssyncset.done $0x0  }
0x2bd: {  	s28 =	simm.s32 $0x7;
	[sflag:s23] =	ssyncadd.s32 $0xFFFFE000  }
0x2be: {  	_ =	swait.ge [sflag:s28], $0x400  }
0x2bf: {  	[sflag:s28] =	ssyncset.done $0x0  }
0x2c0: {  	s10 =	simm.s32 $0x4040;
	s31 =	simm.s32 $0x0;
	[sflag:s28] =	ssyncadd.s32 $0xFFFFFC00  }
0x2c1: {  	v17 =	vmov s31;
	v16 =	vld [tilespmem:s10+$0x30]  }
0x2c2: {  	v17 =	vand.u32 $0x3F, v17;
	v18 =	vld [tilespmem:s10+$0x20]  }
0x2c3: {  	v21 =	vadd.s32 v8, v17;
	v20 =	vld [tilespmem:s10+$0xFFFFFFC0]  }
0x2c4: {  	v23 =	vadd.s32 v9, v17;
	v22 =	vld [tilespmem:s10+$0xFFFFFFD0]  }
0x2c5: {  	v25 =	vadd.s32 v10, v17;
	v24 =	vld [tilespmem:s10+$0xFFFFFFE0]  }
0x2c6: {  	v27 =	vadd.s32 v11, v17;
	v26 =	vld [tilespmem:s10+$0xFFFFFFF0]  }
0x2c7: {  	v29 =	vadd.s32 v12, v17;
	v28 =	vld [tilespmem:s10+$0x0]  }
0x2c8: {  	v62 =	vadd.s32 v13, v17;
	v19 =	vld [tilespmem:s10+$0x10];
	[tilespmem:v21+s20+$0x0] =	vst.idx.msk $0xffff, v20  }
0x2c9: {  	v63 =	vadd.s32 v14, v17;
	[tilespmem:v23+s20+$0x0] =	vst.idx.msk $0xffff, v22  }
0x2ca: {  	[tilespmem:v25+s20+$0x0] =	vst.idx.msk $0xffff, v24  }
0x2cb: {  	v17 =	vadd.s32 v15, v17;
	[tilespmem:v27+s20+$0x0] =	vst.idx.msk $0xffff, v26  }
0x2cc: {  	[tilespmem:v29+s20+$0x0] =	vst.idx.msk $0xffff, v28  }
0x2cd: {  	[tilespmem:v62+s20+$0x0] =	vst.idx.msk $0xffff, v19  }
0x2ce: {  	s11 =	simm.s32 $0x1;
	[tilespmem:v63+s20+$0x0] =	vst.idx.msk $0xffff, v18  }
.LBB2_19:
0x2cf: {  	p2 =	sne.s32 s11, $0x3F  }
0x2d0: {  	[tilespmem:v17+s20+$0x0] =	vst.idx.msk $0xffff, v16;
	s10 =	sadd.s32 $0x80, s10;
	s13 =	smov.u32 s11;
	s11 =	sadd.s32 $0x1, s11  }
0x2d1: {  	v16 =	vld [tilespmem:s10+$0x30]  }
0x2d2: {  	v17 =	vmov s13;
	v18 =	vld [tilespmem:s10+$0x20]  }
0x2d3: {  	v17 =	vand.u32 $0x3F, v17;
	v19 =	vld [tilespmem:s10+$0x10]  }
0x2d4: {  	v21 =	vadd.s32 v8, v17;
	v20 =	vld [tilespmem:s10+$0xFFFFFFC0]  }
0x2d5: {  	v23 =	vadd.s32 v9, v17;
	v22 =	vld [tilespmem:s10+$0xFFFFFFD0]  }
0x2d6: {  	v25 =	vadd.s32 v10, v17;
	v24 =	vld [tilespmem:s10+$0xFFFFFFE0]  }
0x2d7: {  	v27 =	vadd.s32 v11, v17;
	v26 =	vld [tilespmem:s10+$0xFFFFFFF0]  }
0x2d8: {  	v29 =	vadd.s32 v12, v17;
	v28 =	vld [tilespmem:s10+$0x0]  }
0x2d9: {  	[tilespmem:v21+s20+$0x0] =	vst.idx.msk $0xffff, v20;
	v20 =	vadd.s32 v13, v17  }
0x2da: {  	v21 =	vadd.s32 v14, v17;
	[tilespmem:v23+s20+$0x0] =	vst.idx.msk $0xffff, v22  }
.Ltmp10:
0x2db: {  	v17 =	vadd.s32 v15, v17;
	[tilespmem:v25+s20+$0x0] =	vst.idx.msk $0xffff, v24;
	(pc) =	sbr.rel @p2 .LBB2_19-.Ltmp10, $4  }
0x2dc: {  	[tilespmem:v27+s20+$0x0] =	vst.idx.msk $0xffff, v26  }
0x2dd: {  	[tilespmem:v29+s20+$0x0] =	vst.idx.msk $0xffff, v28  }
0x2de: {  	[tilespmem:v20+s20+$0x0] =	vst.idx.msk $0xffff, v19  }
0x2df: {  	[tilespmem:v21+s20+$0x0] =	vst.idx.msk $0xffff, v18  }
0x2e0: {  	_ =	sdelay $0x3  }
0x2e1: {  	[tilespmem:v17+s20+$0x0] =	vst.idx.msk $0xffff, v16;
	s11 =	sadd.s32 s5, s26;
	s10 =	simm.s32 $0x12200  }
0x2e2: {  	[hbm4b:s11+s6] =	stream.linear.scatter [tilespmem:s10], [sflag:$0x13], $0x40, $0x38;
	[tilespmem:$0x1C600] =	vst v63  }
0x2e3: {  	s26 =	simm.s32 $0x12248;
	s13 =	sadd.s32 $0x10, s11  }
0x2e4: {  	[hbm4b:s13+s6] =	stream.linear.scatter [tilespmem:s26], [sflag:$0x13], $0x40, $0x38;
	[tilespmem:$0x1C600] =	vst v63  }
0x2e5: {  	s28 =	simm.s32 $0x12290;
	s18 =	simm.s32 $0x12320;
	s31 =	sadd.s32 $0x20, s11  }
0x2e6: {  	[hbm4b:s31+s6] =	stream.linear.scatter [tilespmem:s28], [sflag:$0x13], $0x40, $0x38;
	[tilespmem:$0x1C600] =	vst v63  }
0x2e7: {  	s23 =	simm.s32 $0x12368;
	s16 =	sadd.s32 $0x30, s11;
	s13 =	simm.s32 $0x122D8  }
0x2e8: {  	[hbm4b:s16+s6] =	stream.linear.scatter [tilespmem:s13], [sflag:$0x13], $0x40, $0x38;
	[tilespmem:$0x1C600] =	vst v63  }
0x2e9: {  	s19 =	sadd.s32 $0x40, s11;
	s10 =	simm.s32 $0x240;
	s26 =	sadd.s32 $0x50, s11  }
0x2ea: {  	[hbm4b:s19+s6] =	stream.linear.scatter [tilespmem:s18], [sflag:$0x13], $0x40, $0x38;
	[tilespmem:$0x1C600] =	vst v63  }
0x2eb: {  	s28 =	simm.s32 $0x123B0;
	s31 =	sadd.s32 $0x60, s11;
	s13 =	simm.s32 $0x123F8  }
0x2ec: {  	[hbm4b:s26+s6] =	stream.linear.scatter [tilespmem:s23], [sflag:$0x13], $0x40, $0x38;
	[tilespmem:$0x1C600] =	vst v63  }
0x2ed: {  	s16 =	sadd.s32 $0x70, s11;
	s11 =	sadd.s32 $0x4E200, s11;
	s23 =	simm.s32 $0x1200  }
0x2ee: {  	[hbm4b:s31+s6] =	stream.linear.scatter [tilespmem:s28], [sflag:$0x13], $0x40, $0x38;
	[tilespmem:$0x1C600] =	vst v63  }
.LBB2_21:
0x2ef: {  	[hbm4b:s16+s6] =	stream.linear.scatter [tilespmem:s13], [sflag:$0x13], $0x40, $0x38;
	[tilespmem:$0x1C600] =	vst v63  }
0x2f0: {  	s13 =	smov.u32 s10;
	s10 =	smov.u32 s23  }
0x2f1: {  	s19 =	sadd.s32 $0x900, s23;
	s10 =	sshra.s32 s10, $0x2;
	s16 =	sadd.s32 $0x12200, s13  }
0x2f2: {  	[hbm4b:s11+s6] =	stream.linear.scatter [tilespmem:s16], [sflag:$0x13], $0x40, $0x38;
	[tilespmem:$0x1C600] =	vst v63  }
0x2f3: {  	p2 =	sne.s32 s23, $0x13B00;
	s23 =	sadd.s32 $0x10, s11;
	s16 =	sadd.s32 $0x12248, s13  }
0x2f4: {  	[hbm4b:s23+s6] =	stream.linear.scatter [tilespmem:s16], [sflag:$0x13], $0x40, $0x38;
	[tilespmem:$0x1C600] =	vst v63  }
0x2f5: {  	s16 =	sadd.s32 $0x12290, s13;
	s23 =	sadd.s32 $0x20, s11  }
0x2f6: {  	[hbm4b:s23+s6] =	stream.linear.scatter [tilespmem:s16], [sflag:$0x13], $0x40, $0x38;
	[tilespmem:$0x1C600] =	vst v63  }
0x2f7: {  	s16 =	sadd.s32 $0x122D8, s13;
	s23 =	sadd.s32 $0x30, s11  }
0x2f8: {  	[hbm4b:s23+s6] =	stream.linear.scatter [tilespmem:s16], [sflag:$0x13], $0x40, $0x38;
	[tilespmem:$0x1C600] =	vst v63  }
0x2f9: {  	s16 =	sadd.s32 $0x12320, s13;
	s23 =	sadd.s32 $0x40, s11  }
0x2fa: {  	[hbm4b:s23+s6] =	stream.linear.scatter [tilespmem:s16], [sflag:$0x13], $0x40, $0x38;
	[tilespmem:$0x1C600] =	vst v63  }
.Ltmp11:
0x2fb: {  	s16 =	sadd.s32 $0x12368, s13;
	s23 =	sadd.s32 $0x50, s11;
	(pc) =	sbr.rel @p2 .LBB2_21-.Ltmp11, $4  }
0x2fc: {  	[hbm4b:s23+s6] =	stream.linear.scatter [tilespmem:s16], [sflag:$0x13], $0x40, $0x38;
	[tilespmem:$0x1C600] =	vst v63  }
0x2fd: {  	s16 =	sadd.s32 $0x123B0, s13;
	s23 =	sadd.s32 $0x60, s11;
	s13 =	sadd.s32 $0x123F8, s13  }
0x2fe: {  	[hbm4b:s23+s6] =	stream.linear.scatter [tilespmem:s16], [sflag:$0x13], $0x40, $0x38;
	[tilespmem:$0x1C600] =	vst v63  }
0x2ff: {  	s16 =	sadd.s32 $0x70, s11;
	s11 =	sadd.s32 $0x4E200, s11;
	s23 =	smov.u32 s19  }
0x300: {  	[hbm4b:s16+s6] =	stream.linear.scatter [tilespmem:s13], [sflag:$0x13], $0x40, $0x38;
	[tilespmem:$0x1C600] =	vst v63  }
0x301: {  	s19 =	sadd.s32 $0x12200, s10  }
0x302: {  	[hbm4b:s11+s6] =	stream.linear.scatter [tilespmem:s19], [sflag:$0x13], $0x40, $0x38;
	[tilespmem:$0x1C600] =	vst v63  }
0x303: {  	s23 =	sadd.s32 $0x12248, s10;
	s26 =	sadd.s32 $0x10, s11  }
0x304: {  	[hbm4b:s26+s6] =	stream.linear.scatter [tilespmem:s23], [sflag:$0x13], $0x40, $0x38;
	[tilespmem:$0x1C600] =	vst v63  }
0x305: {  	s28 =	sadd.s32 $0x12290, s10;
	s31 =	sadd.s32 $0x20, s11  }
0x306: {  	[hbm4b:s31+s6] =	stream.linear.scatter [tilespmem:s28], [sflag:$0x13], $0x40, $0x38;
	[tilespmem:$0x1C600] =	vst v63  }
0x307: {  	s18 =	sadd.s32 $0x122D8, s10;
	s19 =	sadd.s32 $0x30, s11  }
0x308: {  	[hbm4b:s19+s6] =	stream.linear.scatter [tilespmem:s18], [sflag:$0x13], $0x40, $0x38;
	[tilespmem:$0x1C600] =	vst v63  }
0x309: {  	s23 =	sadd.s32 $0x12320, s10;
	s26 =	sadd.s32 $0x40, s11  }
0x30a: {  	[hbm4b:s26+s6] =	stream.linear.scatter [tilespmem:s23], [sflag:$0x13], $0x40, $0x38;
	[tilespmem:$0x1C600] =	vst v63  }
0x30b: {  	s28 =	sadd.s32 $0x12368, s10;
	s31 =	sadd.s32 $0x50, s11  }
0x30c: {  	[hbm4b:s31+s6] =	stream.linear.scatter [tilespmem:s28], [sflag:$0x13], $0x40, $0x38;
	[tilespmem:$0x1C600] =	vst v63  }
0x30d: {  	s16 =	sadd.s32 $0x123B0, s10;
	s18 =	sadd.s32 $0x60, s11  }
0x30e: {  	[hbm4b:s18+s6] =	stream.linear.scatter [tilespmem:s16], [sflag:$0x13], $0x40, $0x38;
	[tilespmem:$0x1C600] =	vst v63  }
0x30f: {  	s19 =	sadd.s32 $0x123F8, s10;
	s23 =	sadd.s32 $0x70, s11;
	s26 =	simm.s32 $0x10  }
0x310: {  	[hbm4b:s23+s6] =	stream.linear.scatter [tilespmem:s19], [sflag:$0x13], $0x40, $0x38;
	[tilespmem:$0x1C600] =	vst v63  }
0x311: {  	_ =	swait.ge [sflag:s26], $0x2000  }
0x312: {  	[sflag:s26] =	ssyncset.done $0x0  }
0x313: {  	s28 =	simm.s32 $0x8;
	[sflag:s26] =	ssyncadd.s32 $0xFFFFE000  }
0x314: {  	_ =	swait.ge [sflag:s28], $0x400  }
0x315: {  	[sflag:s28] =	ssyncset.done $0x0  }
0x316: {  	s10 =	simm.s32 $0x6040;
	s31 =	simm.s32 $0x0;
	[sflag:s28] =	ssyncadd.s32 $0xFFFFFC00  }
0x317: {  	v17 =	vmov s31;
	v16 =	vld [tilespmem:s10+$0x30]  }
0x318: {  	v17 =	vand.u32 $0x3F, v17;
	v18 =	vld [tilespmem:s10+$0x20]  }
0x319: {  	v21 =	vadd.s32 v8, v17;
	v20 =	vld [tilespmem:s10+$0xFFFFFFC0]  }
0x31a: {  	v23 =	vadd.s32 v9, v17;
	v22 =	vld [tilespmem:s10+$0xFFFFFFD0]  }
0x31b: {  	v25 =	vadd.s32 v10, v17;
	v24 =	vld [tilespmem:s10+$0xFFFFFFE0]  }
0x31c: {  	v27 =	vadd.s32 v11, v17;
	v26 =	vld [tilespmem:s10+$0xFFFFFFF0]  }
0x31d: {  	v29 =	vadd.s32 v12, v17;
	v28 =	vld [tilespmem:s10+$0x0]  }
0x31e: {  	v62 =	vadd.s32 v13, v17;
	v19 =	vld [tilespmem:s10+$0x10];
	[tilespmem:v21+s25+$0x0] =	vst.idx.msk $0xffff, v20  }
0x31f: {  	v63 =	vadd.s32 v14, v17;
	[tilespmem:v23+s25+$0x0] =	vst.idx.msk $0xffff, v22  }
0x320: {  	[tilespmem:v25+s25+$0x0] =	vst.idx.msk $0xffff, v24  }
0x321: {  	v17 =	vadd.s32 v15, v17;
	[tilespmem:v27+s25+$0x0] =	vst.idx.msk $0xffff, v26  }
0x322: {  	[tilespmem:v29+s25+$0x0] =	vst.idx.msk $0xffff, v28  }
0x323: {  	[tilespmem:v62+s25+$0x0] =	vst.idx.msk $0xffff, v19  }
0x324: {  	s11 =	simm.s32 $0x1;
	[tilespmem:v63+s25+$0x0] =	vst.idx.msk $0xffff, v18  }
.LBB2_23:
0x325: {  	p2 =	sne.s32 s11, $0x3F  }
0x326: {  	[tilespmem:v17+s25+$0x0] =	vst.idx.msk $0xffff, v16;
	s10 =	sadd.s32 $0x80, s10;
	s13 =	smov.u32 s11;
	s11 =	sadd.s32 $0x1, s11  }
0x327: {  	v16 =	vld [tilespmem:s10+$0x30]  }
0x328: {  	v17 =	vmov s13;
	v18 =	vld [tilespmem:s10+$0x20]  }
0x329: {  	v17 =	vand.u32 $0x3F, v17;
	v19 =	vld [tilespmem:s10+$0x10]  }
0x32a: {  	v21 =	vadd.s32 v8, v17;
	v20 =	vld [tilespmem:s10+$0xFFFFFFC0]  }
0x32b: {  	v23 =	vadd.s32 v9, v17;
	v22 =	vld [tilespmem:s10+$0xFFFFFFD0]  }
0x32c: {  	v25 =	vadd.s32 v10, v17;
	v24 =	vld [tilespmem:s10+$0xFFFFFFE0]  }
0x32d: {  	v27 =	vadd.s32 v11, v17;
	v26 =	vld [tilespmem:s10+$0xFFFFFFF0]  }
0x32e: {  	v29 =	vadd.s32 v12, v17;
	v28 =	vld [tilespmem:s10+$0x0]  }
0x32f: {  	[tilespmem:v21+s25+$0x0] =	vst.idx.msk $0xffff, v20;
	v20 =	vadd.s32 v13, v17  }
0x330: {  	v21 =	vadd.s32 v14, v17;
	[tilespmem:v23+s25+$0x0] =	vst.idx.msk $0xffff, v22  }
.Ltmp12:
0x331: {  	v17 =	vadd.s32 v15, v17;
	[tilespmem:v25+s25+$0x0] =	vst.idx.msk $0xffff, v24;
	(pc) =	sbr.rel @p2 .LBB2_23-.Ltmp12, $4  }
0x332: {  	[tilespmem:v27+s25+$0x0] =	vst.idx.msk $0xffff, v26  }
0x333: {  	[tilespmem:v29+s25+$0x0] =	vst.idx.msk $0xffff, v28  }
0x334: {  	[tilespmem:v20+s25+$0x0] =	vst.idx.msk $0xffff, v19  }
0x335: {  	[tilespmem:v21+s25+$0x0] =	vst.idx.msk $0xffff, v18  }
0x336: {  	_ =	sdelay $0x3  }
0x337: {  	[tilespmem:v17+s25+$0x0] =	vst.idx.msk $0xffff, v16;
	s10 =	sadd.s32 s5, s0;
	s23 =	simm.s32 $0x17300  }
0x338: {  	[hbm4b:s10+s6] =	stream.linear.scatter [tilespmem:s23], [sflag:$0x14], $0x40, $0x38;
	[tilespmem:$0x1C600] =	vst v63  }
0x339: {  	s26 =	simm.s32 $0x17348;
	s11 =	sadd.s32 $0x10, s10  }
0x33a: {  	[hbm4b:s11+s6] =	stream.linear.scatter [tilespmem:s26], [sflag:$0x14], $0x40, $0x38;
	[tilespmem:$0x1C600] =	vst v63  }
0x33b: {  	s28 =	simm.s32 $0x17390;
	s13 =	simm.s32 $0x173D8;
	s31 =	sadd.s32 $0x20, s10  }
0x33c: {  	[hbm4b:s31+s6] =	stream.linear.scatter [tilespmem:s28], [sflag:$0x14], $0x40, $0x38;
	[tilespmem:$0x1C600] =	vst v63  }
0x33d: {  	s18 =	simm.s32 $0x17420;
	s0 =	simm.s32 $0x240;
	s16 =	sadd.s32 $0x30, s10  }
0x33e: {  	[hbm4b:s16+s6] =	stream.linear.scatter [tilespmem:s13], [sflag:$0x14], $0x40, $0x38;
	[tilespmem:$0x1C600] =	vst v63  }
0x33f: {  	s19 =	sadd.s32 $0x40, s10;
	s23 =	simm.s32 $0x17468;
	s26 =	sadd.s32 $0x50, s10  }
0x340: {  	[hbm4b:s19+s6] =	stream.linear.scatter [tilespmem:s18], [sflag:$0x14], $0x40, $0x38;
	[tilespmem:$0x1C600] =	vst v63  }
0x341: {  	s11 =	simm.s32 $0x1200;
	s28 =	simm.s32 $0x174B0;
	s31 =	sadd.s32 $0x60, s10  }
0x342: {  	[hbm4b:s26+s6] =	stream.linear.scatter [tilespmem:s23], [sflag:$0x14], $0x40, $0x38;
	[tilespmem:$0x1C600] =	vst v63  }
0x343: {  	s13 =	simm.s32 $0x174F8;
	s16 =	sadd.s32 $0x70, s10;
	s10 =	sadd.s32 $0x4E200, s10  }
0x344: {  	[hbm4b:s31+s6] =	stream.linear.scatter [tilespmem:s28], [sflag:$0x14], $0x40, $0x38;
	[tilespmem:$0x1C600] =	vst v63  }
.LBB2_25:
0x345: {  	[hbm4b:s16+s6] =	stream.linear.scatter [tilespmem:s13], [sflag:$0x14], $0x40, $0x38;
	[tilespmem:$0x1C600] =	vst v63  }
0x346: {  	s13 =	smov.u32 s0;
	s0 =	smov.u32 s11  }
0x347: {  	s19 =	sadd.s32 $0x900, s11;
	s0 =	sshra.s32 s0, $0x2;
	s16 =	sadd.s32 $0x17300, s13  }
0x348: {  	[hbm4b:s10+s6] =	stream.linear.scatter [tilespmem:s16], [sflag:$0x14], $0x40, $0x38;
	[tilespmem:$0x1C600] =	vst v63  }
0x349: {  	p2 =	sne.s32 s11, $0x13B00;
	s11 =	sadd.s32 $0x17348, s13;
	s16 =	sadd.s32 $0x10, s10  }
0x34a: {  	[hbm4b:s16+s6] =	stream.linear.scatter [tilespmem:s11], [sflag:$0x14], $0x40, $0x38;
	[tilespmem:$0x1C600] =	vst v63  }
0x34b: {  	s11 =	sadd.s32 $0x17390, s13;
	s16 =	sadd.s32 $0x20, s10  }
0x34c: {  	[hbm4b:s16+s6] =	stream.linear.scatter [tilespmem:s11], [sflag:$0x14], $0x40, $0x38;
	[tilespmem:$0x1C600] =	vst v63  }
0x34d: {  	s11 =	sadd.s32 $0x173D8, s13;
	s16 =	sadd.s32 $0x30, s10  }
0x34e: {  	[hbm4b:s16+s6] =	stream.linear.scatter [tilespmem:s11], [sflag:$0x14], $0x40, $0x38;
	[tilespmem:$0x1C600] =	vst v63  }
0x34f: {  	s11 =	sadd.s32 $0x17420, s13;
	s16 =	sadd.s32 $0x40, s10  }
0x350: {  	[hbm4b:s16+s6] =	stream.linear.scatter [tilespmem:s11], [sflag:$0x14], $0x40, $0x38;
	[tilespmem:$0x1C600] =	vst v63  }
.Ltmp13:
0x351: {  	s11 =	sadd.s32 $0x17468, s13;
	s16 =	sadd.s32 $0x50, s10;
	(pc) =	sbr.rel @p2 .LBB2_25-.Ltmp13, $4  }
0x352: {  	[hbm4b:s16+s6] =	stream.linear.scatter [tilespmem:s11], [sflag:$0x14], $0x40, $0x38;
	[tilespmem:$0x1C600] =	vst v63  }
0x353: {  	s11 =	sadd.s32 $0x174B0, s13;
	s16 =	sadd.s32 $0x60, s10;
	s13 =	sadd.s32 $0x174F8, s13  }
0x354: {  	[hbm4b:s16+s6] =	stream.linear.scatter [tilespmem:s11], [sflag:$0x14], $0x40, $0x38;
	[tilespmem:$0x1C600] =	vst v63  }
0x355: {  	s16 =	sadd.s32 $0x70, s10;
	s10 =	sadd.s32 $0x4E200, s10;
	s11 =	smov.u32 s19  }
0x356: {  	[hbm4b:s16+s6] =	stream.linear.scatter [tilespmem:s13], [sflag:$0x14], $0x40, $0x38;
	[tilespmem:$0x1C600] =	vst v63  }
0x357: {  	s11 =	sadd.s32 $0x17300, s0  }
0x358: {  	[hbm4b:s10+s6] =	stream.linear.scatter [tilespmem:s11], [sflag:$0x14], $0x40, $0x38;
	[tilespmem:$0x1C600] =	vst v63  }
0x359: {  	s18 =	sadd.s32 $0x17348, s0;
	s19 =	sadd.s32 $0x10, s10  }
0x35a: {  	[hbm4b:s19+s6] =	stream.linear.scatter [tilespmem:s18], [sflag:$0x14], $0x40, $0x38;
	[tilespmem:$0x1C600] =	vst v63  }
0x35b: {  	s23 =	sadd.s32 $0x17390, s0;
	s26 =	sadd.s32 $0x20, s10  }
0x35c: {  	[hbm4b:s26+s6] =	stream.linear.scatter [tilespmem:s23], [sflag:$0x14], $0x40, $0x38;
	[tilespmem:$0x1C600] =	vst v63  }
0x35d: {  	s28 =	sadd.s32 $0x173D8, s0;
	s31 =	sadd.s32 $0x30, s10  }
0x35e: {  	[hbm4b:s31+s6] =	stream.linear.scatter [tilespmem:s28], [sflag:$0x14], $0x40, $0x38;
	[tilespmem:$0x1C600] =	vst v63  }
0x35f: {  	s13 =	sadd.s32 $0x17420, s0;
	s16 =	sadd.s32 $0x40, s10;
	s24 =	sadd.s32 $0x1, s24  }
0x360: {  	[hbm4b:s16+s6] =	stream.linear.scatter [tilespmem:s13], [sflag:$0x14], $0x40, $0x38;
	[tilespmem:$0x1C600] =	vst v63  }
0x361: {  	p2 =	sne.s32 s24, $0x27;
	s18 =	sadd.s32 $0x17468, s0;
	s19 =	sadd.s32 $0x50, s10  }
0x362: {  	[hbm4b:s19+s6] =	stream.linear.scatter [tilespmem:s18], [sflag:$0x14], $0x40, $0x38;
	[tilespmem:$0x1C600] =	vst v63  }
.Ltmp14:
0x363: {  	_ = 	snop;
	(pc) =	sbr.rel @p2 .LBB2_2-.Ltmp14, $4  }
0x364: {  	s23 =	sadd.s32 $0x174B0, s0;
	s26 =	sadd.s32 $0x60, s10  }
0x365: {  	[hbm4b:s26+s6] =	stream.linear.scatter [tilespmem:s23], [sflag:$0x14], $0x40, $0x38;
	[tilespmem:$0x1C600] =	vst v63  }
0x366: {  	s28 =	sadd.s32 $0x174F8, s0;
	s31 =	sadd.s32 $0x70, s10  }
0x367: {  	[hbm4b:s31+s6] =	stream.linear.scatter [tilespmem:s28], [sflag:$0x14], $0x40, $0x38;
	[tilespmem:$0x1C600] =	vst v63  }
.Ltmp15:
0x368: {  	(pc) =	sbr.rel @p1 .LBB2_35-.Ltmp15, $2  }
0x369: {  	_ =	sdelay $0x2  }
0x36a: {  	s11 =	rddreg [dreg:$0x1b]  }
0x36b: {  	s0 =	simm.s32 $0x11  }
0x36c: {  	_ =	swait.ge [sflag:s0], $0x4800  }
0x36d: {  	[sflag:s0] =	ssyncset.done $0x0  }
0x36e: {  	s10 =	simm.s32 $0x0;
	s26 =	rddreg [dreg:$0x7];
	[sflag:s0] =	ssyncadd.s32 $0xFFFFB800  }
0x36f: {  	[tilespmem:s14], [sflag:$0x1] =	stream.linear.gather [hbm4b:s26+s10], $0x40, $0x38;
	[tilespmem:$0x1C600] =	vst v63  }
0x370: {  	s28 =	rddreg [dreg:$0x8]  }
0x371: {  	[tilespmem:s15], [sflag:$0x1] =	stream.linear.gather [hbm4b:s28+s10], $0x40, $0x38;
	[tilespmem:$0x1C600] =	vst v63  }
0x372: {  	s11 =	rddreg [dreg:$0x9]  }
0x373: {  	[tilespmem:s4], [sflag:$0x5] =	stream.linear.gather [hbm4b:s11+s10], $0x40, $0x38;
	[tilespmem:$0x1C600] =	vst v63  }
0x374: {  	s29 =	sadd.s32 $0x10, s11  }
0x375: {  	[tilespmem:s17], [sflag:$0x5] =	stream.linear.gather [hbm4b:s29+s10], $0x40, $0x38;
	[tilespmem:$0x1C600] =	vst v63  }
0x376: {  	s13 =	simm.s32 $0x8090;
	s31 =	sadd.s32 $0x20, s11  }
0x377: {  	[tilespmem:s13], [sflag:$0x5] =	stream.linear.gather [hbm4b:s31+s10], $0x40, $0x38;
	[tilespmem:$0x1C600] =	vst v63  }
0x378: {  	s13 =	sadd.s32 $0x30, s11  }
0x379: {  	[tilespmem:s22], [sflag:$0x5] =	stream.linear.gather [hbm4b:s13+s10], $0x40, $0x38;
	[tilespmem:$0x1C600] =	vst v63  }
0x37a: {  	s16 =	sadd.s32 $0x40, s11;
	s17 =	simm.s32 $0x8120  }
0x37b: {  	[tilespmem:s17], [sflag:$0x5] =	stream.linear.gather [hbm4b:s16+s10], $0x40, $0x38;
	[tilespmem:$0x1C600] =	vst v63  }
0x37c: {  	s19 =	simm.s32 $0x8168;
	s18 =	sadd.s32 $0x50, s11  }
0x37d: {  	[tilespmem:s19], [sflag:$0x5] =	stream.linear.gather [hbm4b:s18+s10], $0x40, $0x38;
	[tilespmem:$0x1C600] =	vst v63  }
0x37e: {  	s23 =	simm.s32 $0x81B0;
	s22 =	sadd.s32 $0x60, s11  }
0x37f: {  	[tilespmem:s23], [sflag:$0x5] =	stream.linear.gather [hbm4b:s22+s10], $0x40, $0x38;
	[tilespmem:$0x1C600] =	vst v63  }
0x380: {  	s24 =	sadd.s32 $0x70, s11;
	s26 =	simm.s32 $0x81F8  }
0x381: {  	[tilespmem:s26], [sflag:$0x5] =	stream.linear.gather [hbm4b:s24+s10], $0x40, $0x38;
	[tilespmem:$0x1C600] =	vst v63  }
0x382: {  	s0 =	sadd.s32 $0x4E200, s11;
	s28 =	simm.s32 $0x8240  }
0x383: {  	[tilespmem:s28], [sflag:$0x5] =	stream.linear.gather [hbm4b:s0+s10], $0x40, $0x38;
	[tilespmem:$0x1C600] =	vst v63  }
0x384: {  	s29 =	sadd.s32 $0x10, s0;
	s31 =	simm.s32 $0x8288  }
0x385: {  	[tilespmem:s31], [sflag:$0x5] =	stream.linear.gather [hbm4b:s29+s10], $0x40, $0x38;
	[tilespmem:$0x1C600] =	vst v63  }
0x386: {  	s13 =	sadd.s32 $0x20, s0;
	s16 =	simm.s32 $0x82D0  }
0x387: {  	[tilespmem:s16], [sflag:$0x5] =	stream.linear.gather [hbm4b:s13+s10], $0x40, $0x38;
	[tilespmem:$0x1C600] =	vst v63  }
0x388: {  	s17 =	sadd.s32 $0x30, s0;
	s18 =	simm.s32 $0x8318  }
0x389: {  	[tilespmem:s18], [sflag:$0x5] =	stream.linear.gather [hbm4b:s17+s10], $0x40, $0x38;
	[tilespmem:$0x1C600] =	vst v63  }
0x38a: {  	s19 =	sadd.s32 $0x40, s0;
	s22 =	simm.s32 $0x8360  }
0x38b: {  	[tilespmem:s22], [sflag:$0x5] =	stream.linear.gather [hbm4b:s19+s10], $0x40, $0x38;
	[tilespmem:$0x1C600] =	vst v63  }
0x38c: {  	s23 =	sadd.s32 $0x50, s0;
	s24 =	simm.s32 $0x83A8  }
0x38d: {  	[tilespmem:s24], [sflag:$0x5] =	stream.linear.gather [hbm4b:s23+s10], $0x40, $0x38;
	[tilespmem:$0x1C600] =	vst v63  }
0x38e: {  	s26 =	sadd.s32 $0x60, s0;
	s28 =	simm.s32 $0x83F0  }
0x38f: {  	[tilespmem:s28], [sflag:$0x5] =	stream.linear.gather [hbm4b:s26+s10], $0x40, $0x38;
	[tilespmem:$0x1C600] =	vst v63  }
0x390: {  	s0 =	sadd.s32 $0x70, s0;
	s29 =	simm.s32 $0x8438  }
0x391: {  	[tilespmem:s29], [sflag:$0x5] =	stream.linear.gather [hbm4b:s0+s10], $0x40, $0x38;
	[tilespmem:$0x1C600] =	vst v63  }
0x392: {  	_ =	swait.ge [sflag:s12], $0x40  }
0x393: {  	[sflag:s12] =	ssyncset.done $0x0  }
0x394: {  	[sflag:s12] =	ssyncadd.s32 $0xFFFFFFC0  }
0x395: {  	_ =	swait.ge [sflag:s12], $0x40  }
0x396: {  	[sflag:s12] =	ssyncset.done $0x0  }
0x397: {  	s31 =	simm.s32 $0x9;
	s0 =	simm.s32 $0x40;
	[sflag:s12] =	ssyncadd.s32 $0xFFFFFFC0  }
0x398: {  	[tilespmem:s10], [sflag:$0x9] =	stream.indirect.gather [hbm4b:s1+s0], $0x80, s14, s0, $0xb8;
	[tilespmem:$0x1C600] =	vst v63  }
0x399: {  	_ =	swait.ge [sflag:s31], $0x2000  }
0x39a: {  	[sflag:s31] =	ssyncset.done $0x0  }
0x39b: {  	[sflag:s31] =	ssyncadd.s32 $0xFFFFE000  }
0x39c: {  	v17 =	vmov s10;
	v16 =	vld [tilespmem:s0+$0x30]  }
0x39d: {  	v17 =	vand.u32 $0x3F, v17;
	v18 =	vld [tilespmem:s0+$0x20]  }
0x39e: {  	v21 =	vadd.s32 v0, v17;
	v20 =	vld [tilespmem:s0+$0xFFFFFFC0]  }
0x39f: {  	v23 =	vadd.s32 v1, v17;
	v22 =	vld [tilespmem:s0+$0xFFFFFFD0]  }
0x3a0: {  	v25 =	vadd.s32 v2, v17;
	v24 =	vld [tilespmem:s0+$0xFFFFFFE0]  }
0x3a1: {  	v27 =	vadd.s32 v3, v17;
	v26 =	vld [tilespmem:s0+$0xFFFFFFF0]  }
0x3a2: {  	v29 =	vadd.s32 v4, v17;
	v28 =	vld [tilespmem:s0+$0x0]  }
0x3a3: {  	v62 =	vadd.s32 v5, v17;
	v19 =	vld [tilespmem:s0+$0x10];
	[tilespmem:v21+s4+$0x0] =	vst.idx.msk $0xffff, v20  }
0x3a4: {  	v63 =	vadd.s32 v6, v17;
	[tilespmem:v23+s4+$0x0] =	vst.idx.msk $0xffff, v22  }
0x3a5: {  	[tilespmem:v25+s4+$0x0] =	vst.idx.msk $0xffff, v24  }
0x3a6: {  	v17 =	vadd.s32 v7, v17;
	[tilespmem:v27+s4+$0x0] =	vst.idx.msk $0xffff, v26  }
0x3a7: {  	[tilespmem:v29+s4+$0x0] =	vst.idx.msk $0xffff, v28  }
0x3a8: {  	[tilespmem:v62+s4+$0x0] =	vst.idx.msk $0xffff, v19  }
0x3a9: {  	s10 =	simm.s32 $0x1;
	[tilespmem:v63+s4+$0x0] =	vst.idx.msk $0xffff, v18  }
.LBB2_29:
0x3aa: {  	p2 =	sne.s32 s10, $0x3F  }
0x3ab: {  	[tilespmem:v17+s4+$0x0] =	vst.idx.msk $0xffff, v16;
	s0 =	sadd.s32 $0x80, s0;
	s11 =	smov.u32 s10;
	s10 =	sadd.s32 $0x1, s10  }
0x3ac: {  	v16 =	vld [tilespmem:s0+$0x30]  }
0x3ad: {  	v17 =	vmov s11;
	v18 =	vld [tilespmem:s0+$0x20]  }
0x3ae: {  	v17 =	vand.u32 $0x3F, v17;
	v19 =	vld [tilespmem:s0+$0x10]  }
0x3af: {  	v21 =	vadd.s32 v0, v17;
	v20 =	vld [tilespmem:s0+$0xFFFFFFC0]  }
0x3b0: {  	v23 =	vadd.s32 v1, v17;
	v22 =	vld [tilespmem:s0+$0xFFFFFFD0]  }
0x3b1: {  	v25 =	vadd.s32 v2, v17;
	v24 =	vld [tilespmem:s0+$0xFFFFFFE0]  }
0x3b2: {  	v27 =	vadd.s32 v3, v17;
	v26 =	vld [tilespmem:s0+$0xFFFFFFF0]  }
0x3b3: {  	v29 =	vadd.s32 v4, v17;
	v28 =	vld [tilespmem:s0+$0x0]  }
0x3b4: {  	[tilespmem:v21+s4+$0x0] =	vst.idx.msk $0xffff, v20;
	v20 =	vadd.s32 v5, v17  }
0x3b5: {  	v21 =	vadd.s32 v6, v17;
	[tilespmem:v23+s4+$0x0] =	vst.idx.msk $0xffff, v22  }
.Ltmp16:
0x3b6: {  	v17 =	vadd.s32 v7, v17;
	[tilespmem:v25+s4+$0x0] =	vst.idx.msk $0xffff, v24;
	(pc) =	sbr.rel @p2 .LBB2_29-.Ltmp16, $4  }
0x3b7: {  	[tilespmem:v27+s4+$0x0] =	vst.idx.msk $0xffff, v26  }
0x3b8: {  	[tilespmem:v29+s4+$0x0] =	vst.idx.msk $0xffff, v28  }
0x3b9: {  	[tilespmem:v20+s4+$0x0] =	vst.idx.msk $0xffff, v19  }
0x3ba: {  	[tilespmem:v21+s4+$0x0] =	vst.idx.msk $0xffff, v18  }
0x3bb: {  	_ =	sdelay $0x3  }
0x3bc: {  	[tilespmem:v17+s4+$0x0] =	vst.idx.msk $0xffff, v16;
	s0 =	simm.s32 $0x40;
	s10 =	simm.s32 $0x0;
	s11 =	simm.s32 $0xD  }
0x3bd: {  	[tilespmem:s10], [sflag:$0xD] =	stream.indirect.gather [hbm4b:s1+s0], $0x80, s15, s0, $0xb8;
	[tilespmem:$0x1C600] =	vst v63  }
0x3be: {  	_ =	swait.ge [sflag:s11], $0x2000  }
0x3bf: {  	[sflag:s11] =	ssyncset.done $0x0  }
0x3c0: {  	s31 =	simm.s32 $0x5;
	[sflag:s11] =	ssyncadd.s32 $0xFFFFE000  }
0x3c1: {  	_ =	swait.ge [sflag:s31], $0x400  }
0x3c2: {  	[sflag:s31] =	ssyncset.done $0x0  }
0x3c3: {  	[sflag:s31] =	ssyncadd.s32 $0xFFFFFC00  }
0x3c4: {  	v17 =	vmov s10;
	v16 =	vld [tilespmem:s0+$0x30]  }
0x3c5: {  	v17 =	vand.u32 $0x3F, v17;
	v18 =	vld [tilespmem:s0+$0x20]  }
0x3c6: {  	v21 =	vadd.s32 v8, v17;
	v20 =	vld [tilespmem:s0+$0xFFFFFFC0]  }
0x3c7: {  	v23 =	vadd.s32 v9, v17;
	v22 =	vld [tilespmem:s0+$0xFFFFFFD0]  }
0x3c8: {  	v25 =	vadd.s32 v10, v17;
	v24 =	vld [tilespmem:s0+$0xFFFFFFE0]  }
0x3c9: {  	v27 =	vadd.s32 v11, v17;
	v26 =	vld [tilespmem:s0+$0xFFFFFFF0]  }
0x3ca: {  	v29 =	vadd.s32 v12, v17;
	v28 =	vld [tilespmem:s0+$0x0]  }
0x3cb: {  	v62 =	vadd.s32 v13, v17;
	v19 =	vld [tilespmem:s0+$0x10];
	[tilespmem:v21+s4+$0x0] =	vst.idx.msk $0xffff, v20  }
0x3cc: {  	v63 =	vadd.s32 v14, v17;
	[tilespmem:v23+s4+$0x0] =	vst.idx.msk $0xffff, v22  }
0x3cd: {  	[tilespmem:v25+s4+$0x0] =	vst.idx.msk $0xffff, v24  }
0x3ce: {  	v17 =	vadd.s32 v15, v17;
	[tilespmem:v27+s4+$0x0] =	vst.idx.msk $0xffff, v26  }
0x3cf: {  	[tilespmem:v29+s4+$0x0] =	vst.idx.msk $0xffff, v28  }
0x3d0: {  	[tilespmem:v62+s4+$0x0] =	vst.idx.msk $0xffff, v19  }
0x3d1: {  	s10 =	simm.s32 $0x1;
	[tilespmem:v63+s4+$0x0] =	vst.idx.msk $0xffff, v18  }
.LBB2_31:
0x3d2: {  	p2 =	sne.s32 s10, $0x3F  }
0x3d3: {  	[tilespmem:v17+s4+$0x0] =	vst.idx.msk $0xffff, v16;
	s0 =	sadd.s32 $0x80, s0;
	s11 =	smov.u32 s10;
	s10 =	sadd.s32 $0x1, s10  }
0x3d4: {  	v16 =	vld [tilespmem:s0+$0x30]  }
0x3d5: {  	v17 =	vmov s11;
	v18 =	vld [tilespmem:s0+$0x20]  }
0x3d6: {  	v17 =	vand.u32 $0x3F, v17;
	v19 =	vld [tilespmem:s0+$0x10]  }
0x3d7: {  	v21 =	vadd.s32 v8, v17;
	v20 =	vld [tilespmem:s0+$0xFFFFFFC0]  }
0x3d8: {  	v23 =	vadd.s32 v9, v17;
	v22 =	vld [tilespmem:s0+$0xFFFFFFD0]  }
0x3d9: {  	v25 =	vadd.s32 v10, v17;
	v24 =	vld [tilespmem:s0+$0xFFFFFFE0]  }
0x3da: {  	v27 =	vadd.s32 v11, v17;
	v26 =	vld [tilespmem:s0+$0xFFFFFFF0]  }
0x3db: {  	v29 =	vadd.s32 v12, v17;
	v28 =	vld [tilespmem:s0+$0x0]  }
0x3dc: {  	[tilespmem:v21+s4+$0x0] =	vst.idx.msk $0xffff, v20;
	v20 =	vadd.s32 v13, v17  }
0x3dd: {  	v21 =	vadd.s32 v14, v17;
	[tilespmem:v23+s4+$0x0] =	vst.idx.msk $0xffff, v22  }
.Ltmp17:
0x3de: {  	v17 =	vadd.s32 v15, v17;
	[tilespmem:v25+s4+$0x0] =	vst.idx.msk $0xffff, v24;
	(pc) =	sbr.rel @p2 .LBB2_31-.Ltmp17, $4  }
0x3df: {  	[tilespmem:v27+s4+$0x0] =	vst.idx.msk $0xffff, v26  }
0x3e0: {  	[tilespmem:v29+s4+$0x0] =	vst.idx.msk $0xffff, v28  }
0x3e1: {  	[tilespmem:v20+s4+$0x0] =	vst.idx.msk $0xffff, v19  }
0x3e2: {  	[tilespmem:v21+s4+$0x0] =	vst.idx.msk $0xffff, v18  }
0x3e3: {  	_ =	sdelay $0x3  }
0x3e4: {  	[tilespmem:v17+s4+$0x0] =	vst.idx.msk $0xffff, v16;
	s0 =	simm.s32 $0x8000;
	s19 =	rddreg [dreg:$0xa]  }
0x3e5: {  	[hbm4b:s19+s6] =	stream.linear.scatter [tilespmem:s0], [sflag:$0x11], $0x40, $0x38;
	[tilespmem:$0x1C600] =	vst v63  }
0x3e6: {  	s15 =	simm.s32 $0x8048;
	s10 =	sadd.s32 $0x10, s19  }
0x3e7: {  	[hbm4b:s10+s6] =	stream.linear.scatter [tilespmem:s15], [sflag:$0x11], $0x40, $0x38;
	[tilespmem:$0x1C600] =	vst v63  }
0x3e8: {  	s16 =	simm.s32 $0x8090;
	s18 =	simm.s32 $0x80D8;
	s17 =	sadd.s32 $0x20, s19  }
0x3e9: {  	[hbm4b:s17+s6] =	stream.linear.scatter [tilespmem:s16], [sflag:$0x11], $0x40, $0x38;
	[tilespmem:$0x1C600] =	vst v63  }
0x3ea: {  	s23 =	simm.s32 $0x8120;
	s26 =	simm.s32 $0x8168;
	s22 =	sadd.s32 $0x30, s19  }
0x3eb: {  	[hbm4b:s22+s6] =	stream.linear.scatter [tilespmem:s18], [sflag:$0x11], $0x40, $0x38;
	[tilespmem:$0x1C600] =	vst v63  }
0x3ec: {  	s29 =	simm.s32 $0x81B0;
	s11 =	simm.s32 $0x1200;
	s24 =	sadd.s32 $0x40, s19  }
0x3ed: {  	[hbm4b:s24+s6] =	stream.linear.scatter [tilespmem:s23], [sflag:$0x11], $0x40, $0x38;
	[tilespmem:$0x1C600] =	vst v63  }
0x3ee: {  	s13 =	simm.s32 $0x81F8;
	s28 =	sadd.s32 $0x50, s19;
	s31 =	sadd.s32 $0x60, s19  }
0x3ef: {  	[hbm4b:s28+s6] =	stream.linear.scatter [tilespmem:s26], [sflag:$0x11], $0x40, $0x38;
	[tilespmem:$0x1C600] =	vst v63  }
0x3f0: {  	s0 =	simm.s32 $0x240;
	s10 =	sadd.s32 $0x4E200, s19;
	s16 =	sadd.s32 $0x70, s19  }
0x3f1: {  	[hbm4b:s31+s6] =	stream.linear.scatter [tilespmem:s29], [sflag:$0x11], $0x40, $0x38;
	[tilespmem:$0x1C600] =	vst v63  }
.LBB2_33:
0x3f2: {  	[hbm4b:s16+s6] =	stream.linear.scatter [tilespmem:s13], [sflag:$0x11], $0x40, $0x38;
	[tilespmem:$0x1C600] =	vst v63  }
0x3f3: {  	s13 =	smov.u32 s0;
	s0 =	smov.u32 s11  }
0x3f4: {  	s19 =	sadd.s32 $0x900, s11;
	s0 =	sshra.s32 s0, $0x2;
	s16 =	sadd.s32 $0x8000, s13  }
0x3f5: {  	[hbm4b:s10+s6] =	stream.linear.scatter [tilespmem:s16], [sflag:$0x11], $0x40, $0x38;
	[tilespmem:$0x1C600] =	vst v63  }
0x3f6: {  	p2 =	sne.s32 s11, $0x13B00;
	s11 =	sadd.s32 $0x8048, s13;
	s16 =	sadd.s32 $0x10, s10  }
0x3f7: {  	[hbm4b:s16+s6] =	stream.linear.scatter [tilespmem:s11], [sflag:$0x11], $0x40, $0x38;
	[tilespmem:$0x1C600] =	vst v63  }
0x3f8: {  	s11 =	sadd.s32 $0x8090, s13;
	s16 =	sadd.s32 $0x20, s10  }
0x3f9: {  	[hbm4b:s16+s6] =	stream.linear.scatter [tilespmem:s11], [sflag:$0x11], $0x40, $0x38;
	[tilespmem:$0x1C600] =	vst v63  }
0x3fa: {  	s11 =	sadd.s32 $0x80D8, s13;
	s16 =	sadd.s32 $0x30, s10  }
0x3fb: {  	[hbm4b:s16+s6] =	stream.linear.scatter [tilespmem:s11], [sflag:$0x11], $0x40, $0x38;
	[tilespmem:$0x1C600] =	vst v63  }
0x3fc: {  	s11 =	sadd.s32 $0x8120, s13;
	s16 =	sadd.s32 $0x40, s10  }
0x3fd: {  	[hbm4b:s16+s6] =	stream.linear.scatter [tilespmem:s11], [sflag:$0x11], $0x40, $0x38;
	[tilespmem:$0x1C600] =	vst v63  }
.Ltmp18:
0x3fe: {  	s11 =	sadd.s32 $0x8168, s13;
	s16 =	sadd.s32 $0x50, s10;
	(pc) =	sbr.rel @p2 .LBB2_33-.Ltmp18, $4  }
0x3ff: {  	[hbm4b:s16+s6] =	stream.linear.scatter [tilespmem:s11], [sflag:$0x11], $0x40, $0x38;
	[tilespmem:$0x1C600] =	vst v63  }
0x400: {  	s11 =	sadd.s32 $0x81B0, s13;
	s16 =	sadd.s32 $0x60, s10;
	s13 =	sadd.s32 $0x81F8, s13  }
0x401: {  	[hbm4b:s16+s6] =	stream.linear.scatter [tilespmem:s11], [sflag:$0x11], $0x40, $0x38;
	[tilespmem:$0x1C600] =	vst v63  }
0x402: {  	s16 =	sadd.s32 $0x70, s10;
	s10 =	sadd.s32 $0x4E200, s10;
	s11 =	smov.u32 s19  }
0x403: {  	[hbm4b:s16+s6] =	stream.linear.scatter [tilespmem:s13], [sflag:$0x11], $0x40, $0x38;
	[tilespmem:$0x1C600] =	vst v63  }
0x404: {  	s11 =	sadd.s32 $0x8000, s0  }
0x405: {  	[hbm4b:s10+s6] =	stream.linear.scatter [tilespmem:s11], [sflag:$0x11], $0x40, $0x38;
	[tilespmem:$0x1C600] =	vst v63  }
0x406: {  	s13 =	sadd.s32 $0x8048, s0;
	s14 =	sadd.s32 $0x10, s10  }
0x407: {  	[hbm4b:s14+s6] =	stream.linear.scatter [tilespmem:s13], [sflag:$0x11], $0x40, $0x38;
	[tilespmem:$0x1C600] =	vst v63  }
0x408: {  	s15 =	sadd.s32 $0x8090, s0;
	s16 =	sadd.s32 $0x20, s10  }
0x409: {  	[hbm4b:s16+s6] =	stream.linear.scatter [tilespmem:s15], [sflag:$0x11], $0x40, $0x38;
	[tilespmem:$0x1C600] =	vst v63  }
0x40a: {  	s17 =	sadd.s32 $0x80D8, s0;
	s18 =	sadd.s32 $0x30, s10  }
0x40b: {  	[hbm4b:s18+s6] =	stream.linear.scatter [tilespmem:s17], [sflag:$0x11], $0x40, $0x38;
	[tilespmem:$0x1C600] =	vst v63  }
0x40c: {  	s19 =	sadd.s32 $0x8120, s0;
	s22 =	sadd.s32 $0x40, s10  }
0x40d: {  	[hbm4b:s22+s6] =	stream.linear.scatter [tilespmem:s19], [sflag:$0x11], $0x40, $0x38;
	[tilespmem:$0x1C600] =	vst v63  }
0x40e: {  	s23 =	sadd.s32 $0x8168, s0;
	s24 =	sadd.s32 $0x50, s10  }
0x40f: {  	[hbm4b:s24+s6] =	stream.linear.scatter [tilespmem:s23], [sflag:$0x11], $0x40, $0x38;
	[tilespmem:$0x1C600] =	vst v63  }
.Ltmp19:
0x410: {  	_ = 	snop;
	(pc) =	sbr.rel .LBB2_35-.Ltmp19, $4  }
0x411: {  	s26 =	sadd.s32 $0x81B0, s0;
	s28 =	sadd.s32 $0x60, s10  }
0x412: {  	[hbm4b:s28+s6] =	stream.linear.scatter [tilespmem:s26], [sflag:$0x11], $0x40, $0x38;
	[tilespmem:$0x1C600] =	vst v63  }
0x413: {  	s29 =	sadd.s32 $0x81F8, s0;
	s31 =	sadd.s32 $0x70, s10;
	s11 =	rddreg [dreg:$0x1b]  }
0x414: {  	[hbm4b:s31+s6] =	stream.linear.scatter [tilespmem:s29], [sflag:$0x11], $0x40, $0x38;
	[tilespmem:$0x1C600] =	vst v63  }
.LBB2_36:
0x415: {  	_ =	sfence.sel $0x180000  }
0x416: {  	[bflag:$0x0] =	sbarrier.arrive $0xFFFF  }
0x417: {  	_ =	strace $0x90000047  }
0x418: {  	s0 =	stileid.u32;
	[bflag:$0x2] =	sbarrier.arrive $0xFFFF  }
0x419: {  	p0 =	sne.s32 s0, $0x0;
	s0 =	rddreg [dreg:$0x4]  }
0x41a: {  	s0 =	sadd.s32 @!p0 $0x100000, s0  }
0x41b: {  	[sflag:s0] =	ssyncadd.tile.s32 @!p0 $0x1;
	_ =	shalt  }
.Lfunc_end2:
_tile_overlayer_lowered:
.L_overlay_start_2:
0x41c: {  	(tag) =	ssettag $0x2  }
0x41d: {  	s0 =	rddreg [dreg:$0x0];
	s2 =	stileid.u32  }
0x41e: {  	s1 =	rddreg [dreg:$0x1];
	p0 =	sne.s32 s2, $0x0  }
0x41f: {  	s3 =	rddreg [dreg:$0x2];
	[bflag:$0x3] =	sbarrier.arrive $0xFFFF;
	s2 =	simm.s32 @!p0 $0x1C15  }
0x420: {  	[timem:s3], [sflag:s2] =	dma.local @!p0 [hbm:s0], s1  }
0x421: {  	s0 =	simm.s32 @!p0 $0x15  }
0x422: {  	_ =	swait.ge @!p0 [sflag:s0], s1  }
0x423: {  	s1 =	ssub.s32 @!p0 $0x0, s1;
	[sflag:s0] =	ssyncset.done @!p0 $0x0  }
0x424: {  	[sflag:s0] =	ssyncadd.s32 @!p0 s1  }
0x425: {  	[bflag:$0x3] =	sbarrier.arrive $0xFFFF  }
0x426: {  	_ =	shalt  }

</sc_bundles>
